<compile_context>
chip_gen: v7x
topology: tpu7x:2x2x1
jax: 0.10.2.dev20260603
libtpu: 0.0.44.dev20260713+nightly
codegen_flags: <defaults>
</compile_context>

<pallas_src>
import functools

import jax
import jax.numpy as jnp
from jax import lax
from jax.experimental import pallas as pl
from jax.experimental.pallas import tpu as pltpu
from jax.experimental.pallas import tpu_sc as plsc

HIDDEN = 256
NUM_EMB_ROWS = 95
NUM_ROWS = 100000
CHUNK = 200
NCHUNKS = NUM_ROWS // CHUNK
NC, NS = 2, 16
NW = NC * NS
ITERS_W = -(-NCHUNKS // NW)

_mesh = plsc.VectorSubcoreMesh(core_axis_name="c", subcore_axis_name="s")


@functools.partial(
    pl.kernel,
    out_type=jax.ShapeDtypeStruct((NUM_ROWS, HIDDEN), jnp.float32),
    mesh=_mesh,
    scratch_types=[
        pltpu.VMEM((CHUNK,), jnp.int32),
        pltpu.VMEM((CHUNK,), jnp.int32),
        pltpu.VMEM((CHUNK, HIDDEN), jnp.float32),
        pltpu.VMEM((CHUNK, HIDDEN), jnp.float32),
        pltpu.SemaphoreType.DMA,
        pltpu.SemaphoreType.DMA,
        pltpu.SemaphoreType.DMA,
        pltpu.SemaphoreType.DMA,
    ],
)
def _emb_lookup(x_hbm, tab_hbm, out_hbm, idx0, idx1, rows0, rows1,
                g0, g1, s0, s1):
    wid = lax.axis_index("s") * NC + lax.axis_index("c")
    idx = (idx0, idx1)
    rows = (rows0, rows1)
    gsem = (g0, g1)
    ssem = (s0, s1)

    def start_gather(j):
        b = j & 1
        base = (wid + j * NW) * CHUNK
        pltpu.sync_copy(x_hbm.at[pl.ds(base, CHUNK)], idx[b])
        return pltpu.async_copy(tab_hbm.at[idx[b]], rows[b], gsem[b])

    def start_store(j):
        b = j & 1
        base = (wid + j * NW) * CHUNK
        return pltpu.async_copy(rows[b], out_hbm.at[pl.ds(base, CHUNK)], ssem[b])

    gd = [None] * ITERS_W
    sd = [None] * ITERS_W
    for j in range(ITERS_W - 1):
        if j >= 2:
            sd[j - 2].wait()
        gd[j] = start_gather(j)
        if j >= 1:
            gd[j - 1].wait()
            sd[j - 1] = start_store(j - 1)

    last = ITERS_W - 1
    gd[last - 1].wait()
    sd[last - 1] = start_store(last - 1)
    sd[last - 2].wait()

    @pl.when(wid + last * NW < NCHUNKS)
    def _():
        start_gather(last).wait()
        start_store(last).wait()

    sd[last - 1].wait()


def kernel(x, emb_weight):
    copy_id = (jnp.arange(NUM_ROWS, dtype=jnp.int32) // CHUNK) % NW
    x_adj = x.astype(jnp.int32) + NUM_EMB_ROWS * copy_id
    tab_rep = jnp.tile(emb_weight, (NW, 1))
    return _emb_lookup(x_adj, tab_rep)

# --- scband reference (transcript-rebuilt; emitter-appended) ---
"""Pipeline reference for scband-embedding-block-31525059952835 (READ-ONLY COPY).

The authoritative reference and input builder live on the scoring server;
editing this copy changes nothing except your own understanding.
"""

import jax, jax.numpy as jnp
import numpy as np

HIDDEN_CHANNELS = 256
NUM_EMB = 95
N_NODES = 100000


def setup_inputs(seed: int = 0) -> dict:
    key = jax.random.key(seed)
    k1, k2 = jax.random.split(key)
    x = jax.random.randint(k1, (N_NODES,), 0, NUM_EMB)
    # _weight = 3 / sqrt(hidden_channels) * randn((95, hidden_channels))
    emb_weight = (3.0 / np.sqrt(HIDDEN_CHANNELS)) * jax.random.normal(
        k2, (NUM_EMB, HIDDEN_CHANNELS), dtype=jnp.float32
    )
    return {"x": x, "emb_weight": emb_weight}


def reference(x, emb_weight):
    # forward: x = self.emb(x); return x
    return jnp.take(emb_weight, x, axis=0)

if __name__ == "__main__":
    import jax
    _d = setup_inputs()
    print(jax.jit(kernel)(*tuple(_d.values())))

</pallas_src>

<mosaic_0001>
#map = affine_map<(d0, d1) -> (0)>
#map1 = affine_map<(d0, d1) -> (0, 0)>
module attributes {stable_mosaic.version = 14 : i64} {
  func.func @_emb_lookup(%arg0: i32, %arg1: i32, %arg2: memref<100000xi32, #tpu.memory_space<hbm>>, %arg3: memref<3040x256xf32, #tpu.memory_space<hbm>>, %arg4: memref<100000x256xf32, #tpu.memory_space<hbm>>, %arg5: memref<200xi32, #tpu.memory_space<vmem>>, %arg6: memref<200xi32, #tpu.memory_space<vmem>>, %arg7: memref<200x256xf32, #tpu.memory_space<vmem>>, %arg8: memref<200x256xf32, #tpu.memory_space<vmem>>, %arg9: memref<!tpu.dma_semaphore, #tpu.memory_space<semaphore_mem>>, %arg10: memref<!tpu.dma_semaphore, #tpu.memory_space<semaphore_mem>>, %arg11: memref<!tpu.dma_semaphore, #tpu.memory_space<semaphore_mem>>, %arg12: memref<!tpu.dma_semaphore, #tpu.memory_space<semaphore_mem>>) attributes {dimension_semantics = [#tpu.dimension_semantics<core_parallel>, #tpu.dimension_semantics<subcore_parallel>], iteration_bounds = array<i64: 2, 16>, scalar_prefetch = 0 : i64, scratch_operands = 8 : i64, tpu.core_type = #tpu.core_type<sc_vector_subcore>, window_params = [{transform_indices = #map}, {transform_indices = #map1}, {transform_indices = #map1}]} {
    %mul3A = arith.constant 2 : i32
    %mul3A_0 = arith.muli %arg1, %mul3A : i32
    %add3A = arith.addi %mul3A_0, %arg0 : i32
    %add3A_1 = arith.constant 0 : i32
    %add3A_2 = arith.addi %add3A, %add3A_1 : i32
    %mul3A_3 = arith.constant 200 : i32
    %mul3A_4 = arith.muli %add3A_2, %mul3A_3 : i32
    "tpu.region"() ({
      %run_scoped3A = tpu.sem_alloc : memref<!tpu.dma_semaphore, #tpu.memory_space<semaphore_mem>>
      %dma_start3A_333 = tpu.memref_slice %arg2[%mul3A_4] : memref<100000xi32, #tpu.memory_space<hbm>> -> memref<200xi32, #tpu.memory_space<hbm>>
      %dma_start3A_334 = tpu.memref_slice %arg2[%mul3A_4] : memref<100000xi32, #tpu.memory_space<hbm>> -> memref<200xi32, #tpu.memory_space<hbm>>
      tpu.enqueue_dma source(%dma_start3A_334 : memref<200xi32, #tpu.memory_space<hbm>>) target(%arg5 : memref<200xi32, #tpu.memory_space<vmem>>) target_semaphore(%run_scoped3A : memref<!tpu.dma_semaphore, #tpu.memory_space<semaphore_mem>>)
      %dma_wait3A_335 = tpu.memref_slice %arg2[%mul3A_4] : memref<100000xi32, #tpu.memory_space<hbm>> -> memref<200xi32, #tpu.memory_space<hbm>>
      %dma_wait3A_336 = tpu.memref_slice %arg2[%mul3A_4] : memref<100000xi32, #tpu.memory_space<hbm>> -> memref<200xi32, #tpu.memory_space<hbm>>
      tpu.wait_dma2 semaphore(%run_scoped3A : memref<!tpu.dma_semaphore, #tpu.memory_space<semaphore_mem>>) src(%dma_wait3A_336 : memref<200xi32, #tpu.memory_space<hbm>>) dst(%arg5 : memref<200xi32, #tpu.memory_space<vmem>>)
      tpu.yield
    }) : () -> ()
    %dma_start3A = arith.constant 0 : i32
    %dma_start3A_5 = arith.constant 0 : i32
    %dma_start3A_6 = tpu.memref_slice %arg3[%dma_start3A, %dma_start3A_5] : memref<3040x256xf32, #tpu.memory_space<hbm>> -> memref<3040x256xf32, #tpu.memory_space<hbm>>
    tpu.enqueue_indirect_dma source(%dma_start3A_6 : memref<3040x256xf32, #tpu.memory_space<hbm>>) target(%arg7 : memref<200x256xf32, #tpu.memory_space<vmem>>) offsets(%arg5 : memref<200xi32, #tpu.memory_space<vmem>>) semaphore(%arg9 : memref<!tpu.dma_semaphore, #tpu.memory_space<semaphore_mem>>)
    %add3A_7 = arith.constant 32 : i32
    %add3A_8 = arith.addi %add3A, %add3A_7 : i32
    %mul3A_9 = arith.constant 200 : i32
    %mul3A_10 = arith.muli %add3A_8, %mul3A_9 : i32
    "tpu.region"() ({
      %run_scoped3A = tpu.sem_alloc : memref<!tpu.dma_semaphore, #tpu.memory_space<semaphore_mem>>
      %dma_start3A_333 = tpu.memref_slice %arg2[%mul3A_10] : memref<100000xi32, #tpu.memory_space<hbm>> -> memref<200xi32, #tpu.memory_space<hbm>>
      %dma_start3A_334 = tpu.memref_slice %arg2[%mul3A_10] : memref<100000xi32, #tpu.memory_space<hbm>> -> memref<200xi32, #tpu.memory_space<hbm>>
      tpu.enqueue_dma source(%dma_start3A_334 : memref<200xi32, #tpu.memory_space<hbm>>) target(%arg6 : memref<200xi32, #tpu.memory_space<vmem>>) target_semaphore(%run_scoped3A : memref<!tpu.dma_semaphore, #tpu.memory_space<semaphore_mem>>)
      %dma_wait3A_335 = tpu.memref_slice %arg2[%mul3A_10] : memref<100000xi32, #tpu.memory_space<hbm>> -> memref<200xi32, #tpu.memory_space<hbm>>
      %dma_wait3A_336 = tpu.memref_slice %arg2[%mul3A_10] : memref<100000xi32, #tpu.memory_space<hbm>> -> memref<200xi32, #tpu.memory_space<hbm>>
      tpu.wait_dma2 semaphore(%run_scoped3A : memref<!tpu.dma_semaphore, #tpu.memory_space<semaphore_mem>>) src(%dma_wait3A_336 : memref<200xi32, #tpu.memory_space<hbm>>) dst(%arg6 : memref<200xi32, #tpu.memory_space<vmem>>)
      tpu.yield
    }) : () -> ()
    %dma_start3A_11 = arith.constant 0 : i32
    %dma_start3A_12 = arith.constant 0 : i32
    %dma_start3A_13 = tpu.memref_slice %arg3[%dma_start3A_11, %dma_start3A_12] : memref<3040x256xf32, #tpu.memory_space<hbm>> -> memref<3040x256xf32, #tpu.memory_space<hbm>>
    tpu.enqueue_indirect_dma source(%dma_start3A_13 : memref<3040x256xf32, #tpu.memory_space<hbm>>) target(%arg8 : memref<200x256xf32, #tpu.memory_space<vmem>>) offsets(%arg6 : memref<200xi32, #tpu.memory_space<vmem>>) semaphore(%arg10 : memref<!tpu.dma_semaphore, #tpu.memory_space<semaphore_mem>>)
    %dma_wait3A = arith.constant 0 : i32
    %dma_wait3A_14 = arith.constant 0 : i32
    %dma_wait3A_15 = tpu.memref_slice %arg3[%dma_wait3A, %dma_wait3A_14] : memref<3040x256xf32, #tpu.memory_space<hbm>> -> memref<3040x256xf32, #tpu.memory_space<hbm>>
    tpu.wait_indirect_dma semaphore(%arg9 : memref<!tpu.dma_semaphore, #tpu.memory_space<semaphore_mem>>) src(%dma_wait3A_15 : memref<3040x256xf32, #tpu.memory_space<hbm>>) dst(%arg7 : memref<200x256xf32, #tpu.memory_space<vmem>>)
    %add3A_16 = arith.constant 0 : i32
    %add3A_17 = arith.addi %add3A, %add3A_16 : i32
    %mul3A_18 = arith.constant 200 : i32
    %mul3A_19 = arith.muli %add3A_17, %mul3A_18 : i32
    %dma_start3A_20 = arith.constant 0 : i32
    %dma_start3A_21 = tpu.memref_slice %arg4[%mul3A_19, %dma_start3A_20] : memref<100000x256xf32, #tpu.memory_space<hbm>> -> memref<200x256xf32, #tpu.memory_space<hbm>>
    %dma_start3A_22 = arith.constant 0 : i32
    %dma_start3A_23 = tpu.memref_slice %arg4[%mul3A_19, %dma_start3A_22] : memref<100000x256xf32, #tpu.memory_space<hbm>> -> memref<200x256xf32, #tpu.memory_space<hbm>>
    tpu.enqueue_dma source(%arg7 : memref<200x256xf32, #tpu.memory_space<vmem>>) target(%dma_start3A_23 : memref<200x256xf32, #tpu.memory_space<hbm>>) target_semaphore(%arg11 : memref<!tpu.dma_semaphore, #tpu.memory_space<semaphore_mem>>)
    %dma_wait3A_24 = arith.constant 0 : i32
    %dma_wait3A_25 = tpu.memref_slice %arg4[%mul3A_19, %dma_wait3A_24] : memref<100000x256xf32, #tpu.memory_space<hbm>> -> memref<200x256xf32, #tpu.memory_space<hbm>>
    %dma_wait3A_26 = arith.constant 0 : i32
    %dma_wait3A_27 = tpu.memref_slice %arg4[%mul3A_19, %dma_wait3A_26] : memref<100000x256xf32, #tpu.memory_space<hbm>> -> memref<200x256xf32, #tpu.memory_space<hbm>>
    tpu.wait_dma2 semaphore(%arg11 : memref<!tpu.dma_semaphore, #tpu.memory_space<semaphore_mem>>) src(%arg7 : memref<200x256xf32, #tpu.memory_space<vmem>>) dst(%dma_wait3A_27 : memref<200x256xf32, #tpu.memory_space<hbm>>)
    %add3A_28 = arith.constant 64 : i32
    %add3A_29 = arith.addi %add3A, %add3A_28 : i32
    %mul3A_30 = arith.constant 200 : i32
    %mul3A_31 = arith.muli %add3A_29, %mul3A_30 : i32
    "tpu.region"() ({
      %run_scoped3A = tpu.sem_alloc : memref<!tpu.dma_semaphore, #tpu.memory_space<semaphore_mem>>
      %dma_start3A_333 = tpu.memref_slice %arg2[%mul3A_31] : memref<100000xi32, #tpu.memory_space<hbm>> -> memref<200xi32, #tpu.memory_space<hbm>>
      %dma_start3A_334 = tpu.memref_slice %arg2[%mul3A_31] : memref<100000xi32, #tpu.memory_space<hbm>> -> memref<200xi32, #tpu.memory_space<hbm>>
      tpu.enqueue_dma source(%dma_start3A_334 : memref<200xi32, #tpu.memory_space<hbm>>) target(%arg5 : memref<200xi32, #tpu.memory_space<vmem>>) target_semaphore(%run_scoped3A : memref<!tpu.dma_semaphore, #tpu.memory_space<semaphore_mem>>)
      %dma_wait3A_335 = tpu.memref_slice %arg2[%mul3A_31] : memref<100000xi32, #tpu.memory_space<hbm>> -> memref<200xi32, #tpu.memory_space<hbm>>
      %dma_wait3A_336 = tpu.memref_slice %arg2[%mul3A_31] : memref<100000xi32, #tpu.memory_space<hbm>> -> memref<200xi32, #tpu.memory_space<hbm>>
      tpu.wait_dma2 semaphore(%run_scoped3A : memref<!tpu.dma_semaphore, #tpu.memory_space<semaphore_mem>>) src(%dma_wait3A_336 : memref<200xi32, #tpu.memory_space<hbm>>) dst(%arg5 : memref<200xi32, #tpu.memory_space<vmem>>)
      tpu.yield
    }) : () -> ()
    %dma_start3A_32 = arith.constant 0 : i32
    %dma_start3A_33 = arith.constant 0 : i32
    %dma_start3A_34 = tpu.memref_slice %arg3[%dma_start3A_32, %dma_start3A_33] : memref<3040x256xf32, #tpu.memory_space<hbm>> -> memref<3040x256xf32, #tpu.memory_space<hbm>>
    tpu.enqueue_indirect_dma source(%dma_start3A_34 : memref<3040x256xf32, #tpu.memory_space<hbm>>) target(%arg7 : memref<200x256xf32, #tpu.memory_space<vmem>>) offsets(%arg5 : memref<200xi32, #tpu.memory_space<vmem>>) semaphore(%arg9 : memref<!tpu.dma_semaphore, #tpu.memory_space<semaphore_mem>>)
    %dma_wait3A_35 = arith.constant 0 : i32
    %dma_wait3A_36 = arith.constant 0 : i32
    %dma_wait3A_37 = tpu.memref_slice %arg3[%dma_wait3A_35, %dma_wait3A_36] : memref<3040x256xf32, #tpu.memory_space<hbm>> -> memref<3040x256xf32, #tpu.memory_space<hbm>>
    tpu.wait_indirect_dma semaphore(%arg10 : memref<!tpu.dma_semaphore, #tpu.memory_space<semaphore_mem>>) src(%dma_wait3A_37 : memref<3040x256xf32, #tpu.memory_space<hbm>>) dst(%arg8 : memref<200x256xf32, #tpu.memory_space<vmem>>)
    %add3A_38 = arith.constant 32 : i32
    %add3A_39 = arith.addi %add3A, %add3A_38 : i32
    %mul3A_40 = arith.constant 200 : i32
    %mul3A_41 = arith.muli %add3A_39, %mul3A_40 : i32
    %dma_start3A_42 = arith.constant 0 : i32
    %dma_start3A_43 = tpu.memref_slice %arg4[%mul3A_41, %dma_start3A_42] : memref<100000x256xf32, #tpu.memory_space<hbm>> -> memref<200x256xf32, #tpu.memory_space<hbm>>
    %dma_start3A_44 = arith.constant 0 : i32
    %dma_start3A_45 = tpu.memref_slice %arg4[%mul3A_41, %dma_start3A_44] : memref<100000x256xf32, #tpu.memory_space<hbm>> -> memref<200x256xf32, #tpu.memory_space<hbm>>
    tpu.enqueue_dma source(%arg8 : memref<200x256xf32, #tpu.memory_space<vmem>>) target(%dma_start3A_45 : memref<200x256xf32, #tpu.memory_space<hbm>>) target_semaphore(%arg12 : memref<!tpu.dma_semaphore, #tpu.memory_space<semaphore_mem>>)
    %dma_wait3A_46 = arith.constant 0 : i32
    %dma_wait3A_47 = tpu.memref_slice %arg4[%mul3A_41, %dma_wait3A_46] : memref<100000x256xf32, #tpu.memory_space<hbm>> -> memref<200x256xf32, #tpu.memory_space<hbm>>
    %dma_wait3A_48 = arith.constant 0 : i32
    %dma_wait3A_49 = tpu.memref_slice %arg4[%mul3A_41, %dma_wait3A_48] : memref<100000x256xf32, #tpu.memory_space<hbm>> -> memref<200x256xf32, #tpu.memory_space<hbm>>
    tpu.wait_dma2 semaphore(%arg12 : memref<!tpu.dma_semaphore, #tpu.memory_space<semaphore_mem>>) src(%arg8 : memref<200x256xf32, #tpu.memory_space<vmem>>) dst(%dma_wait3A_49 : memref<200x256xf32, #tpu.memory_space<hbm>>)
    %add3A_50 = arith.constant 96 : i32
    %add3A_51 = arith.addi %add3A, %add3A_50 : i32
    %mul3A_52 = arith.constant 200 : i32
    %mul3A_53 = arith.muli %add3A_51, %mul3A_52 : i32
    "tpu.region"() ({
      %run_scoped3A = tpu.sem_alloc : memref<!tpu.dma_semaphore, #tpu.memory_space<semaphore_mem>>
      %dma_start3A_333 = tpu.memref_slice %arg2[%mul3A_53] : memref<100000xi32, #tpu.memory_space<hbm>> -> memref<200xi32, #tpu.memory_space<hbm>>
      %dma_start3A_334 = tpu.memref_slice %arg2[%mul3A_53] : memref<100000xi32, #tpu.memory_space<hbm>> -> memref<200xi32, #tpu.memory_space<hbm>>
      tpu.enqueue_dma source(%dma_start3A_334 : memref<200xi32, #tpu.memory_space<hbm>>) target(%arg6 : memref<200xi32, #tpu.memory_space<vmem>>) target_semaphore(%run_scoped3A : memref<!tpu.dma_semaphore, #tpu.memory_space<semaphore_mem>>)
      %dma_wait3A_335 = tpu.memref_slice %arg2[%mul3A_53] : memref<100000xi32, #tpu.memory_space<hbm>> -> memref<200xi32, #tpu.memory_space<hbm>>
      %dma_wait3A_336 = tpu.memref_slice %arg2[%mul3A_53] : memref<100000xi32, #tpu.memory_space<hbm>> -> memref<200xi32, #tpu.memory_space<hbm>>
      tpu.wait_dma2 semaphore(%run_scoped3A : memref<!tpu.dma_semaphore, #tpu.memory_space<semaphore_mem>>) src(%dma_wait3A_336 : memref<200xi32, #tpu.memory_space<hbm>>) dst(%arg6 : memref<200xi32, #tpu.memory_space<vmem>>)
      tpu.yield
    }) : () -> ()
    %dma_start3A_54 = arith.constant 0 : i32
    %dma_start3A_55 = arith.constant 0 : i32
    %dma_start3A_56 = tpu.memref_slice %arg3[%dma_start3A_54, %dma_start3A_55] : memref<3040x256xf32, #tpu.memory_space<hbm>> -> memref<3040x256xf32, #tpu.memory_space<hbm>>
    tpu.enqueue_indirect_dma source(%dma_start3A_56 : memref<3040x256xf32, #tpu.memory_space<hbm>>) target(%arg8 : memref<200x256xf32, #tpu.memory_space<vmem>>) offsets(%arg6 : memref<200xi32, #tpu.memory_space<vmem>>) semaphore(%arg10 : memref<!tpu.dma_semaphore, #tpu.memory_space<semaphore_mem>>)
    %dma_wait3A_57 = arith.constant 0 : i32
    %dma_wait3A_58 = arith.constant 0 : i32
    %dma_wait3A_59 = tpu.memref_slice %arg3[%dma_wait3A_57, %dma_wait3A_58] : memref<3040x256xf32, #tpu.memory_space<hbm>> -> memref<3040x256xf32, #tpu.memory_space<hbm>>
    tpu.wait_indirect_dma semaphore(%arg9 : memref<!tpu.dma_semaphore, #tpu.memory_space<semaphore_mem>>) src(%dma_wait3A_59 : memref<3040x256xf32, #tpu.memory_space<hbm>>) dst(%arg7 : memref<200x256xf32, #tpu.memory_space<vmem>>)
    %add3A_60 = arith.constant 64 : i32
    %add3A_61 = arith.addi %add3A, %add3A_60 : i32
    %mul3A_62 = arith.constant 200 : i32
    %mul3A_63 = arith.muli %add3A_61, %mul3A_62 : i32
    %dma_start3A_64 = arith.constant 0 : i32
    %dma_start3A_65 = tpu.memref_slice %arg4[%mul3A_63, %dma_start3A_64] : memref<100000x256xf32, #tpu.memory_space<hbm>> -> memref<200x256xf32, #tpu.memory_space<hbm>>
    %dma_start3A_66 = arith.constant 0 : i32
    %dma_start3A_67 = tpu.memref_slice %arg4[%mul3A_63, %dma_start3A_66] : memref<100000x256xf32, #tpu.memory_space<hbm>> -> memref<200x256xf32, #tpu.memory_space<hbm>>
    tpu.enqueue_dma source(%arg7 : memref<200x256xf32, #tpu.memory_space<vmem>>) target(%dma_start3A_67 : memref<200x256xf32, #tpu.memory_space<hbm>>) target_semaphore(%arg11 : memref<!tpu.dma_semaphore, #tpu.memory_space<semaphore_mem>>)
    %dma_wait3A_68 = arith.constant 0 : i32
    %dma_wait3A_69 = tpu.memref_slice %arg4[%mul3A_63, %dma_wait3A_68] : memref<100000x256xf32, #tpu.memory_space<hbm>> -> memref<200x256xf32, #tpu.memory_space<hbm>>
    %dma_wait3A_70 = arith.constant 0 : i32
    %dma_wait3A_71 = tpu.memref_slice %arg4[%mul3A_63, %dma_wait3A_70] : memref<100000x256xf32, #tpu.memory_space<hbm>> -> memref<200x256xf32, #tpu.memory_space<hbm>>
    tpu.wait_dma2 semaphore(%arg11 : memref<!tpu.dma_semaphore, #tpu.memory_space<semaphore_mem>>) src(%arg7 : memref<200x256xf32, #tpu.memory_space<vmem>>) dst(%dma_wait3A_71 : memref<200x256xf32, #tpu.memory_space<hbm>>)
    %add3A_72 = arith.constant 128 : i32
    %add3A_73 = arith.addi %add3A, %add3A_72 : i32
    %mul3A_74 = arith.constant 200 : i32
    %mul3A_75 = arith.muli %add3A_73, %mul3A_74 : i32
    "tpu.region"() ({
      %run_scoped3A = tpu.sem_alloc : memref<!tpu.dma_semaphore, #tpu.memory_space<semaphore_mem>>
      %dma_start3A_333 = tpu.memref_slice %arg2[%mul3A_75] : memref<100000xi32, #tpu.memory_space<hbm>> -> memref<200xi32, #tpu.memory_space<hbm>>
      %dma_start3A_334 = tpu.memref_slice %arg2[%mul3A_75] : memref<100000xi32, #tpu.memory_space<hbm>> -> memref<200xi32, #tpu.memory_space<hbm>>
      tpu.enqueue_dma source(%dma_start3A_334 : memref<200xi32, #tpu.memory_space<hbm>>) target(%arg5 : memref<200xi32, #tpu.memory_space<vmem>>) target_semaphore(%run_scoped3A : memref<!tpu.dma_semaphore, #tpu.memory_space<semaphore_mem>>)
      %dma_wait3A_335 = tpu.memref_slice %arg2[%mul3A_75] : memref<100000xi32, #tpu.memory_space<hbm>> -> memref<200xi32, #tpu.memory_space<hbm>>
      %dma_wait3A_336 = tpu.memref_slice %arg2[%mul3A_75] : memref<100000xi32, #tpu.memory_space<hbm>> -> memref<200xi32, #tpu.memory_space<hbm>>
      tpu.wait_dma2 semaphore(%run_scoped3A : memref<!tpu.dma_semaphore, #tpu.memory_space<semaphore_mem>>) src(%dma_wait3A_336 : memref<200xi32, #tpu.memory_space<hbm>>) dst(%arg5 : memref<200xi32, #tpu.memory_space<vmem>>)
      tpu.yield
    }) : () -> ()
    %dma_start3A_76 = arith.constant 0 : i32
    %dma_start3A_77 = arith.constant 0 : i32
    %dma_start3A_78 = tpu.memref_slice %arg3[%dma_start3A_76, %dma_start3A_77] : memref<3040x256xf32, #tpu.memory_space<hbm>> -> memref<3040x256xf32, #tpu.memory_space<hbm>>
    tpu.enqueue_indirect_dma source(%dma_start3A_78 : memref<3040x256xf32, #tpu.memory_space<hbm>>) target(%arg7 : memref<200x256xf32, #tpu.memory_space<vmem>>) offsets(%arg5 : memref<200xi32, #tpu.memory_space<vmem>>) semaphore(%arg9 : memref<!tpu.dma_semaphore, #tpu.memory_space<semaphore_mem>>)
    %dma_wait3A_79 = arith.constant 0 : i32
    %dma_wait3A_80 = arith.constant 0 : i32
    %dma_wait3A_81 = tpu.memref_slice %arg3[%dma_wait3A_79, %dma_wait3A_80] : memref<3040x256xf32, #tpu.memory_space<hbm>> -> memref<3040x256xf32, #tpu.memory_space<hbm>>
    tpu.wait_indirect_dma semaphore(%arg10 : memref<!tpu.dma_semaphore, #tpu.memory_space<semaphore_mem>>) src(%dma_wait3A_81 : memref<3040x256xf32, #tpu.memory_space<hbm>>) dst(%arg8 : memref<200x256xf32, #tpu.memory_space<vmem>>)
    %add3A_82 = arith.constant 96 : i32
    %add3A_83 = arith.addi %add3A, %add3A_82 : i32
    %mul3A_84 = arith.constant 200 : i32
    %mul3A_85 = arith.muli %add3A_83, %mul3A_84 : i32
    %dma_start3A_86 = arith.constant 0 : i32
    %dma_start3A_87 = tpu.memref_slice %arg4[%mul3A_85, %dma_start3A_86] : memref<100000x256xf32, #tpu.memory_space<hbm>> -> memref<200x256xf32, #tpu.memory_space<hbm>>
    %dma_start3A_88 = arith.constant 0 : i32
    %dma_start3A_89 = tpu.memref_slice %arg4[%mul3A_85, %dma_start3A_88] : memref<100000x256xf32, #tpu.memory_space<hbm>> -> memref<200x256xf32, #tpu.memory_space<hbm>>
    tpu.enqueue_dma source(%arg8 : memref<200x256xf32, #tpu.memory_space<vmem>>) target(%dma_start3A_89 : memref<200x256xf32, #tpu.memory_space<hbm>>) target_semaphore(%arg12 : memref<!tpu.dma_semaphore, #tpu.memory_space<semaphore_mem>>)
    %dma_wait3A_90 = arith.constant 0 : i32
    %dma_wait3A_91 = tpu.memref_slice %arg4[%mul3A_85, %dma_wait3A_90] : memref<100000x256xf32, #tpu.memory_space<hbm>> -> memref<200x256xf32, #tpu.memory_space<hbm>>
    %dma_wait3A_92 = arith.constant 0 : i32
    %dma_wait3A_93 = tpu.memref_slice %arg4[%mul3A_85, %dma_wait3A_92] : memref<100000x256xf32, #tpu.memory_space<hbm>> -> memref<200x256xf32, #tpu.memory_space<hbm>>
    tpu.wait_dma2 semaphore(%arg12 : memref<!tpu.dma_semaphore, #tpu.memory_space<semaphore_mem>>) src(%arg8 : memref<200x256xf32, #tpu.memory_space<vmem>>) dst(%dma_wait3A_93 : memref<200x256xf32, #tpu.memory_space<hbm>>)
    %add3A_94 = arith.constant 160 : i32
    %add3A_95 = arith.addi %add3A, %add3A_94 : i32
    %mul3A_96 = arith.constant 200 : i32
    %mul3A_97 = arith.muli %add3A_95, %mul3A_96 : i32
    "tpu.region"() ({
      %run_scoped3A = tpu.sem_alloc : memref<!tpu.dma_semaphore, #tpu.memory_space<semaphore_mem>>
      %dma_start3A_333 = tpu.memref_slice %arg2[%mul3A_97] : memref<100000xi32, #tpu.memory_space<hbm>> -> memref<200xi32, #tpu.memory_space<hbm>>
      %dma_start3A_334 = tpu.memref_slice %arg2[%mul3A_97] : memref<100000xi32, #tpu.memory_space<hbm>> -> memref<200xi32, #tpu.memory_space<hbm>>
      tpu.enqueue_dma source(%dma_start3A_334 : memref<200xi32, #tpu.memory_space<hbm>>) target(%arg6 : memref<200xi32, #tpu.memory_space<vmem>>) target_semaphore(%run_scoped3A : memref<!tpu.dma_semaphore, #tpu.memory_space<semaphore_mem>>)
      %dma_wait3A_335 = tpu.memref_slice %arg2[%mul3A_97] : memref<100000xi32, #tpu.memory_space<hbm>> -> memref<200xi32, #tpu.memory_space<hbm>>
      %dma_wait3A_336 = tpu.memref_slice %arg2[%mul3A_97] : memref<100000xi32, #tpu.memory_space<hbm>> -> memref<200xi32, #tpu.memory_space<hbm>>
      tpu.wait_dma2 semaphore(%run_scoped3A : memref<!tpu.dma_semaphore, #tpu.memory_space<semaphore_mem>>) src(%dma_wait3A_336 : memref<200xi32, #tpu.memory_space<hbm>>) dst(%arg6 : memref<200xi32, #tpu.memory_space<vmem>>)
      tpu.yield
    }) : () -> ()
    %dma_start3A_98 = arith.constant 0 : i32
    %dma_start3A_99 = arith.constant 0 : i32
    %dma_start3A_100 = tpu.memref_slice %arg3[%dma_start3A_98, %dma_start3A_99] : memref<3040x256xf32, #tpu.memory_space<hbm>> -> memref<3040x256xf32, #tpu.memory_space<hbm>>
    tpu.enqueue_indirect_dma source(%dma_start3A_100 : memref<3040x256xf32, #tpu.memory_space<hbm>>) target(%arg8 : memref<200x256xf32, #tpu.memory_space<vmem>>) offsets(%arg6 : memref<200xi32, #tpu.memory_space<vmem>>) semaphore(%arg10 : memref<!tpu.dma_semaphore, #tpu.memory_space<semaphore_mem>>)
    %dma_wait3A_101 = arith.constant 0 : i32
    %dma_wait3A_102 = arith.constant 0 : i32
    %dma_wait3A_103 = tpu.memref_slice %arg3[%dma_wait3A_101, %dma_wait3A_102] : memref<3040x256xf32, #tpu.memory_space<hbm>> -> memref<3040x256xf32, #tpu.memory_space<hbm>>
    tpu.wait_indirect_dma semaphore(%arg9 : memref<!tpu.dma_semaphore, #tpu.memory_space<semaphore_mem>>) src(%dma_wait3A_103 : memref<3040x256xf32, #tpu.memory_space<hbm>>) dst(%arg7 : memref<200x256xf32, #tpu.memory_space<vmem>>)
    %add3A_104 = arith.constant 128 : i32
    %add3A_105 = arith.addi %add3A, %add3A_104 : i32
    %mul3A_106 = arith.constant 200 : i32
    %mul3A_107 = arith.muli %add3A_105, %mul3A_106 : i32
    %dma_start3A_108 = arith.constant 0 : i32
    %dma_start3A_109 = tpu.memref_slice %arg4[%mul3A_107, %dma_start3A_108] : memref<100000x256xf32, #tpu.memory_space<hbm>> -> memref<200x256xf32, #tpu.memory_space<hbm>>
    %dma_start3A_110 = arith.constant 0 : i32
    %dma_start3A_111 = tpu.memref_slice %arg4[%mul3A_107, %dma_start3A_110] : memref<100000x256xf32, #tpu.memory_space<hbm>> -> memref<200x256xf32, #tpu.memory_space<hbm>>
    tpu.enqueue_dma source(%arg7 : memref<200x256xf32, #tpu.memory_space<vmem>>) target(%dma_start3A_111 : memref<200x256xf32, #tpu.memory_space<hbm>>) target_semaphore(%arg11 : memref<!tpu.dma_semaphore, #tpu.memory_space<semaphore_mem>>)
    %dma_wait3A_112 = arith.constant 0 : i32
    %dma_wait3A_113 = tpu.memref_slice %arg4[%mul3A_107, %dma_wait3A_112] : memref<100000x256xf32, #tpu.memory_space<hbm>> -> memref<200x256xf32, #tpu.memory_space<hbm>>
    %dma_wait3A_114 = arith.constant 0 : i32
    %dma_wait3A_115 = tpu.memref_slice %arg4[%mul3A_107, %dma_wait3A_114] : memref<100000x256xf32, #tpu.memory_space<hbm>> -> memref<200x256xf32, #tpu.memory_space<hbm>>
    tpu.wait_dma2 semaphore(%arg11 : memref<!tpu.dma_semaphore, #tpu.memory_space<semaphore_mem>>) src(%arg7 : memref<200x256xf32, #tpu.memory_space<vmem>>) dst(%dma_wait3A_115 : memref<200x256xf32, #tpu.memory_space<hbm>>)
    %add3A_116 = arith.constant 192 : i32
    %add3A_117 = arith.addi %add3A, %add3A_116 : i32
    %mul3A_118 = arith.constant 200 : i32
    %mul3A_119 = arith.muli %add3A_117, %mul3A_118 : i32
    "tpu.region"() ({
      %run_scoped3A = tpu.sem_alloc : memref<!tpu.dma_semaphore, #tpu.memory_space<semaphore_mem>>
      %dma_start3A_333 = tpu.memref_slice %arg2[%mul3A_119] : memref<100000xi32, #tpu.memory_space<hbm>> -> memref<200xi32, #tpu.memory_space<hbm>>
      %dma_start3A_334 = tpu.memref_slice %arg2[%mul3A_119] : memref<100000xi32, #tpu.memory_space<hbm>> -> memref<200xi32, #tpu.memory_space<hbm>>
      tpu.enqueue_dma source(%dma_start3A_334 : memref<200xi32, #tpu.memory_space<hbm>>) target(%arg5 : memref<200xi32, #tpu.memory_space<vmem>>) target_semaphore(%run_scoped3A : memref<!tpu.dma_semaphore, #tpu.memory_space<semaphore_mem>>)
      %dma_wait3A_335 = tpu.memref_slice %arg2[%mul3A_119] : memref<100000xi32, #tpu.memory_space<hbm>> -> memref<200xi32, #tpu.memory_space<hbm>>
      %dma_wait3A_336 = tpu.memref_slice %arg2[%mul3A_119] : memref<100000xi32, #tpu.memory_space<hbm>> -> memref<200xi32, #tpu.memory_space<hbm>>
      tpu.wait_dma2 semaphore(%run_scoped3A : memref<!tpu.dma_semaphore, #tpu.memory_space<semaphore_mem>>) src(%dma_wait3A_336 : memref<200xi32, #tpu.memory_space<hbm>>) dst(%arg5 : memref<200xi32, #tpu.memory_space<vmem>>)
      tpu.yield
    }) : () -> ()
    %dma_start3A_120 = arith.constant 0 : i32
    %dma_start3A_121 = arith.constant 0 : i32
    %dma_start3A_122 = tpu.memref_slice %arg3[%dma_start3A_120, %dma_start3A_121] : memref<3040x256xf32, #tpu.memory_space<hbm>> -> memref<3040x256xf32, #tpu.memory_space<hbm>>
    tpu.enqueue_indirect_dma source(%dma_start3A_122 : memref<3040x256xf32, #tpu.memory_space<hbm>>) target(%arg7 : memref<200x256xf32, #tpu.memory_space<vmem>>) offsets(%arg5 : memref<200xi32, #tpu.memory_space<vmem>>) semaphore(%arg9 : memref<!tpu.dma_semaphore, #tpu.memory_space<semaphore_mem>>)
    %dma_wait3A_123 = arith.constant 0 : i32
    %dma_wait3A_124 = arith.constant 0 : i32
    %dma_wait3A_125 = tpu.memref_slice %arg3[%dma_wait3A_123, %dma_wait3A_124] : memref<3040x256xf32, #tpu.memory_space<hbm>> -> memref<3040x256xf32, #tpu.memory_space<hbm>>
    tpu.wait_indirect_dma semaphore(%arg10 : memref<!tpu.dma_semaphore, #tpu.memory_space<semaphore_mem>>) src(%dma_wait3A_125 : memref<3040x256xf32, #tpu.memory_space<hbm>>) dst(%arg8 : memref<200x256xf32, #tpu.memory_space<vmem>>)
    %add3A_126 = arith.constant 160 : i32
    %add3A_127 = arith.addi %add3A, %add3A_126 : i32
    %mul3A_128 = arith.constant 200 : i32
    %mul3A_129 = arith.muli %add3A_127, %mul3A_128 : i32
    %dma_start3A_130 = arith.constant 0 : i32
    %dma_start3A_131 = tpu.memref_slice %arg4[%mul3A_129, %dma_start3A_130] : memref<100000x256xf32, #tpu.memory_space<hbm>> -> memref<200x256xf32, #tpu.memory_space<hbm>>
    %dma_start3A_132 = arith.constant 0 : i32
    %dma_start3A_133 = tpu.memref_slice %arg4[%mul3A_129, %dma_start3A_132] : memref<100000x256xf32, #tpu.memory_space<hbm>> -> memref<200x256xf32, #tpu.memory_space<hbm>>
    tpu.enqueue_dma source(%arg8 : memref<200x256xf32, #tpu.memory_space<vmem>>) target(%dma_start3A_133 : memref<200x256xf32, #tpu.memory_space<hbm>>) target_semaphore(%arg12 : memref<!tpu.dma_semaphore, #tpu.memory_space<semaphore_mem>>)
    %dma_wait3A_134 = arith.constant 0 : i32
    %dma_wait3A_135 = tpu.memref_slice %arg4[%mul3A_129, %dma_wait3A_134] : memref<100000x256xf32, #tpu.memory_space<hbm>> -> memref<200x256xf32, #tpu.memory_space<hbm>>
    %dma_wait3A_136 = arith.constant 0 : i32
    %dma_wait3A_137 = tpu.memref_slice %arg4[%mul3A_129, %dma_wait3A_136] : memref<100000x256xf32, #tpu.memory_space<hbm>> -> memref<200x256xf32, #tpu.memory_space<hbm>>
    tpu.wait_dma2 semaphore(%arg12 : memref<!tpu.dma_semaphore, #tpu.memory_space<semaphore_mem>>) src(%arg8 : memref<200x256xf32, #tpu.memory_space<vmem>>) dst(%dma_wait3A_137 : memref<200x256xf32, #tpu.memory_space<hbm>>)
    %add3A_138 = arith.constant 224 : i32
    %add3A_139 = arith.addi %add3A, %add3A_138 : i32
    %mul3A_140 = arith.constant 200 : i32
    %mul3A_141 = arith.muli %add3A_139, %mul3A_140 : i32
    "tpu.region"() ({
      %run_scoped3A = tpu.sem_alloc : memref<!tpu.dma_semaphore, #tpu.memory_space<semaphore_mem>>
      %dma_start3A_333 = tpu.memref_slice %arg2[%mul3A_141] : memref<100000xi32, #tpu.memory_space<hbm>> -> memref<200xi32, #tpu.memory_space<hbm>>
      %dma_start3A_334 = tpu.memref_slice %arg2[%mul3A_141] : memref<100000xi32, #tpu.memory_space<hbm>> -> memref<200xi32, #tpu.memory_space<hbm>>
      tpu.enqueue_dma source(%dma_start3A_334 : memref<200xi32, #tpu.memory_space<hbm>>) target(%arg6 : memref<200xi32, #tpu.memory_space<vmem>>) target_semaphore(%run_scoped3A : memref<!tpu.dma_semaphore, #tpu.memory_space<semaphore_mem>>)
      %dma_wait3A_335 = tpu.memref_slice %arg2[%mul3A_141] : memref<100000xi32, #tpu.memory_space<hbm>> -> memref<200xi32, #tpu.memory_space<hbm>>
      %dma_wait3A_336 = tpu.memref_slice %arg2[%mul3A_141] : memref<100000xi32, #tpu.memory_space<hbm>> -> memref<200xi32, #tpu.memory_space<hbm>>
      tpu.wait_dma2 semaphore(%run_scoped3A : memref<!tpu.dma_semaphore, #tpu.memory_space<semaphore_mem>>) src(%dma_wait3A_336 : memref<200xi32, #tpu.memory_space<hbm>>) dst(%arg6 : memref<200xi32, #tpu.memory_space<vmem>>)
      tpu.yield
    }) : () -> ()
    %dma_start3A_142 = arith.constant 0 : i32
    %dma_start3A_143 = arith.constant 0 : i32
    %dma_start3A_144 = tpu.memref_slice %arg3[%dma_start3A_142, %dma_start3A_143] : memref<3040x256xf32, #tpu.memory_space<hbm>> -> memref<3040x256xf32, #tpu.memory_space<hbm>>
    tpu.enqueue_indirect_dma source(%dma_start3A_144 : memref<3040x256xf32, #tpu.memory_space<hbm>>) target(%arg8 : memref<200x256xf32, #tpu.memory_space<vmem>>) offsets(%arg6 : memref<200xi32, #tpu.memory_space<vmem>>) semaphore(%arg10 : memref<!tpu.dma_semaphore, #tpu.memory_space<semaphore_mem>>)
    %dma_wait3A_145 = arith.constant 0 : i32
    %dma_wait3A_146 = arith.constant 0 : i32
    %dma_wait3A_147 = tpu.memref_slice %arg3[%dma_wait3A_145, %dma_wait3A_146] : memref<3040x256xf32, #tpu.memory_space<hbm>> -> memref<3040x256xf32, #tpu.memory_space<hbm>>
    tpu.wait_indirect_dma semaphore(%arg9 : memref<!tpu.dma_semaphore, #tpu.memory_space<semaphore_mem>>) src(%dma_wait3A_147 : memref<3040x256xf32, #tpu.memory_space<hbm>>) dst(%arg7 : memref<200x256xf32, #tpu.memory_space<vmem>>)
    %add3A_148 = arith.constant 192 : i32
    %add3A_149 = arith.addi %add3A, %add3A_148 : i32
    %mul3A_150 = arith.constant 200 : i32
    %mul3A_151 = arith.muli %add3A_149, %mul3A_150 : i32
    %dma_start3A_152 = arith.constant 0 : i32
    %dma_start3A_153 = tpu.memref_slice %arg4[%mul3A_151, %dma_start3A_152] : memref<100000x256xf32, #tpu.memory_space<hbm>> -> memref<200x256xf32, #tpu.memory_space<hbm>>
    %dma_start3A_154 = arith.constant 0 : i32
    %dma_start3A_155 = tpu.memref_slice %arg4[%mul3A_151, %dma_start3A_154] : memref<100000x256xf32, #tpu.memory_space<hbm>> -> memref<200x256xf32, #tpu.memory_space<hbm>>
    tpu.enqueue_dma source(%arg7 : memref<200x256xf32, #tpu.memory_space<vmem>>) target(%dma_start3A_155 : memref<200x256xf32, #tpu.memory_space<hbm>>) target_semaphore(%arg11 : memref<!tpu.dma_semaphore, #tpu.memory_space<semaphore_mem>>)
    %dma_wait3A_156 = arith.constant 0 : i32
    %dma_wait3A_157 = tpu.memref_slice %arg4[%mul3A_151, %dma_wait3A_156] : memref<100000x256xf32, #tpu.memory_space<hbm>> -> memref<200x256xf32, #tpu.memory_space<hbm>>
    %dma_wait3A_158 = arith.constant 0 : i32
    %dma_wait3A_159 = tpu.memref_slice %arg4[%mul3A_151, %dma_wait3A_158] : memref<100000x256xf32, #tpu.memory_space<hbm>> -> memref<200x256xf32, #tpu.memory_space<hbm>>
    tpu.wait_dma2 semaphore(%arg11 : memref<!tpu.dma_semaphore, #tpu.memory_space<semaphore_mem>>) src(%arg7 : memref<200x256xf32, #tpu.memory_space<vmem>>) dst(%dma_wait3A_159 : memref<200x256xf32, #tpu.memory_space<hbm>>)
    %add3A_160 = arith.constant 256 : i32
    %add3A_161 = arith.addi %add3A, %add3A_160 : i32
    %mul3A_162 = arith.constant 200 : i32
    %mul3A_163 = arith.muli %add3A_161, %mul3A_162 : i32
    "tpu.region"() ({
      %run_scoped3A = tpu.sem_alloc : memref<!tpu.dma_semaphore, #tpu.memory_space<semaphore_mem>>
      %dma_start3A_333 = tpu.memref_slice %arg2[%mul3A_163] : memref<100000xi32, #tpu.memory_space<hbm>> -> memref<200xi32, #tpu.memory_space<hbm>>
      %dma_start3A_334 = tpu.memref_slice %arg2[%mul3A_163] : memref<100000xi32, #tpu.memory_space<hbm>> -> memref<200xi32, #tpu.memory_space<hbm>>
      tpu.enqueue_dma source(%dma_start3A_334 : memref<200xi32, #tpu.memory_space<hbm>>) target(%arg5 : memref<200xi32, #tpu.memory_space<vmem>>) target_semaphore(%run_scoped3A : memref<!tpu.dma_semaphore, #tpu.memory_space<semaphore_mem>>)
      %dma_wait3A_335 = tpu.memref_slice %arg2[%mul3A_163] : memref<100000xi32, #tpu.memory_space<hbm>> -> memref<200xi32, #tpu.memory_space<hbm>>
      %dma_wait3A_336 = tpu.memref_slice %arg2[%mul3A_163] : memref<100000xi32, #tpu.memory_space<hbm>> -> memref<200xi32, #tpu.memory_space<hbm>>
      tpu.wait_dma2 semaphore(%run_scoped3A : memref<!tpu.dma_semaphore, #tpu.memory_space<semaphore_mem>>) src(%dma_wait3A_336 : memref<200xi32, #tpu.memory_space<hbm>>) dst(%arg5 : memref<200xi32, #tpu.memory_space<vmem>>)
      tpu.yield
    }) : () -> ()
    %dma_start3A_164 = arith.constant 0 : i32
    %dma_start3A_165 = arith.constant 0 : i32
    %dma_start3A_166 = tpu.memref_slice %arg3[%dma_start3A_164, %dma_start3A_165] : memref<3040x256xf32, #tpu.memory_space<hbm>> -> memref<3040x256xf32, #tpu.memory_space<hbm>>
    tpu.enqueue_indirect_dma source(%dma_start3A_166 : memref<3040x256xf32, #tpu.memory_space<hbm>>) target(%arg7 : memref<200x256xf32, #tpu.memory_space<vmem>>) offsets(%arg5 : memref<200xi32, #tpu.memory_space<vmem>>) semaphore(%arg9 : memref<!tpu.dma_semaphore, #tpu.memory_space<semaphore_mem>>)
    %dma_wait3A_167 = arith.constant 0 : i32
    %dma_wait3A_168 = arith.constant 0 : i32
    %dma_wait3A_169 = tpu.memref_slice %arg3[%dma_wait3A_167, %dma_wait3A_168] : memref<3040x256xf32, #tpu.memory_space<hbm>> -> memref<3040x256xf32, #tpu.memory_space<hbm>>
    tpu.wait_indirect_dma semaphore(%arg10 : memref<!tpu.dma_semaphore, #tpu.memory_space<semaphore_mem>>) src(%dma_wait3A_169 : memref<3040x256xf32, #tpu.memory_space<hbm>>) dst(%arg8 : memref<200x256xf32, #tpu.memory_space<vmem>>)
    %add3A_170 = arith.constant 224 : i32
    %add3A_171 = arith.addi %add3A, %add3A_170 : i32
    %mul3A_172 = arith.constant 200 : i32
    %mul3A_173 = arith.muli %add3A_171, %mul3A_172 : i32
    %dma_start3A_174 = arith.constant 0 : i32
    %dma_start3A_175 = tpu.memref_slice %arg4[%mul3A_173, %dma_start3A_174] : memref<100000x256xf32, #tpu.memory_space<hbm>> -> memref<200x256xf32, #tpu.memory_space<hbm>>
    %dma_start3A_176 = arith.constant 0 : i32
    %dma_start3A_177 = tpu.memref_slice %arg4[%mul3A_173, %dma_start3A_176] : memref<100000x256xf32, #tpu.memory_space<hbm>> -> memref<200x256xf32, #tpu.memory_space<hbm>>
    tpu.enqueue_dma source(%arg8 : memref<200x256xf32, #tpu.memory_space<vmem>>) target(%dma_start3A_177 : memref<200x256xf32, #tpu.memory_space<hbm>>) target_semaphore(%arg12 : memref<!tpu.dma_semaphore, #tpu.memory_space<semaphore_mem>>)
    %dma_wait3A_178 = arith.constant 0 : i32
    %dma_wait3A_179 = tpu.memref_slice %arg4[%mul3A_173, %dma_wait3A_178] : memref<100000x256xf32, #tpu.memory_space<hbm>> -> memref<200x256xf32, #tpu.memory_space<hbm>>
    %dma_wait3A_180 = arith.constant 0 : i32
    %dma_wait3A_181 = tpu.memref_slice %arg4[%mul3A_173, %dma_wait3A_180] : memref<100000x256xf32, #tpu.memory_space<hbm>> -> memref<200x256xf32, #tpu.memory_space<hbm>>
    tpu.wait_dma2 semaphore(%arg12 : memref<!tpu.dma_semaphore, #tpu.memory_space<semaphore_mem>>) src(%arg8 : memref<200x256xf32, #tpu.memory_space<vmem>>) dst(%dma_wait3A_181 : memref<200x256xf32, #tpu.memory_space<hbm>>)
    %add3A_182 = arith.constant 288 : i32
    %add3A_183 = arith.addi %add3A, %add3A_182 : i32
    %mul3A_184 = arith.constant 200 : i32
    %mul3A_185 = arith.muli %add3A_183, %mul3A_184 : i32
    "tpu.region"() ({
      %run_scoped3A = tpu.sem_alloc : memref<!tpu.dma_semaphore, #tpu.memory_space<semaphore_mem>>
      %dma_start3A_333 = tpu.memref_slice %arg2[%mul3A_185] : memref<100000xi32, #tpu.memory_space<hbm>> -> memref<200xi32, #tpu.memory_space<hbm>>
      %dma_start3A_334 = tpu.memref_slice %arg2[%mul3A_185] : memref<100000xi32, #tpu.memory_space<hbm>> -> memref<200xi32, #tpu.memory_space<hbm>>
      tpu.enqueue_dma source(%dma_start3A_334 : memref<200xi32, #tpu.memory_space<hbm>>) target(%arg6 : memref<200xi32, #tpu.memory_space<vmem>>) target_semaphore(%run_scoped3A : memref<!tpu.dma_semaphore, #tpu.memory_space<semaphore_mem>>)
      %dma_wait3A_335 = tpu.memref_slice %arg2[%mul3A_185] : memref<100000xi32, #tpu.memory_space<hbm>> -> memref<200xi32, #tpu.memory_space<hbm>>
      %dma_wait3A_336 = tpu.memref_slice %arg2[%mul3A_185] : memref<100000xi32, #tpu.memory_space<hbm>> -> memref<200xi32, #tpu.memory_space<hbm>>
      tpu.wait_dma2 semaphore(%run_scoped3A : memref<!tpu.dma_semaphore, #tpu.memory_space<semaphore_mem>>) src(%dma_wait3A_336 : memref<200xi32, #tpu.memory_space<hbm>>) dst(%arg6 : memref<200xi32, #tpu.memory_space<vmem>>)
      tpu.yield
    }) : () -> ()
    %dma_start3A_186 = arith.constant 0 : i32
    %dma_start3A_187 = arith.constant 0 : i32
    %dma_start3A_188 = tpu.memref_slice %arg3[%dma_start3A_186, %dma_start3A_187] : memref<3040x256xf32, #tpu.memory_space<hbm>> -> memref<3040x256xf32, #tpu.memory_space<hbm>>
    tpu.enqueue_indirect_dma source(%dma_start3A_188 : memref<3040x256xf32, #tpu.memory_space<hbm>>) target(%arg8 : memref<200x256xf32, #tpu.memory_space<vmem>>) offsets(%arg6 : memref<200xi32, #tpu.memory_space<vmem>>) semaphore(%arg10 : memref<!tpu.dma_semaphore, #tpu.memory_space<semaphore_mem>>)
    %dma_wait3A_189 = arith.constant 0 : i32
    %dma_wait3A_190 = arith.constant 0 : i32
    %dma_wait3A_191 = tpu.memref_slice %arg3[%dma_wait3A_189, %dma_wait3A_190] : memref<3040x256xf32, #tpu.memory_space<hbm>> -> memref<3040x256xf32, #tpu.memory_space<hbm>>
    tpu.wait_indirect_dma semaphore(%arg9 : memref<!tpu.dma_semaphore, #tpu.memory_space<semaphore_mem>>) src(%dma_wait3A_191 : memref<3040x256xf32, #tpu.memory_space<hbm>>) dst(%arg7 : memref<200x256xf32, #tpu.memory_space<vmem>>)
    %add3A_192 = arith.constant 256 : i32
    %add3A_193 = arith.addi %add3A, %add3A_192 : i32
    %mul3A_194 = arith.constant 200 : i32
    %mul3A_195 = arith.muli %add3A_193, %mul3A_194 : i32
    %dma_start3A_196 = arith.constant 0 : i32
    %dma_start3A_197 = tpu.memref_slice %arg4[%mul3A_195, %dma_start3A_196] : memref<100000x256xf32, #tpu.memory_space<hbm>> -> memref<200x256xf32, #tpu.memory_space<hbm>>
    %dma_start3A_198 = arith.constant 0 : i32
    %dma_start3A_199 = tpu.memref_slice %arg4[%mul3A_195, %dma_start3A_198] : memref<100000x256xf32, #tpu.memory_space<hbm>> -> memref<200x256xf32, #tpu.memory_space<hbm>>
    tpu.enqueue_dma source(%arg7 : memref<200x256xf32, #tpu.memory_space<vmem>>) target(%dma_start3A_199 : memref<200x256xf32, #tpu.memory_space<hbm>>) target_semaphore(%arg11 : memref<!tpu.dma_semaphore, #tpu.memory_space<semaphore_mem>>)
    %dma_wait3A_200 = arith.constant 0 : i32
    %dma_wait3A_201 = tpu.memref_slice %arg4[%mul3A_195, %dma_wait3A_200] : memref<100000x256xf32, #tpu.memory_space<hbm>> -> memref<200x256xf32, #tpu.memory_space<hbm>>
    %dma_wait3A_202 = arith.constant 0 : i32
    %dma_wait3A_203 = tpu.memref_slice %arg4[%mul3A_195, %dma_wait3A_202] : memref<100000x256xf32, #tpu.memory_space<hbm>> -> memref<200x256xf32, #tpu.memory_space<hbm>>
    tpu.wait_dma2 semaphore(%arg11 : memref<!tpu.dma_semaphore, #tpu.memory_space<semaphore_mem>>) src(%arg7 : memref<200x256xf32, #tpu.memory_space<vmem>>) dst(%dma_wait3A_203 : memref<200x256xf32, #tpu.memory_space<hbm>>)
    %add3A_204 = arith.constant 320 : i32
    %add3A_205 = arith.addi %add3A, %add3A_204 : i32
    %mul3A_206 = arith.constant 200 : i32
    %mul3A_207 = arith.muli %add3A_205, %mul3A_206 : i32
    "tpu.region"() ({
      %run_scoped3A = tpu.sem_alloc : memref<!tpu.dma_semaphore, #tpu.memory_space<semaphore_mem>>
      %dma_start3A_333 = tpu.memref_slice %arg2[%mul3A_207] : memref<100000xi32, #tpu.memory_space<hbm>> -> memref<200xi32, #tpu.memory_space<hbm>>
      %dma_start3A_334 = tpu.memref_slice %arg2[%mul3A_207] : memref<100000xi32, #tpu.memory_space<hbm>> -> memref<200xi32, #tpu.memory_space<hbm>>
      tpu.enqueue_dma source(%dma_start3A_334 : memref<200xi32, #tpu.memory_space<hbm>>) target(%arg5 : memref<200xi32, #tpu.memory_space<vmem>>) target_semaphore(%run_scoped3A : memref<!tpu.dma_semaphore, #tpu.memory_space<semaphore_mem>>)
      %dma_wait3A_335 = tpu.memref_slice %arg2[%mul3A_207] : memref<100000xi32, #tpu.memory_space<hbm>> -> memref<200xi32, #tpu.memory_space<hbm>>
      %dma_wait3A_336 = tpu.memref_slice %arg2[%mul3A_207] : memref<100000xi32, #tpu.memory_space<hbm>> -> memref<200xi32, #tpu.memory_space<hbm>>
      tpu.wait_dma2 semaphore(%run_scoped3A : memref<!tpu.dma_semaphore, #tpu.memory_space<semaphore_mem>>) src(%dma_wait3A_336 : memref<200xi32, #tpu.memory_space<hbm>>) dst(%arg5 : memref<200xi32, #tpu.memory_space<vmem>>)
      tpu.yield
    }) : () -> ()
    %dma_start3A_208 = arith.constant 0 : i32
    %dma_start3A_209 = arith.constant 0 : i32
    %dma_start3A_210 = tpu.memref_slice %arg3[%dma_start3A_208, %dma_start3A_209] : memref<3040x256xf32, #tpu.memory_space<hbm>> -> memref<3040x256xf32, #tpu.memory_space<hbm>>
    tpu.enqueue_indirect_dma source(%dma_start3A_210 : memref<3040x256xf32, #tpu.memory_space<hbm>>) target(%arg7 : memref<200x256xf32, #tpu.memory_space<vmem>>) offsets(%arg5 : memref<200xi32, #tpu.memory_space<vmem>>) semaphore(%arg9 : memref<!tpu.dma_semaphore, #tpu.memory_space<semaphore_mem>>)
    %dma_wait3A_211 = arith.constant 0 : i32
    %dma_wait3A_212 = arith.constant 0 : i32
    %dma_wait3A_213 = tpu.memref_slice %arg3[%dma_wait3A_211, %dma_wait3A_212] : memref<3040x256xf32, #tpu.memory_space<hbm>> -> memref<3040x256xf32, #tpu.memory_space<hbm>>
    tpu.wait_indirect_dma semaphore(%arg10 : memref<!tpu.dma_semaphore, #tpu.memory_space<semaphore_mem>>) src(%dma_wait3A_213 : memref<3040x256xf32, #tpu.memory_space<hbm>>) dst(%arg8 : memref<200x256xf32, #tpu.memory_space<vmem>>)
    %add3A_214 = arith.constant 288 : i32
    %add3A_215 = arith.addi %add3A, %add3A_214 : i32
    %mul3A_216 = arith.constant 200 : i32
    %mul3A_217 = arith.muli %add3A_215, %mul3A_216 : i32
    %dma_start3A_218 = arith.constant 0 : i32
    %dma_start3A_219 = tpu.memref_slice %arg4[%mul3A_217, %dma_start3A_218] : memref<100000x256xf32, #tpu.memory_space<hbm>> -> memref<200x256xf32, #tpu.memory_space<hbm>>
    %dma_start3A_220 = arith.constant 0 : i32
    %dma_start3A_221 = tpu.memref_slice %arg4[%mul3A_217, %dma_start3A_220] : memref<100000x256xf32, #tpu.memory_space<hbm>> -> memref<200x256xf32, #tpu.memory_space<hbm>>
    tpu.enqueue_dma source(%arg8 : memref<200x256xf32, #tpu.memory_space<vmem>>) target(%dma_start3A_221 : memref<200x256xf32, #tpu.memory_space<hbm>>) target_semaphore(%arg12 : memref<!tpu.dma_semaphore, #tpu.memory_space<semaphore_mem>>)
    %dma_wait3A_222 = arith.constant 0 : i32
    %dma_wait3A_223 = tpu.memref_slice %arg4[%mul3A_217, %dma_wait3A_222] : memref<100000x256xf32, #tpu.memory_space<hbm>> -> memref<200x256xf32, #tpu.memory_space<hbm>>
    %dma_wait3A_224 = arith.constant 0 : i32
    %dma_wait3A_225 = tpu.memref_slice %arg4[%mul3A_217, %dma_wait3A_224] : memref<100000x256xf32, #tpu.memory_space<hbm>> -> memref<200x256xf32, #tpu.memory_space<hbm>>
    tpu.wait_dma2 semaphore(%arg12 : memref<!tpu.dma_semaphore, #tpu.memory_space<semaphore_mem>>) src(%arg8 : memref<200x256xf32, #tpu.memory_space<vmem>>) dst(%dma_wait3A_225 : memref<200x256xf32, #tpu.memory_space<hbm>>)
    %add3A_226 = arith.constant 352 : i32
    %add3A_227 = arith.addi %add3A, %add3A_226 : i32
    %mul3A_228 = arith.constant 200 : i32
    %mul3A_229 = arith.muli %add3A_227, %mul3A_228 : i32
    "tpu.region"() ({
      %run_scoped3A = tpu.sem_alloc : memref<!tpu.dma_semaphore, #tpu.memory_space<semaphore_mem>>
      %dma_start3A_333 = tpu.memref_slice %arg2[%mul3A_229] : memref<100000xi32, #tpu.memory_space<hbm>> -> memref<200xi32, #tpu.memory_space<hbm>>
      %dma_start3A_334 = tpu.memref_slice %arg2[%mul3A_229] : memref<100000xi32, #tpu.memory_space<hbm>> -> memref<200xi32, #tpu.memory_space<hbm>>
      tpu.enqueue_dma source(%dma_start3A_334 : memref<200xi32, #tpu.memory_space<hbm>>) target(%arg6 : memref<200xi32, #tpu.memory_space<vmem>>) target_semaphore(%run_scoped3A : memref<!tpu.dma_semaphore, #tpu.memory_space<semaphore_mem>>)
      %dma_wait3A_335 = tpu.memref_slice %arg2[%mul3A_229] : memref<100000xi32, #tpu.memory_space<hbm>> -> memref<200xi32, #tpu.memory_space<hbm>>
      %dma_wait3A_336 = tpu.memref_slice %arg2[%mul3A_229] : memref<100000xi32, #tpu.memory_space<hbm>> -> memref<200xi32, #tpu.memory_space<hbm>>
      tpu.wait_dma2 semaphore(%run_scoped3A : memref<!tpu.dma_semaphore, #tpu.memory_space<semaphore_mem>>) src(%dma_wait3A_336 : memref<200xi32, #tpu.memory_space<hbm>>) dst(%arg6 : memref<200xi32, #tpu.memory_space<vmem>>)
      tpu.yield
    }) : () -> ()
    %dma_start3A_230 = arith.constant 0 : i32
    %dma_start3A_231 = arith.constant 0 : i32
    %dma_start3A_232 = tpu.memref_slice %arg3[%dma_start3A_230, %dma_start3A_231] : memref<3040x256xf32, #tpu.memory_space<hbm>> -> memref<3040x256xf32, #tpu.memory_space<hbm>>
    tpu.enqueue_indirect_dma source(%dma_start3A_232 : memref<3040x256xf32, #tpu.memory_space<hbm>>) target(%arg8 : memref<200x256xf32, #tpu.memory_space<vmem>>) offsets(%arg6 : memref<200xi32, #tpu.memory_space<vmem>>) semaphore(%arg10 : memref<!tpu.dma_semaphore, #tpu.memory_space<semaphore_mem>>)
    %dma_wait3A_233 = arith.constant 0 : i32
    %dma_wait3A_234 = arith.constant 0 : i32
    %dma_wait3A_235 = tpu.memref_slice %arg3[%dma_wait3A_233, %dma_wait3A_234] : memref<3040x256xf32, #tpu.memory_space<hbm>> -> memref<3040x256xf32, #tpu.memory_space<hbm>>
    tpu.wait_indirect_dma semaphore(%arg9 : memref<!tpu.dma_semaphore, #tpu.memory_space<semaphore_mem>>) src(%dma_wait3A_235 : memref<3040x256xf32, #tpu.memory_space<hbm>>) dst(%arg7 : memref<200x256xf32, #tpu.memory_space<vmem>>)
    %add3A_236 = arith.constant 320 : i32
    %add3A_237 = arith.addi %add3A, %add3A_236 : i32
    %mul3A_238 = arith.constant 200 : i32
    %mul3A_239 = arith.muli %add3A_237, %mul3A_238 : i32
    %dma_start3A_240 = arith.constant 0 : i32
    %dma_start3A_241 = tpu.memref_slice %arg4[%mul3A_239, %dma_start3A_240] : memref<100000x256xf32, #tpu.memory_space<hbm>> -> memref<200x256xf32, #tpu.memory_space<hbm>>
    %dma_start3A_242 = arith.constant 0 : i32
    %dma_start3A_243 = tpu.memref_slice %arg4[%mul3A_239, %dma_start3A_242] : memref<100000x256xf32, #tpu.memory_space<hbm>> -> memref<200x256xf32, #tpu.memory_space<hbm>>
    tpu.enqueue_dma source(%arg7 : memref<200x256xf32, #tpu.memory_space<vmem>>) target(%dma_start3A_243 : memref<200x256xf32, #tpu.memory_space<hbm>>) target_semaphore(%arg11 : memref<!tpu.dma_semaphore, #tpu.memory_space<semaphore_mem>>)
    %dma_wait3A_244 = arith.constant 0 : i32
    %dma_wait3A_245 = tpu.memref_slice %arg4[%mul3A_239, %dma_wait3A_244] : memref<100000x256xf32, #tpu.memory_space<hbm>> -> memref<200x256xf32, #tpu.memory_space<hbm>>
    %dma_wait3A_246 = arith.constant 0 : i32
    %dma_wait3A_247 = tpu.memref_slice %arg4[%mul3A_239, %dma_wait3A_246] : memref<100000x256xf32, #tpu.memory_space<hbm>> -> memref<200x256xf32, #tpu.memory_space<hbm>>
    tpu.wait_dma2 semaphore(%arg11 : memref<!tpu.dma_semaphore, #tpu.memory_space<semaphore_mem>>) src(%arg7 : memref<200x256xf32, #tpu.memory_space<vmem>>) dst(%dma_wait3A_247 : memref<200x256xf32, #tpu.memory_space<hbm>>)
    %add3A_248 = arith.constant 384 : i32
    %add3A_249 = arith.addi %add3A, %add3A_248 : i32
    %mul3A_250 = arith.constant 200 : i32
    %mul3A_251 = arith.muli %add3A_249, %mul3A_250 : i32
    "tpu.region"() ({
      %run_scoped3A = tpu.sem_alloc : memref<!tpu.dma_semaphore, #tpu.memory_space<semaphore_mem>>
      %dma_start3A_333 = tpu.memref_slice %arg2[%mul3A_251] : memref<100000xi32, #tpu.memory_space<hbm>> -> memref<200xi32, #tpu.memory_space<hbm>>
      %dma_start3A_334 = tpu.memref_slice %arg2[%mul3A_251] : memref<100000xi32, #tpu.memory_space<hbm>> -> memref<200xi32, #tpu.memory_space<hbm>>
      tpu.enqueue_dma source(%dma_start3A_334 : memref<200xi32, #tpu.memory_space<hbm>>) target(%arg5 : memref<200xi32, #tpu.memory_space<vmem>>) target_semaphore(%run_scoped3A : memref<!tpu.dma_semaphore, #tpu.memory_space<semaphore_mem>>)
      %dma_wait3A_335 = tpu.memref_slice %arg2[%mul3A_251] : memref<100000xi32, #tpu.memory_space<hbm>> -> memref<200xi32, #tpu.memory_space<hbm>>
      %dma_wait3A_336 = tpu.memref_slice %arg2[%mul3A_251] : memref<100000xi32, #tpu.memory_space<hbm>> -> memref<200xi32, #tpu.memory_space<hbm>>
      tpu.wait_dma2 semaphore(%run_scoped3A : memref<!tpu.dma_semaphore, #tpu.memory_space<semaphore_mem>>) src(%dma_wait3A_336 : memref<200xi32, #tpu.memory_space<hbm>>) dst(%arg5 : memref<200xi32, #tpu.memory_space<vmem>>)
      tpu.yield
    }) : () -> ()
    %dma_start3A_252 = arith.constant 0 : i32
    %dma_start3A_253 = arith.constant 0 : i32
    %dma_start3A_254 = tpu.memref_slice %arg3[%dma_start3A_252, %dma_start3A_253] : memref<3040x256xf32, #tpu.memory_space<hbm>> -> memref<3040x256xf32, #tpu.memory_space<hbm>>
    tpu.enqueue_indirect_dma source(%dma_start3A_254 : memref<3040x256xf32, #tpu.memory_space<hbm>>) target(%arg7 : memref<200x256xf32, #tpu.memory_space<vmem>>) offsets(%arg5 : memref<200xi32, #tpu.memory_space<vmem>>) semaphore(%arg9 : memref<!tpu.dma_semaphore, #tpu.memory_space<semaphore_mem>>)
    %dma_wait3A_255 = arith.constant 0 : i32
    %dma_wait3A_256 = arith.constant 0 : i32
    %dma_wait3A_257 = tpu.memref_slice %arg3[%dma_wait3A_255, %dma_wait3A_256] : memref<3040x256xf32, #tpu.memory_space<hbm>> -> memref<3040x256xf32, #tpu.memory_space<hbm>>
    tpu.wait_indirect_dma semaphore(%arg10 : memref<!tpu.dma_semaphore, #tpu.memory_space<semaphore_mem>>) src(%dma_wait3A_257 : memref<3040x256xf32, #tpu.memory_space<hbm>>) dst(%arg8 : memref<200x256xf32, #tpu.memory_space<vmem>>)
    %add3A_258 = arith.constant 352 : i32
    %add3A_259 = arith.addi %add3A, %add3A_258 : i32
    %mul3A_260 = arith.constant 200 : i32
    %mul3A_261 = arith.muli %add3A_259, %mul3A_260 : i32
    %dma_start3A_262 = arith.constant 0 : i32
    %dma_start3A_263 = tpu.memref_slice %arg4[%mul3A_261, %dma_start3A_262] : memref<100000x256xf32, #tpu.memory_space<hbm>> -> memref<200x256xf32, #tpu.memory_space<hbm>>
    %dma_start3A_264 = arith.constant 0 : i32
    %dma_start3A_265 = tpu.memref_slice %arg4[%mul3A_261, %dma_start3A_264] : memref<100000x256xf32, #tpu.memory_space<hbm>> -> memref<200x256xf32, #tpu.memory_space<hbm>>
    tpu.enqueue_dma source(%arg8 : memref<200x256xf32, #tpu.memory_space<vmem>>) target(%dma_start3A_265 : memref<200x256xf32, #tpu.memory_space<hbm>>) target_semaphore(%arg12 : memref<!tpu.dma_semaphore, #tpu.memory_space<semaphore_mem>>)
    %dma_wait3A_266 = arith.constant 0 : i32
    %dma_wait3A_267 = tpu.memref_slice %arg4[%mul3A_261, %dma_wait3A_266] : memref<100000x256xf32, #tpu.memory_space<hbm>> -> memref<200x256xf32, #tpu.memory_space<hbm>>
    %dma_wait3A_268 = arith.constant 0 : i32
    %dma_wait3A_269 = tpu.memref_slice %arg4[%mul3A_261, %dma_wait3A_268] : memref<100000x256xf32, #tpu.memory_space<hbm>> -> memref<200x256xf32, #tpu.memory_space<hbm>>
    tpu.wait_dma2 semaphore(%arg12 : memref<!tpu.dma_semaphore, #tpu.memory_space<semaphore_mem>>) src(%arg8 : memref<200x256xf32, #tpu.memory_space<vmem>>) dst(%dma_wait3A_269 : memref<200x256xf32, #tpu.memory_space<hbm>>)
    %add3A_270 = arith.constant 416 : i32
    %add3A_271 = arith.addi %add3A, %add3A_270 : i32
    %mul3A_272 = arith.constant 200 : i32
    %mul3A_273 = arith.muli %add3A_271, %mul3A_272 : i32
    "tpu.region"() ({
      %run_scoped3A = tpu.sem_alloc : memref<!tpu.dma_semaphore, #tpu.memory_space<semaphore_mem>>
      %dma_start3A_333 = tpu.memref_slice %arg2[%mul3A_273] : memref<100000xi32, #tpu.memory_space<hbm>> -> memref<200xi32, #tpu.memory_space<hbm>>
      %dma_start3A_334 = tpu.memref_slice %arg2[%mul3A_273] : memref<100000xi32, #tpu.memory_space<hbm>> -> memref<200xi32, #tpu.memory_space<hbm>>
      tpu.enqueue_dma source(%dma_start3A_334 : memref<200xi32, #tpu.memory_space<hbm>>) target(%arg6 : memref<200xi32, #tpu.memory_space<vmem>>) target_semaphore(%run_scoped3A : memref<!tpu.dma_semaphore, #tpu.memory_space<semaphore_mem>>)
      %dma_wait3A_335 = tpu.memref_slice %arg2[%mul3A_273] : memref<100000xi32, #tpu.memory_space<hbm>> -> memref<200xi32, #tpu.memory_space<hbm>>
      %dma_wait3A_336 = tpu.memref_slice %arg2[%mul3A_273] : memref<100000xi32, #tpu.memory_space<hbm>> -> memref<200xi32, #tpu.memory_space<hbm>>
      tpu.wait_dma2 semaphore(%run_scoped3A : memref<!tpu.dma_semaphore, #tpu.memory_space<semaphore_mem>>) src(%dma_wait3A_336 : memref<200xi32, #tpu.memory_space<hbm>>) dst(%arg6 : memref<200xi32, #tpu.memory_space<vmem>>)
      tpu.yield
    }) : () -> ()
    %dma_start3A_274 = arith.constant 0 : i32
    %dma_start3A_275 = arith.constant 0 : i32
    %dma_start3A_276 = tpu.memref_slice %arg3[%dma_start3A_274, %dma_start3A_275] : memref<3040x256xf32, #tpu.memory_space<hbm>> -> memref<3040x256xf32, #tpu.memory_space<hbm>>
    tpu.enqueue_indirect_dma source(%dma_start3A_276 : memref<3040x256xf32, #tpu.memory_space<hbm>>) target(%arg8 : memref<200x256xf32, #tpu.memory_space<vmem>>) offsets(%arg6 : memref<200xi32, #tpu.memory_space<vmem>>) semaphore(%arg10 : memref<!tpu.dma_semaphore, #tpu.memory_space<semaphore_mem>>)
    %dma_wait3A_277 = arith.constant 0 : i32
    %dma_wait3A_278 = arith.constant 0 : i32
    %dma_wait3A_279 = tpu.memref_slice %arg3[%dma_wait3A_277, %dma_wait3A_278] : memref<3040x256xf32, #tpu.memory_space<hbm>> -> memref<3040x256xf32, #tpu.memory_space<hbm>>
    tpu.wait_indirect_dma semaphore(%arg9 : memref<!tpu.dma_semaphore, #tpu.memory_space<semaphore_mem>>) src(%dma_wait3A_279 : memref<3040x256xf32, #tpu.memory_space<hbm>>) dst(%arg7 : memref<200x256xf32, #tpu.memory_space<vmem>>)
    %add3A_280 = arith.constant 384 : i32
    %add3A_281 = arith.addi %add3A, %add3A_280 : i32
    %mul3A_282 = arith.constant 200 : i32
    %mul3A_283 = arith.muli %add3A_281, %mul3A_282 : i32
    %dma_start3A_284 = arith.constant 0 : i32
    %dma_start3A_285 = tpu.memref_slice %arg4[%mul3A_283, %dma_start3A_284] : memref<100000x256xf32, #tpu.memory_space<hbm>> -> memref<200x256xf32, #tpu.memory_space<hbm>>
    %dma_start3A_286 = arith.constant 0 : i32
    %dma_start3A_287 = tpu.memref_slice %arg4[%mul3A_283, %dma_start3A_286] : memref<100000x256xf32, #tpu.memory_space<hbm>> -> memref<200x256xf32, #tpu.memory_space<hbm>>
    tpu.enqueue_dma source(%arg7 : memref<200x256xf32, #tpu.memory_space<vmem>>) target(%dma_start3A_287 : memref<200x256xf32, #tpu.memory_space<hbm>>) target_semaphore(%arg11 : memref<!tpu.dma_semaphore, #tpu.memory_space<semaphore_mem>>)
    %dma_wait3A_288 = arith.constant 0 : i32
    %dma_wait3A_289 = tpu.memref_slice %arg4[%mul3A_283, %dma_wait3A_288] : memref<100000x256xf32, #tpu.memory_space<hbm>> -> memref<200x256xf32, #tpu.memory_space<hbm>>
    %dma_wait3A_290 = arith.constant 0 : i32
    %dma_wait3A_291 = tpu.memref_slice %arg4[%mul3A_283, %dma_wait3A_290] : memref<100000x256xf32, #tpu.memory_space<hbm>> -> memref<200x256xf32, #tpu.memory_space<hbm>>
    tpu.wait_dma2 semaphore(%arg11 : memref<!tpu.dma_semaphore, #tpu.memory_space<semaphore_mem>>) src(%arg7 : memref<200x256xf32, #tpu.memory_space<vmem>>) dst(%dma_wait3A_291 : memref<200x256xf32, #tpu.memory_space<hbm>>)
    %add3A_292 = arith.constant 448 : i32
    %add3A_293 = arith.addi %add3A, %add3A_292 : i32
    %mul3A_294 = arith.constant 200 : i32
    %mul3A_295 = arith.muli %add3A_293, %mul3A_294 : i32
    "tpu.region"() ({
      %run_scoped3A = tpu.sem_alloc : memref<!tpu.dma_semaphore, #tpu.memory_space<semaphore_mem>>
      %dma_start3A_333 = tpu.memref_slice %arg2[%mul3A_295] : memref<100000xi32, #tpu.memory_space<hbm>> -> memref<200xi32, #tpu.memory_space<hbm>>
      %dma_start3A_334 = tpu.memref_slice %arg2[%mul3A_295] : memref<100000xi32, #tpu.memory_space<hbm>> -> memref<200xi32, #tpu.memory_space<hbm>>
      tpu.enqueue_dma source(%dma_start3A_334 : memref<200xi32, #tpu.memory_space<hbm>>) target(%arg5 : memref<200xi32, #tpu.memory_space<vmem>>) target_semaphore(%run_scoped3A : memref<!tpu.dma_semaphore, #tpu.memory_space<semaphore_mem>>)
      %dma_wait3A_335 = tpu.memref_slice %arg2[%mul3A_295] : memref<100000xi32, #tpu.memory_space<hbm>> -> memref<200xi32, #tpu.memory_space<hbm>>
      %dma_wait3A_336 = tpu.memref_slice %arg2[%mul3A_295] : memref<100000xi32, #tpu.memory_space<hbm>> -> memref<200xi32, #tpu.memory_space<hbm>>
      tpu.wait_dma2 semaphore(%run_scoped3A : memref<!tpu.dma_semaphore, #tpu.memory_space<semaphore_mem>>) src(%dma_wait3A_336 : memref<200xi32, #tpu.memory_space<hbm>>) dst(%arg5 : memref<200xi32, #tpu.memory_space<vmem>>)
      tpu.yield
    }) : () -> ()
    %dma_start3A_296 = arith.constant 0 : i32
    %dma_start3A_297 = arith.constant 0 : i32
    %dma_start3A_298 = tpu.memref_slice %arg3[%dma_start3A_296, %dma_start3A_297] : memref<3040x256xf32, #tpu.memory_space<hbm>> -> memref<3040x256xf32, #tpu.memory_space<hbm>>
    tpu.enqueue_indirect_dma source(%dma_start3A_298 : memref<3040x256xf32, #tpu.memory_space<hbm>>) target(%arg7 : memref<200x256xf32, #tpu.memory_space<vmem>>) offsets(%arg5 : memref<200xi32, #tpu.memory_space<vmem>>) semaphore(%arg9 : memref<!tpu.dma_semaphore, #tpu.memory_space<semaphore_mem>>)
    %dma_wait3A_299 = arith.constant 0 : i32
    %dma_wait3A_300 = arith.constant 0 : i32
    %dma_wait3A_301 = tpu.memref_slice %arg3[%dma_wait3A_299, %dma_wait3A_300] : memref<3040x256xf32, #tpu.memory_space<hbm>> -> memref<3040x256xf32, #tpu.memory_space<hbm>>
    tpu.wait_indirect_dma semaphore(%arg10 : memref<!tpu.dma_semaphore, #tpu.memory_space<semaphore_mem>>) src(%dma_wait3A_301 : memref<3040x256xf32, #tpu.memory_space<hbm>>) dst(%arg8 : memref<200x256xf32, #tpu.memory_space<vmem>>)
    %add3A_302 = arith.constant 416 : i32
    %add3A_303 = arith.addi %add3A, %add3A_302 : i32
    %mul3A_304 = arith.constant 200 : i32
    %mul3A_305 = arith.muli %add3A_303, %mul3A_304 : i32
    %dma_start3A_306 = arith.constant 0 : i32
    %dma_start3A_307 = tpu.memref_slice %arg4[%mul3A_305, %dma_start3A_306] : memref<100000x256xf32, #tpu.memory_space<hbm>> -> memref<200x256xf32, #tpu.memory_space<hbm>>
    %dma_start3A_308 = arith.constant 0 : i32
    %dma_start3A_309 = tpu.memref_slice %arg4[%mul3A_305, %dma_start3A_308] : memref<100000x256xf32, #tpu.memory_space<hbm>> -> memref<200x256xf32, #tpu.memory_space<hbm>>
    tpu.enqueue_dma source(%arg8 : memref<200x256xf32, #tpu.memory_space<vmem>>) target(%dma_start3A_309 : memref<200x256xf32, #tpu.memory_space<hbm>>) target_semaphore(%arg12 : memref<!tpu.dma_semaphore, #tpu.memory_space<semaphore_mem>>)
    %dma_wait3A_310 = arith.constant 0 : i32
    %dma_wait3A_311 = arith.constant 0 : i32
    %dma_wait3A_312 = tpu.memref_slice %arg3[%dma_wait3A_310, %dma_wait3A_311] : memref<3040x256xf32, #tpu.memory_space<hbm>> -> memref<3040x256xf32, #tpu.memory_space<hbm>>
    tpu.wait_indirect_dma semaphore(%arg9 : memref<!tpu.dma_semaphore, #tpu.memory_space<semaphore_mem>>) src(%dma_wait3A_312 : memref<3040x256xf32, #tpu.memory_space<hbm>>) dst(%arg7 : memref<200x256xf32, #tpu.memory_space<vmem>>)
    %add3A_313 = arith.constant 448 : i32
    %add3A_314 = arith.addi %add3A, %add3A_313 : i32
    %mul3A_315 = arith.constant 200 : i32
    %mul3A_316 = arith.muli %add3A_314, %mul3A_315 : i32
    %dma_start3A_317 = arith.constant 0 : i32
    %dma_start3A_318 = tpu.memref_slice %arg4[%mul3A_316, %dma_start3A_317] : memref<100000x256xf32, #tpu.memory_space<hbm>> -> memref<200x256xf32, #tpu.memory_space<hbm>>
    %dma_start3A_319 = arith.constant 0 : i32
    %dma_start3A_320 = tpu.memref_slice %arg4[%mul3A_316, %dma_start3A_319] : memref<100000x256xf32, #tpu.memory_space<hbm>> -> memref<200x256xf32, #tpu.memory_space<hbm>>
    tpu.enqueue_dma source(%arg7 : memref<200x256xf32, #tpu.memory_space<vmem>>) target(%dma_start3A_320 : memref<200x256xf32, #tpu.memory_space<hbm>>) target_semaphore(%arg11 : memref<!tpu.dma_semaphore, #tpu.memory_space<semaphore_mem>>)
    %dma_wait3A_321 = arith.constant 0 : i32
    %dma_wait3A_322 = tpu.memref_slice %arg4[%mul3A_305, %dma_wait3A_321] : memref<100000x256xf32, #tpu.memory_space<hbm>> -> memref<200x256xf32, #tpu.memory_space<hbm>>
    %dma_wait3A_323 = arith.constant 0 : i32
    %dma_wait3A_324 = tpu.memref_slice %arg4[%mul3A_305, %dma_wait3A_323] : memref<100000x256xf32, #tpu.memory_space<hbm>> -> memref<200x256xf32, #tpu.memory_space<hbm>>
    tpu.wait_dma2 semaphore(%arg12 : memref<!tpu.dma_semaphore, #tpu.memory_space<semaphore_mem>>) src(%arg8 : memref<200x256xf32, #tpu.memory_space<vmem>>) dst(%dma_wait3A_324 : memref<200x256xf32, #tpu.memory_space<hbm>>)
    %add3A_325 = arith.constant 480 : i32
    %add3A_326 = arith.addi %add3A, %add3A_325 : i32
    %lt3A = arith.constant 500 : i32
    %lt3A_327 = arith.cmpi slt, %add3A_326, %lt3A : i32
    %convert_element_type3A = arith.extui %lt3A_327 : i1 to i32
    %cond3A = arith.constant 0 : i32
    %cond3A_328 = arith.cmpi ne, %convert_element_type3A, %cond3A : i32
    scf.if %cond3A_328 {
      %add3A_333 = arith.constant 480 : i32
      %add3A_334 = arith.addi %add3A, %add3A_333 : i32
      %mul3A_335 = arith.constant 200 : i32
      %mul3A_336 = arith.muli %add3A_334, %mul3A_335 : i32
      "tpu.region"() ({
        %run_scoped3A = tpu.sem_alloc : memref<!tpu.dma_semaphore, #tpu.memory_space<semaphore_mem>>
        %dma_start3A_355 = tpu.memref_slice %arg2[%mul3A_336] : memref<100000xi32, #tpu.memory_space<hbm>> -> memref<200xi32, #tpu.memory_space<hbm>>
        %dma_start3A_356 = tpu.memref_slice %arg2[%mul3A_336] : memref<100000xi32, #tpu.memory_space<hbm>> -> memref<200xi32, #tpu.memory_space<hbm>>
        tpu.enqueue_dma source(%dma_start3A_356 : memref<200xi32, #tpu.memory_space<hbm>>) target(%arg6 : memref<200xi32, #tpu.memory_space<vmem>>) target_semaphore(%run_scoped3A : memref<!tpu.dma_semaphore, #tpu.memory_space<semaphore_mem>>)
        %dma_wait3A_357 = tpu.memref_slice %arg2[%mul3A_336] : memref<100000xi32, #tpu.memory_space<hbm>> -> memref<200xi32, #tpu.memory_space<hbm>>
        %dma_wait3A_358 = tpu.memref_slice %arg2[%mul3A_336] : memref<100000xi32, #tpu.memory_space<hbm>> -> memref<200xi32, #tpu.memory_space<hbm>>
        tpu.wait_dma2 semaphore(%run_scoped3A : memref<!tpu.dma_semaphore, #tpu.memory_space<semaphore_mem>>) src(%dma_wait3A_358 : memref<200xi32, #tpu.memory_space<hbm>>) dst(%arg6 : memref<200xi32, #tpu.memory_space<vmem>>)
        tpu.yield
      }) : () -> ()
      %dma_start3A_337 = arith.constant 0 : i32
      %dma_start3A_338 = arith.constant 0 : i32
      %dma_start3A_339 = tpu.memref_slice %arg3[%dma_start3A_337, %dma_start3A_338] : memref<3040x256xf32, #tpu.memory_space<hbm>> -> memref<3040x256xf32, #tpu.memory_space<hbm>>
      tpu.enqueue_indirect_dma source(%dma_start3A_339 : memref<3040x256xf32, #tpu.memory_space<hbm>>) target(%arg8 : memref<200x256xf32, #tpu.memory_space<vmem>>) offsets(%arg6 : memref<200xi32, #tpu.memory_space<vmem>>) semaphore(%arg10 : memref<!tpu.dma_semaphore, #tpu.memory_space<semaphore_mem>>)
      %dma_wait3A_340 = arith.constant 0 : i32
      %dma_wait3A_341 = arith.constant 0 : i32
      %dma_wait3A_342 = tpu.memref_slice %arg3[%dma_wait3A_340, %dma_wait3A_341] : memref<3040x256xf32, #tpu.memory_space<hbm>> -> memref<3040x256xf32, #tpu.memory_space<hbm>>
      tpu.wait_indirect_dma semaphore(%arg10 : memref<!tpu.dma_semaphore, #tpu.memory_space<semaphore_mem>>) src(%dma_wait3A_342 : memref<3040x256xf32, #tpu.memory_space<hbm>>) dst(%arg8 : memref<200x256xf32, #tpu.memory_space<vmem>>)
      %add3A_343 = arith.constant 480 : i32
      %add3A_344 = arith.addi %add3A, %add3A_343 : i32
      %mul3A_345 = arith.constant 200 : i32
      %mul3A_346 = arith.muli %add3A_344, %mul3A_345 : i32
      %dma_start3A_347 = arith.constant 0 : i32
      %dma_start3A_348 = tpu.memref_slice %arg4[%mul3A_346, %dma_start3A_347] : memref<100000x256xf32, #tpu.memory_space<hbm>> -> memref<200x256xf32, #tpu.memory_space<hbm>>
      %dma_start3A_349 = arith.constant 0 : i32
      %dma_start3A_350 = tpu.memref_slice %arg4[%mul3A_346, %dma_start3A_349] : memref<100000x256xf32, #tpu.memory_space<hbm>> -> memref<200x256xf32, #tpu.memory_space<hbm>>
      tpu.enqueue_dma source(%arg8 : memref<200x256xf32, #tpu.memory_space<vmem>>) target(%dma_start3A_350 : memref<200x256xf32, #tpu.memory_space<hbm>>) target_semaphore(%arg12 : memref<!tpu.dma_semaphore, #tpu.memory_space<semaphore_mem>>)
      %dma_wait3A_351 = arith.constant 0 : i32
      %dma_wait3A_352 = tpu.memref_slice %arg4[%mul3A_346, %dma_wait3A_351] : memref<100000x256xf32, #tpu.memory_space<hbm>> -> memref<200x256xf32, #tpu.memory_space<hbm>>
      %dma_wait3A_353 = arith.constant 0 : i32
      %dma_wait3A_354 = tpu.memref_slice %arg4[%mul3A_346, %dma_wait3A_353] : memref<100000x256xf32, #tpu.memory_space<hbm>> -> memref<200x256xf32, #tpu.memory_space<hbm>>
      tpu.wait_dma2 semaphore(%arg12 : memref<!tpu.dma_semaphore, #tpu.memory_space<semaphore_mem>>) src(%arg8 : memref<200x256xf32, #tpu.memory_space<vmem>>) dst(%dma_wait3A_354 : memref<200x256xf32, #tpu.memory_space<hbm>>)
    } else {
    }
    %dma_wait3A_329 = arith.constant 0 : i32
    %dma_wait3A_330 = tpu.memref_slice %arg4[%mul3A_316, %dma_wait3A_329] : memref<100000x256xf32, #tpu.memory_space<hbm>> -> memref<200x256xf32, #tpu.memory_space<hbm>>
    %dma_wait3A_331 = arith.constant 0 : i32
    %dma_wait3A_332 = tpu.memref_slice %arg4[%mul3A_316, %dma_wait3A_331] : memref<100000x256xf32, #tpu.memory_space<hbm>> -> memref<200x256xf32, #tpu.memory_space<hbm>>
    tpu.wait_dma2 semaphore(%arg11 : memref<!tpu.dma_semaphore, #tpu.memory_space<semaphore_mem>>) src(%arg7 : memref<200x256xf32, #tpu.memory_space<vmem>>) dst(%dma_wait3A_332 : memref<200x256xf32, #tpu.memory_space<hbm>>)
    return
  }
}

</mosaic_0001>

<sc_bundles>
// kernel: kernel.3.cloned.1.call-start
scs
__scs_entry_jumppad:
0x0: {  	(pc) =	sbr.rel $0x88, $3  }
0x1: {  	(tag) =	ssettag $0x0;
	lr =	simm.s32 $0x1  }
0x2: {  	[smem:$0x3F9F] =	sst lr;
	_ =	strace $0xD0000000  }
0x3: {  	_ = 	snop  }
0x4: {  	_ = 	snop  }
0x5: {  	_ = 	snop  }
0x6: {  	_ = 	snop  }
0x7: {  	_ = 	snop  }
__scs_overlays_trampoline_lowered:
0x8: {  	[smem:$0x3FAE] =	sst s0  }
0x9: {  	[smem:$0x3FAF] =	sst s1  }
0xa: {  	[smem:$0x3FB0] =	sst s2  }
0xb: {  	[smem:$0x3FB1] =	sst s3  }
0xc: {  	[smem:$0x3FB2] =	sst s4  }
0xd: {  	[smem:$0x3FB3] =	sst s5  }
0xe: {  	[smem:$0x3FB4] =	sst s6  }
0xf: {  	[smem:$0x3FB5] =	sst s7  }
0x10: {  	[smem:$0x3FB6] =	sst s8  }
0x11: {  	[smem:$0x3FB7] =	sst s9;
	s0 =	simm.s32 @!p0 $0x0  }
0x12: {  	s1 =	sld [smem:$0x3F9D];
	s0 =	simm.s32 @p0 $0x1  }
0x13: {  	[smem:$0x3FB8] =	sst s0;
	s0 =	simm.s32 @!p1 $0x0  }
0x14: {  	s2 =	sld [smem:$0x3F9C];
	s0 =	simm.s32 @p1 $0x1  }
0x15: {  	[smem:$0x3FB9] =	sst s0;
	s0 =	simm.s32 @!p2 $0x0  }
0x16: {  	s3 =	sld [smem:$0x3FDB];
	s0 =	simm.s32 @p2 $0x1  }
0x17: {  	s4 =	simm.s32 $0x1BF5;
	[smem:$0x3FBB] =	sst s0  }
0x18: {  	s0 =	sld [smem:$0x3F9E];
	_ =	swait.ge [sflag:s4], $0x0  }
0x19: {  	s7 =	sld [smem:$0x3F9F]  }
0x1a: {  	s8 =	sadd.s32 $0xFFFFE003, lr  }
0x1b: {  	s9 =	sadd.s32 $0xFFFFFEF7, lr;
	s5 =	simm.s32 $0xFFFFFFFF;
	p2 =	slt.u32 s8, $0xFFFFF086  }
0x1c: {  	p1 =	slt.u32 s9, $0xF7A;
	s5 =	simm.s32 @!p2 $0x0  }
0x1d: {  	s5 =	simm.s32 @p1 $0x1;
	p0 =	seq.s32 s7, s2  }
0x1e: {  	s7 =	smul.u32 @!p0 $0xF7A, s2;
	p2 =	seq.s32 @!p0 s5, $0x0  }
0x1f: {  	s9 =	smul.u32 $0xF7A, s1;
	s8 =	simm.s32 @!p0 $0x1BF5;
	p2 =	por !p2, p0  }
0x20: {  	[sflag:s8] =	ssyncset.s32 @!p0 $0xFFFFF086;
	s6 =	sadd.s32 @!p0 s3, s7;
	s7 =	simm.s32 @!p0 $0x108  }
0x21: {  	s3 =	sadd.s32 s3, s9;
	s6 =	sadd.s32 @!p0 $0x88, s6;
	s7 =	simm.s32 @p2 $0x1082  }
0x22: {  	[simem:s7], [sflag:s8] =	dma.local @!p0 [hbm:s6], $0xF7A  }
0x23: {  	s9 =	sor.u32 $0xD0000000, s2;
	s6 =	simm.s32 $0x108;
	_ =	swait.ge @!p0 [sflag:s8], $0x0  }
0x24: {  	s3 =	sadd.s32 $0x88, s3;
	s6 =	simm.s32 @!p1 $0x1082;
	[sflag:s4] =	ssyncset.s32 $0xFFFFF086  }
0x25: {  	[simem:s6], [sflag:s4] =	dma.local [hbm:s3], $0xF7A  }
0x26: {  	[smem:$0x3F9F] =	sst s1;
	(tag) =	ssettag s2;
	_ =	strace s9  }
0x27: {  	s1 =	sld [smem:$0x3FAF]  }
0x28: {  	s2 =	sld [smem:$0x3FB0]  }
0x29: {  	s4 =	sld [smem:$0x3FB2]  }
0x2a: {  	p0 =	seq.s32 s5, $0x0;
	s5 =	sld [smem:$0x3FB3]  }
0x2b: {  	s6 =	sld [smem:$0x3FB4]  }
0x2c: {  	s7 =	sld [smem:$0x3FB5]  }
0x2d: {  	s3 =	simm.s32 $0x108;
	s8 =	sld [smem:$0x3FB6]  }
0x2e: {  	s3 =	simm.s32 @!p0 $0x1082;
	s9 =	sld [smem:$0x3FB7]  }
0x2f: {  	lr =	sadd.s32 s0, s3;
	s0 =	sld [smem:$0x3FAE]  }
0x30: {  	s3 =	sld [smem:$0x3FB1]  }
0x31: {  	[smem:$0x3FBA] =	sst s10  }
0x32: {  	s10 =	sld [smem:$0x3FB8];
	_ =	sdelay $0x3  }
0x33: {  	p0 =	seq.s32 s10, $0x1;
	s10 =	sld [smem:$0x3FBA];
	_ =	sdelay $0x3  }
0x34: {  	[smem:$0x3FBA] =	sst s10  }
0x35: {  	s10 =	sld [smem:$0x3FB9];
	_ =	sdelay $0x3  }
0x36: {  	p1 =	seq.s32 s10, $0x1;
	s10 =	sld [smem:$0x3FBA];
	_ =	sdelay $0x3  }
0x37: {  	[smem:$0x3FBA] =	sst s10  }
0x38: {  	s10 =	sld [smem:$0x3FBB]  }
0x39: {  	_ = 	snop;
	(pc) =	sbr.ind lr, $3  }
0x3a: {  	_ = 	snop  }
0x3b: {  	_ = 	snop  }
0x3c: {  	p2 =	seq.s32 s10, $0x1;
	s10 =	sld [smem:$0x3FBA]  }
0x3d: {  	_ =	shalt  }
0x3e: {  	_ =	shalt  }
0x3f: {  	_ =	shalt  }
0x40: {  	_ =	shalt  }
0x41: {  	_ =	shalt  }
0x42: {  	_ =	shalt  }
0x43: {  	_ =	shalt  }
0x44: {  	_ =	shalt  }
0x45: {  	_ =	shalt  }
0x46: {  	_ =	shalt  }
0x47: {  	_ =	shalt  }
0x48: {  	_ =	shalt  }
0x49: {  	_ =	shalt  }
0x4a: {  	_ =	shalt  }
0x4b: {  	_ =	shalt  }
0x4c: {  	_ =	shalt  }
0x4d: {  	_ =	shalt  }
0x4e: {  	_ =	shalt  }
0x4f: {  	_ =	shalt  }
0x50: {  	_ =	shalt  }
0x51: {  	_ =	shalt  }
0x52: {  	_ =	shalt  }
0x53: {  	_ =	shalt  }
0x54: {  	_ =	shalt  }
0x55: {  	_ =	shalt  }
0x56: {  	_ =	shalt  }
0x57: {  	_ =	shalt  }
0x58: {  	_ =	shalt  }
0x59: {  	_ =	shalt  }
0x5a: {  	_ =	shalt  }
0x5b: {  	_ =	shalt  }
0x5c: {  	_ =	shalt  }
0x5d: {  	_ =	shalt  }
0x5e: {  	_ =	shalt  }
0x5f: {  	_ =	shalt  }
0x60: {  	_ =	shalt  }
0x61: {  	_ =	shalt  }
0x62: {  	_ =	shalt  }
0x63: {  	_ =	shalt  }
0x64: {  	_ =	shalt  }
0x65: {  	_ =	shalt  }
0x66: {  	_ =	shalt  }
0x67: {  	_ =	shalt  }
0x68: {  	_ =	shalt  }
0x69: {  	_ =	shalt  }
0x6a: {  	_ =	shalt  }
0x6b: {  	_ =	shalt  }
0x6c: {  	_ =	shalt  }
0x6d: {  	_ =	shalt  }
0x6e: {  	_ =	shalt  }
0x6f: {  	_ =	shalt  }
0x70: {  	_ =	shalt  }
0x71: {  	_ =	shalt  }
0x72: {  	_ =	shalt  }
0x73: {  	_ =	shalt  }
0x74: {  	_ =	shalt  }
0x75: {  	_ =	shalt  }
0x76: {  	_ =	shalt  }
0x77: {  	_ =	shalt  }
0x78: {  	_ =	shalt  }
0x79: {  	_ =	shalt  }
0x7a: {  	_ =	shalt  }
0x7b: {  	_ =	shalt  }
0x7c: {  	_ =	shalt  }
0x7d: {  	_ =	shalt  }
0x7e: {  	_ =	shalt  }
0x7f: {  	_ =	shalt  }
0x80: {  	_ =	shalt  }
0x81: {  	_ =	shalt  }
0x82: {  	_ =	shalt  }
0x83: {  	_ =	shalt  }
0x84: {  	_ =	shalt  }
0x85: {  	_ =	shalt  }
0x86: {  	_ =	shalt  }
0x87: {  	_ =	shalt  }
.Lfunc_end0:
.L_simem_size_0:
called_computation_lowered:
.L_overlay_start_0:
0x88: {  	s2 =	sld [smem:$0x3FD9]  }
0x89: {  	s3 =	sld [smem:$0x3FFE];
	_ =	sdelay $0x1  }
0x8a: {  	s1 =	srdreg.scid  }
0x8b: {  	s0 =	sand.u32 $0x1, s1  }
0x8c: {  	s17 =	sshll.u32 s0, $0xA;
	s2 =	sadd.s32 s3, s2  }
0x8d: {  	s2 =	sadd.s32 s2, s17  }
0x8e: {  	[smem:$0x3FC6] =	sst s2  }
0x8f: {  	_ = 	snop  }
0x90: {  	s2 =	sld [smem:$0x3FD0];
	(tm) =	ssettm $0x1  }
0x91: {  	s18 =	sld [smem:$0x3FFB];
	_ =	sdelay $0x3  }
0x92: {  	_ =	strace s18  }
0x93: {  	s3 =	sld [smem:$0x3FFC];
	_ =	sdelay $0x3  }
0x94: {  	_ =	strace s3  }
0x95: {  	s3 =	sld [smem:$0x3FFD];
	_ =	sdelay $0x3  }
0x96: {  	_ =	strace s3  }
0x97: {  	_ =	strace $0x8FFFFFFF  }
0x98: {  	s19 =	sld [smem:$0x3FDB];
	_ =	sdelay $0x1  }
0x99: {  	s4 =	simm.s32 $_scs_section_size  }
0x9a: {  	s5 =	simm.s32 $_size__tile_overlayer_lowered;
	s6 =	simm.s32 $_tile_overlayer_lowered  }
0x9b: {  	s22 =	simm.s32 $0x1BFF;
	s21 =	sshll.u32 s6, $0x1;
	s3 =	sadd.s32 s4, s19  }
0x9c: {  	s7 =	simm.s32 $0x0;
	s20 =	sshll.u32 s5, $0x1;
	s5 =	sadd.s32 s21, s3  }
0x9d: {  	[timem:s7], [sflag:s22] =	dma.local [hbm:s5], s20  }
0x9e: {  	_ =	swait.ge [sflag:s22], s20  }
0x9f: {  	s4 =	ssub.s32 $0x0, s20;
	[sflag:s22] =	ssyncset.done $0x0  }
0xa0: {  	[sflag:s22] =	ssyncadd.s32 s4;
	_ =	sdelay $0x1  }
0xa1: {  	s23 =	simm.s32 $0x1B8B  }
0xa2: {  	_ =	swait.ge [sflag:s23], $0x1  }
0xa3: {  	[sflag:s23] =	ssyncset.done $0x0  }
0xa4: {  	s25 =	simm.s32 $0x1B8E;
	s24 =	sld [smem:$0x3FFE];
	[sflag:s23] =	ssyncadd.s32 $0xFFFFFFFF  }
0xa5: {  	s26 =	simm.s32 $execute0_lowered;
	[smem:$0x3FD2] =	sst s25  }
0xa6: {  	s5 =	sshll.u32 s26, $0x1;
	_ =	strace $0x80000046;
	[dreg:$0x1] =	wrdreg $0xFFFFFFFF  }
0xa7: {  	s28 =	simm.s32 $_size_execute0_lowered;
	s3 =	sadd.s32 s3, s5;
	[dreg:$0x0] =	wrdreg $0x0  }
0xa8: {  	s5 =	sshll.u32 s28, $0x1;
	[dreg:$0x2] =	wrdreg s3  }
0xa9: {  	[dreg:$0x3] =	wrdreg s5  }
0xaa: {  	[dreg:$0x4] =	wrdreg $0xC0  }
0xab: {  	_ =	task [dreg:s7], $0x5FFFF  }
0xac: {  	[dreg:$0x1] =	wrdreg $0xFFFFFFFF  }
0xad: {  	[dreg:$0x0] =	wrdreg $0x60  }
0xae: {  	[dreg:$0x2] =	wrdreg s24  }
0xaf: {  	[dreg:$0x3] =	wrdreg s2  }
0xb0: {  	[dreg:$0x4] =	wrdreg $0x9  }
0xb1: {  	_ =	task.clear_ibuf [dreg:s7], $0x5FFFF;
	_ =	strace $0x90000046  }
0xb2: {  	s29 =	simm.s32 $0x9;
	_ =	strace $0x80000048  }
0xb3: {  	_ =	swait.ge [sflag:s29], $0x1  }
0xb4: {  	[sflag:s29] =	ssyncadd.s32 $0xFFFFFFFF  }
0xb5: {  	_ =	strace $0x90000048  }
0xb6: {  	_ =	sfence  }
0xb7: {  	s30 =	sld [smem:$0x0];
	_ =	sdelay $0x2  }
0xb8: {  	s31 =	sshll.u32 s1, $0xD;
	s1 =	sshrl.u32 s1, $0x2  }
0xb9: {  	s3 =	sand.u32 $0x4000, s31;
	s1 =	sadd.s32 s1, s30  }
0xba: {  	s0 =	sor.u32 s3, s0;
	s1 =	sshll.u32 s1, $0x11  }
0xbb: {  	s0 =	sor.u32 s1, s0  }
0xbc: {  	s0 =	sadd.s32 $0x8F2B, s0  }
0xbd: {  	[sflag:s0] =	ssyncadd.remote.s32 $0x1  }
0xbe: {  	_ =	sfence.sel $0xFFFF  }
0xbf: {  	[dreg:$0x0] =	wrdreg $0xFFFFFFFF;
	(pc) =	sbr.abs _section_cstart, $3  }
0xc0: {  	[dreg:$0x1] =	wrdreg $0xFFFFFFFF  }
0xc1: {  	_ =	task.clear_ibuf [dreg:s7], $0x2FFFF;
	_ =	strace $0x9FFFFFFF  }
0xc2: {  	(tm) =	ssettm $0x7FFFFFFF  }
0xc3: {  	_ =	shalt  }
tec
execute0_lowered:
.L_overlay_start_1:
0x0: {  	(tag) =	ssettag $0x1  }
0x1: {  	s0 =	srdreg.scid;
	s22 =	stileid.u32  }
0x2: {  	s1 =	sand.u32 $0x1, s0;
	s25 =	sshll.u32 s22, $0x1  }
0x3: {  	s3 =	sor.u32 s1, s25  }
0x4: {  	s1 =	ssub.s32 $0x2, s1;
	s4 =	smul.u32 $0x19, s3  }
0x5: {  	s0 =	rddreg [dreg:$0x0];
	s2 =	sshrl.u32 s1, $0x1;
	s6 =	smul.u32 $0xC8, s3  }
0x6: {  	p0 =	sgt.u32 s22, $0x9;
	s5 =	sadd.s32 $0x400, s0;
	s2 =	ssub.s32 s1, s2  }
0x7: {  	s26 =	sadd.s32 s5, s4;
	s1 =	sadd.s32 $0x1900, s6;
	s4 =	sadd.s32 $0x3200, s6  }
0x8: {  	s7 =	sadd.s32 $0x4B00, s6;
	s30 =	sadd.s32 $0x6400, s6;
	s31 =	sadd.s32 $0x7D00, s6  }
0x9: {  	[dreg:$0x3] =	wrdreg s26;
	s8 =	sshrl.u32 s1, $0x3;
	s9 =	sshrl.u32 s4, $0x3  }
0xa: {  	s10 =	sshrl.u32 s7, $0x3;
	s11 =	sshrl.u32 s30, $0x3;
	s8 =	sadd.s32 s5, s8  }
0xb: {  	s12 =	sshrl.u32 s31, $0x3;
	s28 =	sadd.s32 s5, s9;
	[dreg:$0x4] =	wrdreg s8  }
0xc: {  	s29 =	sadd.s32 s5, s10;
	s10 =	sadd.s32 $0x9600, s6;
	[dreg:$0x5] =	wrdreg s28  }
0xd: {  	s11 =	sadd.s32 s5, s11;
	s17 =	sadd.s32 s5, s12;
	[dreg:$0x6] =	wrdreg s29  }
0xe: {  	s12 =	sadd.s32 $0xC800, s6;
	s13 =	sshrl.u32 s10, $0x3;
	[dreg:$0x7] =	wrdreg s11  }
0xf: {  	[dreg:$0x8] =	wrdreg s17;
	s11 =	sadd.s32 $0xAF00, s6;
	s15 =	sshrl.u32 s12, $0x3  }
0x10: {  	s17 =	sadd.s32 $0x12C00, s6;
	s18 =	sadd.s32 s5, s13;
	s13 =	sadd.s32 $0xE100, s6  }
0x11: {  	s14 =	sshrl.u32 s11, $0x3;
	s19 =	sadd.s32 s5, s15;
	s15 =	sadd.s32 $0x11300, s6  }
0x12: {  	[dreg:$0x9] =	wrdreg s18;
	s16 =	sshrl.u32 s13, $0x3;
	s14 =	sadd.s32 s5, s14  }
0x13: {  	[dreg:$0xb] =	wrdreg s19;
	s18 =	sshrl.u32 s15, $0x3;
	s19 =	sshrl.u32 s17, $0x3  }
0x14: {  	[dreg:$0xa] =	wrdreg s14;
	s20 =	sadd.s32 s5, s16;
	s14 =	sadd.s32 $0xFA00, s6  }
0x15: {  	s23 =	sadd.s32 s5, s18;
	s24 =	sadd.s32 s5, s19;
	[dreg:$0xc] =	wrdreg s20  }
0x16: {  	s18 =	sadd.s32 $0x14500, s6;
	s6 =	sadd.s32 $0x15E00, s6;
	[dreg:$0xe] =	wrdreg s23  }
0x17: {  	s19 =	sor.u32 $0x1E0, s3;
	s21 =	sshrl.u32 s14, $0x3;
	[dreg:$0xf] =	wrdreg s24  }
0x18: {  	s25 =	sshrl.u32 s18, $0x3;
	s20 =	sshrl.u32 s6, $0x3;
	s16 =	sadd.s32 s5, s21  }
0x19: {  	s21 =	smul.u32 $0x19, s19;
	s26 =	sadd.s32 s5, s20;
	[dreg:$0xd] =	wrdreg s16  }
0x1a: {  	s2 =	smax.u32 s2, $0x1;
	s16 =	sadd.s32 s5, s25;
	[dreg:$0x11] =	wrdreg s26  }
0x1b: {  	s1 =	sshll.u32 s1, $0x5;
	[dreg:$0x10] =	wrdreg s16;
	s5 =	sadd.s32 s5, s21  }
0x1c: {  	s4 =	sshll.u32 s4, $0x5;
	s3 =	smul.u32 $0x1900, s3;
	[dreg:$0x12] =	wrdreg s5  }
0x1d: {  	s30 =	sshll.u32 s30, $0x5;
	s16 =	simm.s32 $0x0;
	s5 =	rddreg [dreg:$0x1]  }
0x1e: {  	s31 =	sshll.u32 s31, $0x5;
	[smem:$0x7FF] =	sst s16;
	s3 =	sadd.s32 s5, s3  }
0x1f: {  	s29 =	sshll.u32 s7, $0x5;
	s1 =	sadd.s32 s5, s1;
	[dreg:$0x13] =	wrdreg s3  }
0x20: {  	s8 =	sshll.u32 s10, $0x5;
	s28 =	sadd.s32 s5, s4;
	[dreg:$0x14] =	wrdreg s1  }
0x21: {  	s9 =	sshll.u32 s11, $0x5;
	s7 =	sadd.s32 s5, s31;
	[dreg:$0x15] =	wrdreg s28  }
0x22: {  	s10 =	sshll.u32 s12, $0x5;
	s11 =	sadd.s32 s5, s9;
	[dreg:$0x18] =	wrdreg s7  }
0x23: {  	s20 =	sshll.u32 s14, $0x5;
	s12 =	sadd.s32 s5, s10;
	[dreg:$0x1a] =	wrdreg s11  }
0x24: {  	s21 =	sshll.u32 s15, $0x5;
	s23 =	sadd.s32 s5, s20;
	[dreg:$0x1b] =	wrdreg s12  }
0x25: {  	s13 =	sshll.u32 s13, $0x5;
	s24 =	sadd.s32 s5, s21;
	[dreg:$0x1d] =	wrdreg s23  }
0x26: {  	s25 =	sshll.u32 s17, $0x5;
	s1 =	sadd.s32 s5, s29;
	[dreg:$0x1e] =	wrdreg s24  }
0x27: {  	s26 =	sshll.u32 s18, $0x5;
	s3 =	sadd.s32 s5, s30;
	[dreg:$0x16] =	wrdreg s1  }
0x28: {  	s4 =	simm.s32 $0x200;
	s29 =	sadd.s32 s5, s26;
	[dreg:$0x17] =	wrdreg s3  }
0x29: {  	s28 =	smul.u32 $0x1900, s19;
	s1 =	sadd.s32 s5, s8;
	[smem:$0x7FB] =	sst s29  }
0x2a: {  	s30 =	sshll.u32 s6, $0x5;
	[dreg:$0x19] =	wrdreg s1;
	s1 =	sadd.s32 s5, s13  }
.Ltmp0:
0x2b: {  	s31 =	sadd.s32 s5, s28;
	[dreg:$0x1c] =	wrdreg s1;
	(pc) =	sbr.rel .LBB2_1-.Ltmp0, $4  }
0x2c: {  	s6 =	simm.s32 $0x2;
	s1 =	sadd.s32 s5, s25;
	[smem:$0x7FD] =	sst s31  }
0x2d: {  	v2 =	vlaneseq.u32;
	s7 =	simm.s32 $0x4;
	[dreg:$0x1f] =	wrdreg s1;
	s1 =	sadd.s32 s5, s30  }
0x2e: {  	vm0 =	vmmov $0xffff;
	v1 =	vshrl.u32 v2, $0x3;
	s3 =	simm.s32 $0x5;
	s5 =	simm.s32 $0x3;
	[smem:$0x7FC] =	sst s1  }
0x2f: {  	v0 =	vand.u32 $0x7, v2;
	v2 =	vor.u32 $0x8, v2;
	v1 =	vmul.u32 $0x8, v1;
	s1 =	sadd.s32 $0x3600, s0;
	s0 =	simm.s32 $0x1;
	_ =	strace $0x80000047  }
.LBB2_3:
0x30: {  	_ =	swait.ge [sflag:s5], $0xC800  }
0x31: {  	s2 =	sld [smem:$0x7FA];
	_ =	sdelay $0x2  }
0x32: {  	s2 =	sadd.s32 $0xFFFFFFFF, s2  }
0x33: {  	p1 =	sne.s32 s2, $0x0  }
.Ltmp1:
0x34: {  	_ = 	snop;
	(pc) =	sbr.rel @!p1 .LBB2_4-.Ltmp1, $3  }
0x35: {  	_ =	sdelay $0x1  }
0x36: {  	[sflag:s5] =	ssyncset.done $0x0  }
0x37: {  	[sflag:s5] =	ssyncadd.s32 $0xFFFF3800  }
.LBB2_1:
0x38: {  	[smem:$0x7FA] =	sst s2  }
0x39: {  	s8 =	rddreg [dreg:$0x3]  }
0x3a: {  	[tilespmem:s16], [sflag:$0x5] =	stream.linear.gather [hbm4b:s8+s16], $0xC8, $0x38;
	[tilespmem:$0x19200] =	vst v63  }
0x3b: {  	_ =	swait.ge [sflag:s3], $0xC8  }
0x3c: {  	[sflag:s3] =	ssyncset.done $0x0  }
0x3d: {  	[sflag:s3] =	ssyncadd.s32 $0xFFFFFF38  }
0x3e: {  	v3 =	vld [tilespmem:$0x0];
	_ =	sdelay $0x4  }
0x3f: {  	v4 =	vshll.u32 v3, $0x1  }
0x40: {  	v3 =	vand.u32 $0x7, v3;
	v4 =	vand.u32 $0xFFFFFFF0, v4  }
0x41: {  	v3 =	vor.u32 v3, v4  }
0x42: {  	v4 =	vperm.xlane v3, v0;
	_ =	sdelay $0x1  }
0x43: {  	v3 =	vperm.xlane v3, v2;
	v4 =	vadd.s32 v1, v4;
	_ =	sdelay $0x1  }
0x44: {  	v3 =	vadd.s32 v1, v3;
	_ =	sdelay $0x2  }
0x45: {  	[tilespmem:s4], [sflag:$0x1] =	stream.indirect_vreg.gather [hbm4b:s1+s16], $0x80, v4, vm0, $0xb8;
	[tilespmem:$0x19200] =	vst v63  }
0x46: {  	s15 =	simm.s32 $0xA00  }
0x47: {  	[tilespmem:s15], [sflag:$0x1] =	stream.indirect_vreg.gather [hbm4b:s1+s16], $0x80, v3, vm0, $0xb8;
	[tilespmem:$0x19200] =	vst v63  }
0x48: {  	v3 =	vld [tilespmem:$0x10];
	_ =	sdelay $0x4  }
0x49: {  	v38 =	vshll.u32 v3, $0x1  }
0x4a: {  	v3 =	vand.u32 $0x7, v3;
	v4 =	vand.u32 $0xFFFFFFF0, v38  }
0x4b: {  	v3 =	vor.u32 v3, v4  }
0x4c: {  	v4 =	vperm.xlane v3, v0;
	_ =	sdelay $0x1  }
0x4d: {  	v3 =	vperm.xlane v3, v2;
	v4 =	vadd.s32 v1, v4;
	_ =	sdelay $0x1  }
0x4e: {  	v3 =	vadd.s32 v1, v3;
	_ =	sdelay $0x1  }
0x4f: {  	s17 =	simm.s32 $0x1200  }
0x50: {  	[tilespmem:s17], [sflag:$0x1] =	stream.indirect_vreg.gather [hbm4b:s1+s16], $0x80, v4, vm0, $0xb8;
	[tilespmem:$0x19200] =	vst v63  }
0x51: {  	s18 =	simm.s32 $0x1A00  }
0x52: {  	[tilespmem:s18], [sflag:$0x1] =	stream.indirect_vreg.gather [hbm4b:s1+s16], $0x80, v3, vm0, $0xb8;
	[tilespmem:$0x19200] =	vst v63  }
0x53: {  	v3 =	vld [tilespmem:$0x20];
	_ =	sdelay $0x4  }
0x54: {  	v39 =	vshll.u32 v3, $0x1  }
0x55: {  	v3 =	vand.u32 $0x7, v3;
	v4 =	vand.u32 $0xFFFFFFF0, v39  }
0x56: {  	v3 =	vor.u32 v3, v4  }
0x57: {  	v4 =	vperm.xlane v3, v0;
	_ =	sdelay $0x1  }
0x58: {  	v3 =	vperm.xlane v3, v2;
	v4 =	vadd.s32 v1, v4;
	_ =	sdelay $0x1  }
0x59: {  	v3 =	vadd.s32 v1, v3;
	_ =	sdelay $0x1  }
0x5a: {  	s19 =	simm.s32 $0x2200  }
0x5b: {  	[tilespmem:s19], [sflag:$0x1] =	stream.indirect_vreg.gather [hbm4b:s1+s16], $0x80, v4, vm0, $0xb8;
	[tilespmem:$0x19200] =	vst v63  }
0x5c: {  	s20 =	simm.s32 $0x2A00  }
0x5d: {  	[tilespmem:s20], [sflag:$0x1] =	stream.indirect_vreg.gather [hbm4b:s1+s16], $0x80, v3, vm0, $0xb8;
	[tilespmem:$0x19200] =	vst v63  }
0x5e: {  	v3 =	vld [tilespmem:$0x30];
	_ =	sdelay $0x4  }
0x5f: {  	v40 =	vshll.u32 v3, $0x1  }
0x60: {  	v3 =	vand.u32 $0x7, v3;
	v4 =	vand.u32 $0xFFFFFFF0, v40  }
0x61: {  	v3 =	vor.u32 v3, v4  }
0x62: {  	v4 =	vperm.xlane v3, v0;
	_ =	sdelay $0x1  }
0x63: {  	v3 =	vperm.xlane v3, v2;
	v4 =	vadd.s32 v1, v4;
	_ =	sdelay $0x1  }
0x64: {  	v3 =	vadd.s32 v1, v3;
	_ =	sdelay $0x1  }
0x65: {  	s21 =	simm.s32 $0x3200  }
0x66: {  	[tilespmem:s21], [sflag:$0x1] =	stream.indirect_vreg.gather [hbm4b:s1+s16], $0x80, v4, vm0, $0xb8;
	[tilespmem:$0x19200] =	vst v63  }
0x67: {  	s25 =	simm.s32 $0x3A00  }
0x68: {  	[tilespmem:s25], [sflag:$0x1] =	stream.indirect_vreg.gather [hbm4b:s1+s16], $0x80, v3, vm0, $0xb8;
	[tilespmem:$0x19200] =	vst v63  }
0x69: {  	v3 =	vld [tilespmem:$0x40];
	_ =	sdelay $0x4  }
0x6a: {  	v41 =	vshll.u32 v3, $0x1  }
0x6b: {  	v3 =	vand.u32 $0x7, v3;
	v4 =	vand.u32 $0xFFFFFFF0, v41  }
0x6c: {  	v3 =	vor.u32 v3, v4  }
0x6d: {  	v4 =	vperm.xlane v3, v0;
	_ =	sdelay $0x1  }
0x6e: {  	v3 =	vperm.xlane v3, v2;
	v4 =	vadd.s32 v1, v4;
	_ =	sdelay $0x1  }
0x6f: {  	v3 =	vadd.s32 v1, v3;
	_ =	sdelay $0x1  }
0x70: {  	s26 =	simm.s32 $0x4200  }
0x71: {  	[tilespmem:s26], [sflag:$0x1] =	stream.indirect_vreg.gather [hbm4b:s1+s16], $0x80, v4, vm0, $0xb8;
	[tilespmem:$0x19200] =	vst v63  }
0x72: {  	s28 =	simm.s32 $0x4A00  }
0x73: {  	[tilespmem:s28], [sflag:$0x1] =	stream.indirect_vreg.gather [hbm4b:s1+s16], $0x80, v3, vm0, $0xb8;
	[tilespmem:$0x19200] =	vst v63  }
0x74: {  	v3 =	vld [tilespmem:$0x50];
	_ =	sdelay $0x4  }
0x75: {  	v42 =	vshll.u32 v3, $0x1  }
0x76: {  	v3 =	vand.u32 $0x7, v3;
	v4 =	vand.u32 $0xFFFFFFF0, v42  }
0x77: {  	v3 =	vor.u32 v3, v4  }
0x78: {  	v4 =	vperm.xlane v3, v0;
	_ =	sdelay $0x1  }
0x79: {  	v3 =	vperm.xlane v3, v2;
	v4 =	vadd.s32 v1, v4;
	_ =	sdelay $0x1  }
0x7a: {  	v3 =	vadd.s32 v1, v3;
	_ =	sdelay $0x1  }
0x7b: {  	s29 =	simm.s32 $0x5200  }
0x7c: {  	[tilespmem:s29], [sflag:$0x1] =	stream.indirect_vreg.gather [hbm4b:s1+s16], $0x80, v4, vm0, $0xb8;
	[tilespmem:$0x19200] =	vst v63  }
0x7d: {  	s30 =	simm.s32 $0x5A00  }
0x7e: {  	[tilespmem:s30], [sflag:$0x1] =	stream.indirect_vreg.gather [hbm4b:s1+s16], $0x80, v3, vm0, $0xb8;
	[tilespmem:$0x19200] =	vst v63  }
0x7f: {  	v3 =	vld [tilespmem:$0x60];
	_ =	sdelay $0x4  }
0x80: {  	v43 =	vshll.u32 v3, $0x1  }
0x81: {  	v3 =	vand.u32 $0x7, v3;
	v4 =	vand.u32 $0xFFFFFFF0, v43  }
0x82: {  	v3 =	vor.u32 v3, v4  }
0x83: {  	v4 =	vperm.xlane v3, v0;
	_ =	sdelay $0x1  }
0x84: {  	v3 =	vperm.xlane v3, v2;
	v4 =	vadd.s32 v1, v4;
	_ =	sdelay $0x1  }
0x85: {  	v3 =	vadd.s32 v1, v3;
	_ =	sdelay $0x1  }
0x86: {  	s31 =	simm.s32 $0x6200  }
0x87: {  	[tilespmem:s31], [sflag:$0x1] =	stream.indirect_vreg.gather [hbm4b:s1+s16], $0x80, v4, vm0, $0xb8;
	[tilespmem:$0x19200] =	vst v63  }
0x88: {  	s2 =	simm.s32 $0x6A00  }
0x89: {  	[tilespmem:s2], [sflag:$0x1] =	stream.indirect_vreg.gather [hbm4b:s1+s16], $0x80, v3, vm0, $0xb8;
	[tilespmem:$0x19200] =	vst v63  }
0x8a: {  	v3 =	vld [tilespmem:$0x70];
	_ =	sdelay $0x4  }
0x8b: {  	v44 =	vshll.u32 v3, $0x1  }
0x8c: {  	v3 =	vand.u32 $0x7, v3;
	v4 =	vand.u32 $0xFFFFFFF0, v44  }
0x8d: {  	v3 =	vor.u32 v3, v4  }
0x8e: {  	v4 =	vperm.xlane v3, v0;
	_ =	sdelay $0x1  }
0x8f: {  	v3 =	vperm.xlane v3, v2;
	v4 =	vadd.s32 v1, v4;
	_ =	sdelay $0x1  }
0x90: {  	v3 =	vadd.s32 v1, v3;
	_ =	sdelay $0x1  }
0x91: {  	s9 =	simm.s32 $0x7200  }
0x92: {  	[tilespmem:s9], [sflag:$0x1] =	stream.indirect_vreg.gather [hbm4b:s1+s16], $0x80, v4, vm0, $0xb8;
	[tilespmem:$0x19200] =	vst v63  }
0x93: {  	s10 =	simm.s32 $0x7A00  }
0x94: {  	[tilespmem:s10], [sflag:$0x1] =	stream.indirect_vreg.gather [hbm4b:s1+s16], $0x80, v3, vm0, $0xb8;
	[tilespmem:$0x19200] =	vst v63  }
0x95: {  	v3 =	vld [tilespmem:$0x80];
	_ =	sdelay $0x4  }
0x96: {  	v45 =	vshll.u32 v3, $0x1  }
0x97: {  	v3 =	vand.u32 $0x7, v3;
	v4 =	vand.u32 $0xFFFFFFF0, v45  }
0x98: {  	v3 =	vor.u32 v3, v4  }
0x99: {  	v4 =	vperm.xlane v3, v0;
	_ =	sdelay $0x1  }
0x9a: {  	v3 =	vperm.xlane v3, v2;
	v4 =	vadd.s32 v1, v4;
	_ =	sdelay $0x1  }
0x9b: {  	v3 =	vadd.s32 v1, v3;
	_ =	sdelay $0x1  }
0x9c: {  	s15 =	simm.s32 $0x8200  }
0x9d: {  	[tilespmem:s15], [sflag:$0x1] =	stream.indirect_vreg.gather [hbm4b:s1+s16], $0x80, v4, vm0, $0xb8;
	[tilespmem:$0x19200] =	vst v63  }
0x9e: {  	s17 =	simm.s32 $0x8A00  }
0x9f: {  	[tilespmem:s17], [sflag:$0x1] =	stream.indirect_vreg.gather [hbm4b:s1+s16], $0x80, v3, vm0, $0xb8;
	[tilespmem:$0x19200] =	vst v63  }
0xa0: {  	v3 =	vld [tilespmem:$0x90];
	_ =	sdelay $0x4  }
0xa1: {  	v46 =	vshll.u32 v3, $0x1  }
0xa2: {  	v3 =	vand.u32 $0x7, v3;
	v4 =	vand.u32 $0xFFFFFFF0, v46  }
0xa3: {  	v3 =	vor.u32 v3, v4  }
0xa4: {  	v4 =	vperm.xlane v3, v0;
	_ =	sdelay $0x1  }
0xa5: {  	v3 =	vperm.xlane v3, v2;
	v4 =	vadd.s32 v1, v4;
	_ =	sdelay $0x1  }
0xa6: {  	v3 =	vadd.s32 v1, v3;
	_ =	sdelay $0x1  }
0xa7: {  	s18 =	simm.s32 $0x9200  }
0xa8: {  	[tilespmem:s18], [sflag:$0x1] =	stream.indirect_vreg.gather [hbm4b:s1+s16], $0x80, v4, vm0, $0xb8;
	[tilespmem:$0x19200] =	vst v63  }
0xa9: {  	s19 =	simm.s32 $0x9A00  }
0xaa: {  	[tilespmem:s19], [sflag:$0x1] =	stream.indirect_vreg.gather [hbm4b:s1+s16], $0x80, v3, vm0, $0xb8;
	[tilespmem:$0x19200] =	vst v63  }
0xab: {  	v3 =	vld [tilespmem:$0xA0];
	_ =	sdelay $0x4  }
0xac: {  	v47 =	vshll.u32 v3, $0x1  }
0xad: {  	v3 =	vand.u32 $0x7, v3;
	v4 =	vand.u32 $0xFFFFFFF0, v47  }
0xae: {  	v3 =	vor.u32 v3, v4  }
0xaf: {  	v4 =	vperm.xlane v3, v0;
	_ =	sdelay $0x1  }
0xb0: {  	v3 =	vperm.xlane v3, v2;
	v4 =	vadd.s32 v1, v4;
	_ =	sdelay $0x1  }
0xb1: {  	v3 =	vadd.s32 v1, v3;
	_ =	sdelay $0x1  }
0xb2: {  	s20 =	simm.s32 $0xA200  }
0xb3: {  	[tilespmem:s20], [sflag:$0x1] =	stream.indirect_vreg.gather [hbm4b:s1+s16], $0x80, v4, vm0, $0xb8;
	[tilespmem:$0x19200] =	vst v63  }
0xb4: {  	s21 =	simm.s32 $0xAA00  }
0xb5: {  	[tilespmem:s21], [sflag:$0x1] =	stream.indirect_vreg.gather [hbm4b:s1+s16], $0x80, v3, vm0, $0xb8;
	[tilespmem:$0x19200] =	vst v63  }
0xb6: {  	v3 =	vld [tilespmem:$0xB0];
	_ =	sdelay $0x4  }
0xb7: {  	v48 =	vshll.u32 v3, $0x1  }
0xb8: {  	v3 =	vand.u32 $0x7, v3;
	v4 =	vand.u32 $0xFFFFFFF0, v48  }
0xb9: {  	v3 =	vor.u32 v3, v4  }
0xba: {  	v4 =	vperm.xlane v3, v0;
	_ =	sdelay $0x1  }
0xbb: {  	v3 =	vperm.xlane v3, v2;
	v4 =	vadd.s32 v1, v4;
	_ =	sdelay $0x1  }
0xbc: {  	v3 =	vadd.s32 v1, v3;
	_ =	sdelay $0x1  }
0xbd: {  	s2 =	simm.s32 $0xB200  }
0xbe: {  	[tilespmem:s2], [sflag:$0x1] =	stream.indirect_vreg.gather [hbm4b:s1+s16], $0x80, v4, vm0, $0xb8;
	[tilespmem:$0x19200] =	vst v63  }
0xbf: {  	s10 =	simm.s32 $0xBA00  }
0xc0: {  	[tilespmem:s10], [sflag:$0x1] =	stream.indirect_vreg.gather [hbm4b:s1+s16], $0x80, v3, vm0, $0xb8;
	[tilespmem:$0x19200] =	vst v63  }
0xc1: {  	v3 =	vld.msk [tilespmem:$0xC0], $0xff;
	_ =	sdelay $0x4  }
0xc2: {  	v49 =	vshll.u32 v3, $0x1  }
0xc3: {  	v3 =	vand.u32 $0x7, v3;
	v4 =	vand.u32 $0xFFFFFFF0, v49  }
0xc4: {  	v3 =	vor.u32 v3, v4  }
0xc5: {  	v3 =	vperm.xlane v3, v0;
	_ =	sdelay $0x1  }
0xc6: {  	v3 =	vadd.s32 v1, v3;
	_ =	sdelay $0x3  }
0xc7: {  	s21 =	simm.s32 $0xC200  }
0xc8: {  	[tilespmem:s21], [sflag:$0x1] =	stream.indirect_vreg.gather [hbm4b:s1+s16], $0x80, v3, vm0, $0xb8;
	[tilespmem:$0x19200] =	vst v63  }
0xc9: {  	s8 =	rddreg [dreg:$0x4];
	s2 =	simm.s32 $0x100  }
0xca: {  	[tilespmem:s2], [sflag:$0x5] =	stream.linear.gather [hbm4b:s8+s16], $0xC8, $0x38;
	[tilespmem:$0x19200] =	vst v63  }
0xcb: {  	_ =	swait.ge [sflag:s3], $0xC8  }
0xcc: {  	[sflag:s3] =	ssyncset.done $0x0  }
0xcd: {  	[sflag:s3] =	ssyncadd.s32 $0xFFFFFF38  }
0xce: {  	v3 =	vld [tilespmem:$0x100];
	_ =	sdelay $0x4  }
0xcf: {  	v50 =	vshll.u32 v3, $0x1  }
0xd0: {  	v3 =	vand.u32 $0x7, v3;
	v4 =	vand.u32 $0xFFFFFFF0, v50  }
0xd1: {  	v3 =	vor.u32 v3, v4  }
0xd2: {  	v4 =	vperm.xlane v3, v0;
	_ =	sdelay $0x1  }
0xd3: {  	v3 =	vperm.xlane v3, v2;
	v4 =	vadd.s32 v1, v4;
	_ =	sdelay $0x1  }
0xd4: {  	v3 =	vadd.s32 v1, v3;
	_ =	sdelay $0x1  }
0xd5: {  	s2 =	simm.s32 $0xCA00  }
0xd6: {  	[tilespmem:s2], [sflag:$0x2] =	stream.indirect_vreg.gather [hbm4b:s1+s16], $0x80, v4, vm0, $0xb8;
	[tilespmem:$0x19200] =	vst v63  }
0xd7: {  	s8 =	simm.s32 $0xD200  }
0xd8: {  	[tilespmem:s8], [sflag:$0x2] =	stream.indirect_vreg.gather [hbm4b:s1+s16], $0x80, v3, vm0, $0xb8;
	[tilespmem:$0x19200] =	vst v63  }
0xd9: {  	v3 =	vld [tilespmem:$0x110];
	_ =	sdelay $0x4  }
0xda: {  	v51 =	vshll.u32 v3, $0x1  }
0xdb: {  	v3 =	vand.u32 $0x7, v3;
	v4 =	vand.u32 $0xFFFFFFF0, v51  }
0xdc: {  	v3 =	vor.u32 v3, v4  }
0xdd: {  	v4 =	vperm.xlane v3, v0;
	_ =	sdelay $0x1  }
0xde: {  	v3 =	vperm.xlane v3, v2;
	v4 =	vadd.s32 v1, v4;
	_ =	sdelay $0x1  }
0xdf: {  	v3 =	vadd.s32 v1, v3;
	_ =	sdelay $0x1  }
0xe0: {  	s8 =	simm.s32 $0xDA00  }
0xe1: {  	[tilespmem:s8], [sflag:$0x2] =	stream.indirect_vreg.gather [hbm4b:s1+s16], $0x80, v4, vm0, $0xb8;
	[tilespmem:$0x19200] =	vst v63  }
0xe2: {  	s8 =	simm.s32 $0xE200  }
0xe3: {  	[tilespmem:s8], [sflag:$0x2] =	stream.indirect_vreg.gather [hbm4b:s1+s16], $0x80, v3, vm0, $0xb8;
	[tilespmem:$0x19200] =	vst v63  }
0xe4: {  	v3 =	vld [tilespmem:$0x120];
	_ =	sdelay $0x4  }
0xe5: {  	v52 =	vshll.u32 v3, $0x1  }
0xe6: {  	v3 =	vand.u32 $0x7, v3;
	v4 =	vand.u32 $0xFFFFFFF0, v52  }
0xe7: {  	v3 =	vor.u32 v3, v4  }
0xe8: {  	v4 =	vperm.xlane v3, v0;
	_ =	sdelay $0x1  }
0xe9: {  	v3 =	vperm.xlane v3, v2;
	v4 =	vadd.s32 v1, v4;
	_ =	sdelay $0x1  }
0xea: {  	v3 =	vadd.s32 v1, v3;
	_ =	sdelay $0x1  }
0xeb: {  	s8 =	simm.s32 $0xEA00  }
0xec: {  	[tilespmem:s8], [sflag:$0x2] =	stream.indirect_vreg.gather [hbm4b:s1+s16], $0x80, v4, vm0, $0xb8;
	[tilespmem:$0x19200] =	vst v63  }
0xed: {  	s8 =	simm.s32 $0xF200  }
0xee: {  	[tilespmem:s8], [sflag:$0x2] =	stream.indirect_vreg.gather [hbm4b:s1+s16], $0x80, v3, vm0, $0xb8;
	[tilespmem:$0x19200] =	vst v63  }
0xef: {  	v3 =	vld [tilespmem:$0x130];
	_ =	sdelay $0x4  }
0xf0: {  	v53 =	vshll.u32 v3, $0x1  }
0xf1: {  	v3 =	vand.u32 $0x7, v3;
	v4 =	vand.u32 $0xFFFFFFF0, v53  }
0xf2: {  	v3 =	vor.u32 v3, v4  }
0xf3: {  	v4 =	vperm.xlane v3, v0;
	_ =	sdelay $0x1  }
0xf4: {  	v3 =	vperm.xlane v3, v2;
	v4 =	vadd.s32 v1, v4;
	_ =	sdelay $0x1  }
0xf5: {  	v3 =	vadd.s32 v1, v3;
	_ =	sdelay $0x1  }
0xf6: {  	s8 =	simm.s32 $0xFA00  }
0xf7: {  	[tilespmem:s8], [sflag:$0x2] =	stream.indirect_vreg.gather [hbm4b:s1+s16], $0x80, v4, vm0, $0xb8;
	[tilespmem:$0x19200] =	vst v63  }
0xf8: {  	s8 =	simm.s32 $0x10200  }
0xf9: {  	[tilespmem:s8], [sflag:$0x2] =	stream.indirect_vreg.gather [hbm4b:s1+s16], $0x80, v3, vm0, $0xb8;
	[tilespmem:$0x19200] =	vst v63  }
0xfa: {  	v3 =	vld [tilespmem:$0x140];
	_ =	sdelay $0x4  }
0xfb: {  	v54 =	vshll.u32 v3, $0x1  }
0xfc: {  	v3 =	vand.u32 $0x7, v3;
	v4 =	vand.u32 $0xFFFFFFF0, v54  }
0xfd: {  	v3 =	vor.u32 v3, v4  }
0xfe: {  	v4 =	vperm.xlane v3, v0;
	_ =	sdelay $0x1  }
0xff: {  	v3 =	vperm.xlane v3, v2;
	v4 =	vadd.s32 v1, v4;
	_ =	sdelay $0x1  }
0x100: {  	v3 =	vadd.s32 v1, v3;
	_ =	sdelay $0x1  }
0x101: {  	s8 =	simm.s32 $0x10A00  }
0x102: {  	[tilespmem:s8], [sflag:$0x2] =	stream.indirect_vreg.gather [hbm4b:s1+s16], $0x80, v4, vm0, $0xb8;
	[tilespmem:$0x19200] =	vst v63  }
0x103: {  	s8 =	simm.s32 $0x11200  }
0x104: {  	[tilespmem:s8], [sflag:$0x2] =	stream.indirect_vreg.gather [hbm4b:s1+s16], $0x80, v3, vm0, $0xb8;
	[tilespmem:$0x19200] =	vst v63  }
0x105: {  	v3 =	vld [tilespmem:$0x150];
	_ =	sdelay $0x4  }
0x106: {  	v55 =	vshll.u32 v3, $0x1  }
0x107: {  	v3 =	vand.u32 $0x7, v3;
	v4 =	vand.u32 $0xFFFFFFF0, v55  }
0x108: {  	v3 =	vor.u32 v3, v4  }
0x109: {  	v4 =	vperm.xlane v3, v0;
	_ =	sdelay $0x1  }
0x10a: {  	v3 =	vperm.xlane v3, v2;
	v4 =	vadd.s32 v1, v4;
	_ =	sdelay $0x1  }
0x10b: {  	v3 =	vadd.s32 v1, v3;
	_ =	sdelay $0x1  }
0x10c: {  	s8 =	simm.s32 $0x11A00  }
0x10d: {  	[tilespmem:s8], [sflag:$0x2] =	stream.indirect_vreg.gather [hbm4b:s1+s16], $0x80, v4, vm0, $0xb8;
	[tilespmem:$0x19200] =	vst v63  }
0x10e: {  	s8 =	simm.s32 $0x12200  }
0x10f: {  	[tilespmem:s8], [sflag:$0x2] =	stream.indirect_vreg.gather [hbm4b:s1+s16], $0x80, v3, vm0, $0xb8;
	[tilespmem:$0x19200] =	vst v63  }
0x110: {  	v3 =	vld [tilespmem:$0x160];
	_ =	sdelay $0x4  }
0x111: {  	v56 =	vshll.u32 v3, $0x1  }
0x112: {  	v3 =	vand.u32 $0x7, v3;
	v4 =	vand.u32 $0xFFFFFFF0, v56  }
0x113: {  	v3 =	vor.u32 v3, v4  }
0x114: {  	v4 =	vperm.xlane v3, v0;
	_ =	sdelay $0x1  }
0x115: {  	v3 =	vperm.xlane v3, v2;
	v4 =	vadd.s32 v1, v4;
	_ =	sdelay $0x1  }
0x116: {  	v3 =	vadd.s32 v1, v3;
	_ =	sdelay $0x1  }
0x117: {  	s8 =	simm.s32 $0x12A00  }
0x118: {  	[tilespmem:s8], [sflag:$0x2] =	stream.indirect_vreg.gather [hbm4b:s1+s16], $0x80, v4, vm0, $0xb8;
	[tilespmem:$0x19200] =	vst v63  }
0x119: {  	s8 =	simm.s32 $0x13200  }
0x11a: {  	[tilespmem:s8], [sflag:$0x2] =	stream.indirect_vreg.gather [hbm4b:s1+s16], $0x80, v3, vm0, $0xb8;
	[tilespmem:$0x19200] =	vst v63  }
0x11b: {  	v3 =	vld [tilespmem:$0x170];
	_ =	sdelay $0x4  }
0x11c: {  	v57 =	vshll.u32 v3, $0x1  }
0x11d: {  	v3 =	vand.u32 $0x7, v3;
	v4 =	vand.u32 $0xFFFFFFF0, v57  }
0x11e: {  	v3 =	vor.u32 v3, v4  }
0x11f: {  	v4 =	vperm.xlane v3, v0;
	_ =	sdelay $0x1  }
0x120: {  	v3 =	vperm.xlane v3, v2;
	v4 =	vadd.s32 v1, v4;
	_ =	sdelay $0x1  }
0x121: {  	v3 =	vadd.s32 v1, v3;
	_ =	sdelay $0x1  }
0x122: {  	s8 =	simm.s32 $0x13A00  }
0x123: {  	[tilespmem:s8], [sflag:$0x2] =	stream.indirect_vreg.gather [hbm4b:s1+s16], $0x80, v4, vm0, $0xb8;
	[tilespmem:$0x19200] =	vst v63  }
0x124: {  	s8 =	simm.s32 $0x14200  }
0x125: {  	[tilespmem:s8], [sflag:$0x2] =	stream.indirect_vreg.gather [hbm4b:s1+s16], $0x80, v3, vm0, $0xb8;
	[tilespmem:$0x19200] =	vst v63  }
0x126: {  	v3 =	vld [tilespmem:$0x180];
	_ =	sdelay $0x4  }
0x127: {  	v58 =	vshll.u32 v3, $0x1  }
0x128: {  	v3 =	vand.u32 $0x7, v3;
	v4 =	vand.u32 $0xFFFFFFF0, v58  }
0x129: {  	v3 =	vor.u32 v3, v4  }
0x12a: {  	v4 =	vperm.xlane v3, v0;
	_ =	sdelay $0x1  }
0x12b: {  	v3 =	vperm.xlane v3, v2;
	v4 =	vadd.s32 v1, v4;
	_ =	sdelay $0x1  }
0x12c: {  	v3 =	vadd.s32 v1, v3;
	_ =	sdelay $0x1  }
0x12d: {  	s8 =	simm.s32 $0x14A00  }
0x12e: {  	[tilespmem:s8], [sflag:$0x2] =	stream.indirect_vreg.gather [hbm4b:s1+s16], $0x80, v4, vm0, $0xb8;
	[tilespmem:$0x19200] =	vst v63  }
0x12f: {  	s8 =	simm.s32 $0x15200  }
0x130: {  	[tilespmem:s8], [sflag:$0x2] =	stream.indirect_vreg.gather [hbm4b:s1+s16], $0x80, v3, vm0, $0xb8;
	[tilespmem:$0x19200] =	vst v63  }
0x131: {  	v3 =	vld [tilespmem:$0x190];
	_ =	sdelay $0x4  }
0x132: {  	v59 =	vshll.u32 v3, $0x1  }
0x133: {  	v3 =	vand.u32 $0x7, v3;
	v4 =	vand.u32 $0xFFFFFFF0, v59  }
0x134: {  	v3 =	vor.u32 v3, v4  }
0x135: {  	v4 =	vperm.xlane v3, v0;
	_ =	sdelay $0x1  }
0x136: {  	v3 =	vperm.xlane v3, v2;
	v4 =	vadd.s32 v1, v4;
	_ =	sdelay $0x1  }
0x137: {  	v3 =	vadd.s32 v1, v3;
	_ =	sdelay $0x1  }
0x138: {  	s8 =	simm.s32 $0x15A00  }
0x139: {  	[tilespmem:s8], [sflag:$0x2] =	stream.indirect_vreg.gather [hbm4b:s1+s16], $0x80, v4, vm0, $0xb8;
	[tilespmem:$0x19200] =	vst v63  }
0x13a: {  	s8 =	simm.s32 $0x16200  }
0x13b: {  	[tilespmem:s8], [sflag:$0x2] =	stream.indirect_vreg.gather [hbm4b:s1+s16], $0x80, v3, vm0, $0xb8;
	[tilespmem:$0x19200] =	vst v63  }
0x13c: {  	v3 =	vld [tilespmem:$0x1A0];
	_ =	sdelay $0x4  }
0x13d: {  	v60 =	vshll.u32 v3, $0x1  }
0x13e: {  	v3 =	vand.u32 $0x7, v3;
	v4 =	vand.u32 $0xFFFFFFF0, v60  }
0x13f: {  	v3 =	vor.u32 v3, v4  }
0x140: {  	v4 =	vperm.xlane v3, v0;
	_ =	sdelay $0x1  }
0x141: {  	v3 =	vperm.xlane v3, v2;
	v4 =	vadd.s32 v1, v4;
	_ =	sdelay $0x1  }
0x142: {  	v3 =	vadd.s32 v1, v3;
	_ =	sdelay $0x1  }
0x143: {  	s8 =	simm.s32 $0x16A00  }
0x144: {  	[tilespmem:s8], [sflag:$0x2] =	stream.indirect_vreg.gather [hbm4b:s1+s16], $0x80, v4, vm0, $0xb8;
	[tilespmem:$0x19200] =	vst v63  }
0x145: {  	s8 =	simm.s32 $0x17200  }
0x146: {  	[tilespmem:s8], [sflag:$0x2] =	stream.indirect_vreg.gather [hbm4b:s1+s16], $0x80, v3, vm0, $0xb8;
	[tilespmem:$0x19200] =	vst v63  }
0x147: {  	v3 =	vld [tilespmem:$0x1B0];
	_ =	sdelay $0x4  }
0x148: {  	v61 =	vshll.u32 v3, $0x1  }
0x149: {  	v3 =	vand.u32 $0x7, v3;
	v4 =	vand.u32 $0xFFFFFFF0, v61  }
0x14a: {  	v3 =	vor.u32 v3, v4  }
0x14b: {  	v4 =	vperm.xlane v3, v0;
	_ =	sdelay $0x1  }
0x14c: {  	v3 =	vperm.xlane v3, v2;
	v4 =	vadd.s32 v1, v4;
	_ =	sdelay $0x1  }
0x14d: {  	v3 =	vadd.s32 v1, v3;
	_ =	sdelay $0x1  }
0x14e: {  	s8 =	simm.s32 $0x17A00  }
0x14f: {  	[tilespmem:s8], [sflag:$0x2] =	stream.indirect_vreg.gather [hbm4b:s1+s16], $0x80, v4, vm0, $0xb8;
	[tilespmem:$0x19200] =	vst v63  }
0x150: {  	s8 =	simm.s32 $0x18200  }
0x151: {  	[tilespmem:s8], [sflag:$0x2] =	stream.indirect_vreg.gather [hbm4b:s1+s16], $0x80, v3, vm0, $0xb8;
	[tilespmem:$0x19200] =	vst v63  }
0x152: {  	v3 =	vld.msk [tilespmem:$0x1C0], $0xff;
	_ =	sdelay $0x4  }
0x153: {  	v62 =	vshll.u32 v3, $0x1  }
0x154: {  	v3 =	vand.u32 $0x7, v3;
	v4 =	vand.u32 $0xFFFFFFF0, v62  }
0x155: {  	v3 =	vor.u32 v3, v4  }
0x156: {  	v3 =	vperm.xlane v3, v0;
	_ =	sdelay $0x1  }
0x157: {  	v3 =	vadd.s32 v1, v3;
	_ =	sdelay $0x3  }
0x158: {  	s8 =	simm.s32 $0x18A00  }
0x159: {  	[tilespmem:s8], [sflag:$0x2] =	stream.indirect_vreg.gather [hbm4b:s1+s16], $0x80, v3, vm0, $0xb8;
	[tilespmem:$0x19200] =	vst v63  }
0x15a: {  	_ =	swait.ge [sflag:s0], $0xC800  }
0x15b: {  	[sflag:s0] =	ssyncset.done $0x0  }
0x15c: {  	s8 =	rddreg [dreg:$0x13];
	[sflag:s0] =	ssyncadd.s32 $0xFFFF3800  }
0x15d: {  	[hbm4b:s8+s16] =	stream.linear.scatter [tilespmem:s4], [sflag:$0x3], $0xC800, $0x38;
	[tilespmem:$0x19200] =	vst v63  }
0x15e: {  	_ =	swait.ge [sflag:s5], $0xC800  }
0x15f: {  	[sflag:s5] =	ssyncset.done $0x0  }
0x160: {  	s8 =	rddreg [dreg:$0x5];
	[sflag:s5] =	ssyncadd.s32 $0xFFFF3800  }
0x161: {  	[tilespmem:s16], [sflag:$0x5] =	stream.linear.gather [hbm4b:s8+s16], $0xC8, $0x38;
	[tilespmem:$0x19200] =	vst v63  }
0x162: {  	_ =	swait.ge [sflag:s3], $0xC8  }
0x163: {  	[sflag:s3] =	ssyncset.done $0x0  }
0x164: {  	[sflag:s3] =	ssyncadd.s32 $0xFFFFFF38  }
0x165: {  	v3 =	vld [tilespmem:$0x0];
	_ =	sdelay $0x4  }
0x166: {  	v63 =	vshll.u32 v3, $0x1  }
0x167: {  	v3 =	vand.u32 $0x7, v3;
	v4 =	vand.u32 $0xFFFFFFF0, v63  }
0x168: {  	v3 =	vor.u32 v3, v4  }
0x169: {  	v4 =	vperm.xlane v3, v0;
	_ =	sdelay $0x1  }
0x16a: {  	v3 =	vperm.xlane v3, v2;
	v4 =	vadd.s32 v1, v4;
	_ =	sdelay $0x1  }
0x16b: {  	v3 =	vadd.s32 v1, v3;
	_ =	sdelay $0x2  }
0x16c: {  	[tilespmem:s4], [sflag:$0x1] =	stream.indirect_vreg.gather [hbm4b:s1+s16], $0x80, v4, vm0, $0xb8;
	[tilespmem:$0x19200] =	vst v63  }
0x16d: {  	s22 =	simm.s32 $0xA00  }
0x16e: {  	[tilespmem:s22], [sflag:$0x1] =	stream.indirect_vreg.gather [hbm4b:s1+s16], $0x80, v3, vm0, $0xb8;
	[tilespmem:$0x19200] =	vst v63  }
0x16f: {  	v3 =	vld [tilespmem:$0x10];
	_ =	sdelay $0x4  }
0x170: {  	v8 =	vshll.u32 v3, $0x1  }
0x171: {  	v3 =	vand.u32 $0x7, v3;
	v4 =	vand.u32 $0xFFFFFFF0, v8  }
0x172: {  	v3 =	vor.u32 v3, v4  }
0x173: {  	v4 =	vperm.xlane v3, v0;
	_ =	sdelay $0x1  }
0x174: {  	v3 =	vperm.xlane v3, v2;
	v4 =	vadd.s32 v1, v4;
	_ =	sdelay $0x1  }
0x175: {  	v3 =	vadd.s32 v1, v3;
	_ =	sdelay $0x1  }
0x176: {  	s22 =	simm.s32 $0x1200  }
0x177: {  	[tilespmem:s22], [sflag:$0x1] =	stream.indirect_vreg.gather [hbm4b:s1+s16], $0x80, v4, vm0, $0xb8;
	[tilespmem:$0x19200] =	vst v63  }
0x178: {  	s23 =	simm.s32 $0x1A00  }
0x179: {  	[tilespmem:s23], [sflag:$0x1] =	stream.indirect_vreg.gather [hbm4b:s1+s16], $0x80, v3, vm0, $0xb8;
	[tilespmem:$0x19200] =	vst v63  }
0x17a: {  	v3 =	vld [tilespmem:$0x20];
	_ =	sdelay $0x4  }
0x17b: {  	v9 =	vshll.u32 v3, $0x1  }
0x17c: {  	v3 =	vand.u32 $0x7, v3;
	v4 =	vand.u32 $0xFFFFFFF0, v9  }
0x17d: {  	v3 =	vor.u32 v3, v4  }
0x17e: {  	v4 =	vperm.xlane v3, v0;
	_ =	sdelay $0x1  }
0x17f: {  	v3 =	vperm.xlane v3, v2;
	v4 =	vadd.s32 v1, v4;
	_ =	sdelay $0x1  }
0x180: {  	v3 =	vadd.s32 v1, v3;
	_ =	sdelay $0x1  }
0x181: {  	s23 =	simm.s32 $0x2200  }
0x182: {  	[tilespmem:s23], [sflag:$0x1] =	stream.indirect_vreg.gather [hbm4b:s1+s16], $0x80, v4, vm0, $0xb8;
	[tilespmem:$0x19200] =	vst v63  }
0x183: {  	s24 =	simm.s32 $0x2A00  }
0x184: {  	[tilespmem:s24], [sflag:$0x1] =	stream.indirect_vreg.gather [hbm4b:s1+s16], $0x80, v3, vm0, $0xb8;
	[tilespmem:$0x19200] =	vst v63  }
0x185: {  	v3 =	vld [tilespmem:$0x30];
	_ =	sdelay $0x4  }
0x186: {  	v10 =	vshll.u32 v3, $0x1  }
0x187: {  	v3 =	vand.u32 $0x7, v3;
	v4 =	vand.u32 $0xFFFFFFF0, v10  }
0x188: {  	v3 =	vor.u32 v3, v4  }
0x189: {  	v4 =	vperm.xlane v3, v0;
	_ =	sdelay $0x1  }
0x18a: {  	v3 =	vperm.xlane v3, v2;
	v4 =	vadd.s32 v1, v4;
	_ =	sdelay $0x1  }
0x18b: {  	v3 =	vadd.s32 v1, v3;
	_ =	sdelay $0x1  }
0x18c: {  	s24 =	simm.s32 $0x3200  }
0x18d: {  	[tilespmem:s24], [sflag:$0x1] =	stream.indirect_vreg.gather [hbm4b:s1+s16], $0x80, v4, vm0, $0xb8;
	[tilespmem:$0x19200] =	vst v63  }
0x18e: {  	s25 =	simm.s32 $0x3A00  }
0x18f: {  	[tilespmem:s25], [sflag:$0x1] =	stream.indirect_vreg.gather [hbm4b:s1+s16], $0x80, v3, vm0, $0xb8;
	[tilespmem:$0x19200] =	vst v63  }
0x190: {  	v3 =	vld [tilespmem:$0x40];
	_ =	sdelay $0x4  }
0x191: {  	v11 =	vshll.u32 v3, $0x1  }
0x192: {  	v3 =	vand.u32 $0x7, v3;
	v4 =	vand.u32 $0xFFFFFFF0, v11  }
0x193: {  	v3 =	vor.u32 v3, v4  }
0x194: {  	v4 =	vperm.xlane v3, v0;
	_ =	sdelay $0x1  }
0x195: {  	v3 =	vperm.xlane v3, v2;
	v4 =	vadd.s32 v1, v4;
	_ =	sdelay $0x1  }
0x196: {  	v3 =	vadd.s32 v1, v3;
	_ =	sdelay $0x1  }
0x197: {  	s11 =	simm.s32 $0x4200  }
0x198: {  	[tilespmem:s11], [sflag:$0x1] =	stream.indirect_vreg.gather [hbm4b:s1+s16], $0x80, v4, vm0, $0xb8;
	[tilespmem:$0x19200] =	vst v63  }
0x199: {  	s26 =	simm.s32 $0x4A00  }
0x19a: {  	[tilespmem:s26], [sflag:$0x1] =	stream.indirect_vreg.gather [hbm4b:s1+s16], $0x80, v3, vm0, $0xb8;
	[tilespmem:$0x19200] =	vst v63  }
0x19b: {  	v3 =	vld [tilespmem:$0x50];
	_ =	sdelay $0x4  }
0x19c: {  	v12 =	vshll.u32 v3, $0x1  }
0x19d: {  	v3 =	vand.u32 $0x7, v3;
	v4 =	vand.u32 $0xFFFFFFF0, v12  }
0x19e: {  	v3 =	vor.u32 v3, v4  }
0x19f: {  	v4 =	vperm.xlane v3, v0;
	_ =	sdelay $0x1  }
0x1a0: {  	v3 =	vperm.xlane v3, v2;
	v4 =	vadd.s32 v1, v4;
	_ =	sdelay $0x1  }
0x1a1: {  	v3 =	vadd.s32 v1, v3;
	_ =	sdelay $0x1  }
0x1a2: {  	s12 =	simm.s32 $0x5200  }
0x1a3: {  	[tilespmem:s12], [sflag:$0x1] =	stream.indirect_vreg.gather [hbm4b:s1+s16], $0x80, v4, vm0, $0xb8;
	[tilespmem:$0x19200] =	vst v63  }
0x1a4: {  	s28 =	simm.s32 $0x5A00  }
0x1a5: {  	[tilespmem:s28], [sflag:$0x1] =	stream.indirect_vreg.gather [hbm4b:s1+s16], $0x80, v3, vm0, $0xb8;
	[tilespmem:$0x19200] =	vst v63  }
0x1a6: {  	v3 =	vld [tilespmem:$0x60];
	_ =	sdelay $0x4  }
0x1a7: {  	v13 =	vshll.u32 v3, $0x1  }
0x1a8: {  	v3 =	vand.u32 $0x7, v3;
	v4 =	vand.u32 $0xFFFFFFF0, v13  }
0x1a9: {  	v3 =	vor.u32 v3, v4  }
0x1aa: {  	v4 =	vperm.xlane v3, v0;
	_ =	sdelay $0x1  }
0x1ab: {  	v3 =	vperm.xlane v3, v2;
	v4 =	vadd.s32 v1, v4;
	_ =	sdelay $0x1  }
0x1ac: {  	v3 =	vadd.s32 v1, v3;
	_ =	sdelay $0x1  }
0x1ad: {  	s13 =	simm.s32 $0x6200  }
0x1ae: {  	[tilespmem:s13], [sflag:$0x1] =	stream.indirect_vreg.gather [hbm4b:s1+s16], $0x80, v4, vm0, $0xb8;
	[tilespmem:$0x19200] =	vst v63  }
0x1af: {  	s29 =	simm.s32 $0x6A00  }
0x1b0: {  	[tilespmem:s29], [sflag:$0x1] =	stream.indirect_vreg.gather [hbm4b:s1+s16], $0x80, v3, vm0, $0xb8;
	[tilespmem:$0x19200] =	vst v63  }
0x1b1: {  	v3 =	vld [tilespmem:$0x70];
	_ =	sdelay $0x4  }
0x1b2: {  	v14 =	vshll.u32 v3, $0x1  }
0x1b3: {  	v3 =	vand.u32 $0x7, v3;
	v4 =	vand.u32 $0xFFFFFFF0, v14  }
0x1b4: {  	v3 =	vor.u32 v3, v4  }
0x1b5: {  	v4 =	vperm.xlane v3, v0;
	_ =	sdelay $0x1  }
0x1b6: {  	v3 =	vperm.xlane v3, v2;
	v4 =	vadd.s32 v1, v4;
	_ =	sdelay $0x1  }
0x1b7: {  	v3 =	vadd.s32 v1, v3;
	_ =	sdelay $0x1  }
0x1b8: {  	s14 =	simm.s32 $0x7200  }
0x1b9: {  	[tilespmem:s14], [sflag:$0x1] =	stream.indirect_vreg.gather [hbm4b:s1+s16], $0x80, v4, vm0, $0xb8;
	[tilespmem:$0x19200] =	vst v63  }
0x1ba: {  	s30 =	simm.s32 $0x7A00  }
0x1bb: {  	[tilespmem:s30], [sflag:$0x1] =	stream.indirect_vreg.gather [hbm4b:s1+s16], $0x80, v3, vm0, $0xb8;
	[tilespmem:$0x19200] =	vst v63  }
0x1bc: {  	v3 =	vld [tilespmem:$0x80];
	_ =	sdelay $0x4  }
0x1bd: {  	v15 =	vshll.u32 v3, $0x1  }
0x1be: {  	v3 =	vand.u32 $0x7, v3;
	v4 =	vand.u32 $0xFFFFFFF0, v15  }
0x1bf: {  	v3 =	vor.u32 v3, v4  }
0x1c0: {  	v4 =	vperm.xlane v3, v0;
	_ =	sdelay $0x1  }
0x1c1: {  	v3 =	vperm.xlane v3, v2;
	v4 =	vadd.s32 v1, v4;
	_ =	sdelay $0x1  }
0x1c2: {  	v3 =	vadd.s32 v1, v3;
	_ =	sdelay $0x1  }
0x1c3: {  	s15 =	simm.s32 $0x8200  }
0x1c4: {  	[tilespmem:s15], [sflag:$0x1] =	stream.indirect_vreg.gather [hbm4b:s1+s16], $0x80, v4, vm0, $0xb8;
	[tilespmem:$0x19200] =	vst v63  }
0x1c5: {  	s31 =	simm.s32 $0x8A00  }
0x1c6: {  	[tilespmem:s31], [sflag:$0x1] =	stream.indirect_vreg.gather [hbm4b:s1+s16], $0x80, v3, vm0, $0xb8;
	[tilespmem:$0x19200] =	vst v63  }
0x1c7: {  	v3 =	vld [tilespmem:$0x90];
	_ =	sdelay $0x4  }
0x1c8: {  	v16 =	vshll.u32 v3, $0x1  }
0x1c9: {  	v3 =	vand.u32 $0x7, v3;
	v4 =	vand.u32 $0xFFFFFFF0, v16  }
0x1ca: {  	v3 =	vor.u32 v3, v4  }
0x1cb: {  	v4 =	vperm.xlane v3, v0;
	_ =	sdelay $0x1  }
0x1cc: {  	v3 =	vperm.xlane v3, v2;
	v4 =	vadd.s32 v1, v4;
	_ =	sdelay $0x1  }
0x1cd: {  	v3 =	vadd.s32 v1, v3;
	_ =	sdelay $0x1  }
0x1ce: {  	s18 =	simm.s32 $0x9200  }
0x1cf: {  	[tilespmem:s18], [sflag:$0x1] =	stream.indirect_vreg.gather [hbm4b:s1+s16], $0x80, v4, vm0, $0xb8;
	[tilespmem:$0x19200] =	vst v63  }
0x1d0: {  	s17 =	simm.s32 $0x9A00  }
0x1d1: {  	[tilespmem:s17], [sflag:$0x1] =	stream.indirect_vreg.gather [hbm4b:s1+s16], $0x80, v3, vm0, $0xb8;
	[tilespmem:$0x19200] =	vst v63  }
0x1d2: {  	v3 =	vld [tilespmem:$0xA0];
	_ =	sdelay $0x4  }
0x1d3: {  	v17 =	vshll.u32 v3, $0x1  }
0x1d4: {  	v3 =	vand.u32 $0x7, v3;
	v4 =	vand.u32 $0xFFFFFFF0, v17  }
0x1d5: {  	v3 =	vor.u32 v3, v4  }
0x1d6: {  	v4 =	vperm.xlane v3, v0;
	_ =	sdelay $0x1  }
0x1d7: {  	v3 =	vperm.xlane v3, v2;
	v4 =	vadd.s32 v1, v4;
	_ =	sdelay $0x1  }
0x1d8: {  	v3 =	vadd.s32 v1, v3;
	_ =	sdelay $0x1  }
0x1d9: {  	s19 =	simm.s32 $0xA200  }
0x1da: {  	[tilespmem:s19], [sflag:$0x1] =	stream.indirect_vreg.gather [hbm4b:s1+s16], $0x80, v4, vm0, $0xb8;
	[tilespmem:$0x19200] =	vst v63  }
0x1db: {  	s9 =	simm.s32 $0xAA00  }
0x1dc: {  	[tilespmem:s9], [sflag:$0x1] =	stream.indirect_vreg.gather [hbm4b:s1+s16], $0x80, v3, vm0, $0xb8;
	[tilespmem:$0x19200] =	vst v63  }
0x1dd: {  	v3 =	vld [tilespmem:$0xB0];
	_ =	sdelay $0x4  }
0x1de: {  	v18 =	vshll.u32 v3, $0x1  }
0x1df: {  	v3 =	vand.u32 $0x7, v3;
	v4 =	vand.u32 $0xFFFFFFF0, v18  }
0x1e0: {  	v3 =	vor.u32 v3, v4  }
0x1e1: {  	v4 =	vperm.xlane v3, v0;
	_ =	sdelay $0x1  }
0x1e2: {  	v3 =	vperm.xlane v3, v2;
	v4 =	vadd.s32 v1, v4;
	_ =	sdelay $0x1  }
0x1e3: {  	v3 =	vadd.s32 v1, v3;
	_ =	sdelay $0x1  }
0x1e4: {  	s20 =	simm.s32 $0xB200  }
0x1e5: {  	[tilespmem:s20], [sflag:$0x1] =	stream.indirect_vreg.gather [hbm4b:s1+s16], $0x80, v4, vm0, $0xb8;
	[tilespmem:$0x19200] =	vst v63  }
0x1e6: {  	s10 =	simm.s32 $0xBA00  }
0x1e7: {  	[tilespmem:s10], [sflag:$0x1] =	stream.indirect_vreg.gather [hbm4b:s1+s16], $0x80, v3, vm0, $0xb8;
	[tilespmem:$0x19200] =	vst v63  }
0x1e8: {  	v3 =	vld.msk [tilespmem:$0xC0], $0xff;
	_ =	sdelay $0x4  }
0x1e9: {  	v19 =	vshll.u32 v3, $0x1  }
0x1ea: {  	v3 =	vand.u32 $0x7, v3;
	v4 =	vand.u32 $0xFFFFFFF0, v19  }
0x1eb: {  	v3 =	vor.u32 v3, v4  }
0x1ec: {  	v3 =	vperm.xlane v3, v0;
	_ =	sdelay $0x1  }
0x1ed: {  	v3 =	vadd.s32 v1, v3;
	_ =	sdelay $0x3  }
0x1ee: {  	s21 =	simm.s32 $0xC200  }
0x1ef: {  	[tilespmem:s21], [sflag:$0x1] =	stream.indirect_vreg.gather [hbm4b:s1+s16], $0x80, v3, vm0, $0xb8;
	[tilespmem:$0x19200] =	vst v63  }
0x1f0: {  	_ =	swait.ge [sflag:s6], $0xC800  }
0x1f1: {  	[sflag:s6] =	ssyncset.done $0x0  }
0x1f2: {  	s21 =	rddreg [dreg:$0x14];
	[sflag:s6] =	ssyncadd.s32 $0xFFFF3800  }
0x1f3: {  	[hbm4b:s21+s16] =	stream.linear.scatter [tilespmem:s2], [sflag:$0x4], $0xC800, $0x38;
	[tilespmem:$0x19200] =	vst v63  }
0x1f4: {  	_ =	swait.ge [sflag:s7], $0xC800  }
0x1f5: {  	[sflag:s7] =	ssyncset.done $0x0  }
0x1f6: {  	s21 =	simm.s32 $0x100;
	s8 =	rddreg [dreg:$0x6];
	[sflag:s7] =	ssyncadd.s32 $0xFFFF3800  }
0x1f7: {  	[tilespmem:s21], [sflag:$0x5] =	stream.linear.gather [hbm4b:s8+s16], $0xC8, $0x38;
	[tilespmem:$0x19200] =	vst v63  }
0x1f8: {  	_ =	swait.ge [sflag:s3], $0xC8  }
0x1f9: {  	[sflag:s3] =	ssyncset.done $0x0  }
0x1fa: {  	[sflag:s3] =	ssyncadd.s32 $0xFFFFFF38  }
0x1fb: {  	v3 =	vld [tilespmem:$0x100];
	_ =	sdelay $0x4  }
0x1fc: {  	v20 =	vshll.u32 v3, $0x1  }
0x1fd: {  	v3 =	vand.u32 $0x7, v3;
	v4 =	vand.u32 $0xFFFFFFF0, v20  }
0x1fe: {  	v3 =	vor.u32 v3, v4  }
0x1ff: {  	v4 =	vperm.xlane v3, v0;
	_ =	sdelay $0x1  }
0x200: {  	v3 =	vperm.xlane v3, v2;
	v4 =	vadd.s32 v1, v4;
	_ =	sdelay $0x1  }
0x201: {  	v3 =	vadd.s32 v1, v3;
	_ =	sdelay $0x2  }
0x202: {  	[tilespmem:s2], [sflag:$0x2] =	stream.indirect_vreg.gather [hbm4b:s1+s16], $0x80, v4, vm0, $0xb8;
	[tilespmem:$0x19200] =	vst v63  }
0x203: {  	s21 =	simm.s32 $0xD200  }
0x204: {  	[tilespmem:s21], [sflag:$0x2] =	stream.indirect_vreg.gather [hbm4b:s1+s16], $0x80, v3, vm0, $0xb8;
	[tilespmem:$0x19200] =	vst v63  }
0x205: {  	v3 =	vld [tilespmem:$0x110];
	_ =	sdelay $0x4  }
0x206: {  	v21 =	vshll.u32 v3, $0x1  }
0x207: {  	v3 =	vand.u32 $0x7, v3;
	v4 =	vand.u32 $0xFFFFFFF0, v21  }
0x208: {  	v3 =	vor.u32 v3, v4  }
0x209: {  	v4 =	vperm.xlane v3, v0;
	_ =	sdelay $0x1  }
0x20a: {  	v3 =	vperm.xlane v3, v2;
	v4 =	vadd.s32 v1, v4;
	_ =	sdelay $0x1  }
0x20b: {  	v3 =	vadd.s32 v1, v3;
	_ =	sdelay $0x1  }
0x20c: {  	s21 =	simm.s32 $0xDA00  }
0x20d: {  	[tilespmem:s21], [sflag:$0x2] =	stream.indirect_vreg.gather [hbm4b:s1+s16], $0x80, v4, vm0, $0xb8;
	[tilespmem:$0x19200] =	vst v63  }
0x20e: {  	s8 =	simm.s32 $0xE200  }
0x20f: {  	[tilespmem:s8], [sflag:$0x2] =	stream.indirect_vreg.gather [hbm4b:s1+s16], $0x80, v3, vm0, $0xb8;
	[tilespmem:$0x19200] =	vst v63  }
0x210: {  	v3 =	vld [tilespmem:$0x120];
	_ =	sdelay $0x4  }
0x211: {  	v22 =	vshll.u32 v3, $0x1  }
0x212: {  	v3 =	vand.u32 $0x7, v3;
	v4 =	vand.u32 $0xFFFFFFF0, v22  }
0x213: {  	v3 =	vor.u32 v3, v4  }
0x214: {  	v4 =	vperm.xlane v3, v0;
	_ =	sdelay $0x1  }
0x215: {  	v3 =	vperm.xlane v3, v2;
	v4 =	vadd.s32 v1, v4;
	_ =	sdelay $0x1  }
0x216: {  	v3 =	vadd.s32 v1, v3;
	_ =	sdelay $0x1  }
0x217: {  	s8 =	simm.s32 $0xEA00  }
0x218: {  	[tilespmem:s8], [sflag:$0x2] =	stream.indirect_vreg.gather [hbm4b:s1+s16], $0x80, v4, vm0, $0xb8;
	[tilespmem:$0x19200] =	vst v63  }
0x219: {  	s8 =	simm.s32 $0xF200  }
0x21a: {  	[tilespmem:s8], [sflag:$0x2] =	stream.indirect_vreg.gather [hbm4b:s1+s16], $0x80, v3, vm0, $0xb8;
	[tilespmem:$0x19200] =	vst v63  }
0x21b: {  	v3 =	vld [tilespmem:$0x130];
	_ =	sdelay $0x4  }
0x21c: {  	v23 =	vshll.u32 v3, $0x1  }
0x21d: {  	v3 =	vand.u32 $0x7, v3;
	v4 =	vand.u32 $0xFFFFFFF0, v23  }
0x21e: {  	v3 =	vor.u32 v3, v4  }
0x21f: {  	v4 =	vperm.xlane v3, v0;
	_ =	sdelay $0x1  }
0x220: {  	v3 =	vperm.xlane v3, v2;
	v4 =	vadd.s32 v1, v4;
	_ =	sdelay $0x1  }
0x221: {  	v3 =	vadd.s32 v1, v3;
	_ =	sdelay $0x1  }
0x222: {  	s8 =	simm.s32 $0xFA00  }
0x223: {  	[tilespmem:s8], [sflag:$0x2] =	stream.indirect_vreg.gather [hbm4b:s1+s16], $0x80, v4, vm0, $0xb8;
	[tilespmem:$0x19200] =	vst v63  }
0x224: {  	s8 =	simm.s32 $0x10200  }
0x225: {  	[tilespmem:s8], [sflag:$0x2] =	stream.indirect_vreg.gather [hbm4b:s1+s16], $0x80, v3, vm0, $0xb8;
	[tilespmem:$0x19200] =	vst v63  }
0x226: {  	v3 =	vld [tilespmem:$0x140];
	_ =	sdelay $0x4  }
0x227: {  	v24 =	vshll.u32 v3, $0x1  }
0x228: {  	v3 =	vand.u32 $0x7, v3;
	v4 =	vand.u32 $0xFFFFFFF0, v24  }
0x229: {  	v3 =	vor.u32 v3, v4  }
0x22a: {  	v4 =	vperm.xlane v3, v0;
	_ =	sdelay $0x1  }
0x22b: {  	v3 =	vperm.xlane v3, v2;
	v4 =	vadd.s32 v1, v4;
	_ =	sdelay $0x1  }
0x22c: {  	v3 =	vadd.s32 v1, v3;
	_ =	sdelay $0x1  }
0x22d: {  	s8 =	simm.s32 $0x10A00  }
0x22e: {  	[tilespmem:s8], [sflag:$0x2] =	stream.indirect_vreg.gather [hbm4b:s1+s16], $0x80, v4, vm0, $0xb8;
	[tilespmem:$0x19200] =	vst v63  }
0x22f: {  	s8 =	simm.s32 $0x11200  }
0x230: {  	[tilespmem:s8], [sflag:$0x2] =	stream.indirect_vreg.gather [hbm4b:s1+s16], $0x80, v3, vm0, $0xb8;
	[tilespmem:$0x19200] =	vst v63  }
0x231: {  	v3 =	vld [tilespmem:$0x150];
	_ =	sdelay $0x4  }
0x232: {  	v25 =	vshll.u32 v3, $0x1  }
0x233: {  	v3 =	vand.u32 $0x7, v3;
	v4 =	vand.u32 $0xFFFFFFF0, v25  }
0x234: {  	v3 =	vor.u32 v3, v4  }
0x235: {  	v4 =	vperm.xlane v3, v0;
	_ =	sdelay $0x1  }
0x236: {  	v3 =	vperm.xlane v3, v2;
	v4 =	vadd.s32 v1, v4;
	_ =	sdelay $0x1  }
0x237: {  	v3 =	vadd.s32 v1, v3;
	_ =	sdelay $0x1  }
0x238: {  	s8 =	simm.s32 $0x11A00  }
0x239: {  	[tilespmem:s8], [sflag:$0x2] =	stream.indirect_vreg.gather [hbm4b:s1+s16], $0x80, v4, vm0, $0xb8;
	[tilespmem:$0x19200] =	vst v63  }
0x23a: {  	s8 =	simm.s32 $0x12200  }
0x23b: {  	[tilespmem:s8], [sflag:$0x2] =	stream.indirect_vreg.gather [hbm4b:s1+s16], $0x80, v3, vm0, $0xb8;
	[tilespmem:$0x19200] =	vst v63  }
0x23c: {  	v3 =	vld [tilespmem:$0x160];
	_ =	sdelay $0x4  }
0x23d: {  	v26 =	vshll.u32 v3, $0x1  }
0x23e: {  	v3 =	vand.u32 $0x7, v3;
	v4 =	vand.u32 $0xFFFFFFF0, v26  }
0x23f: {  	v3 =	vor.u32 v3, v4  }
0x240: {  	v4 =	vperm.xlane v3, v0;
	_ =	sdelay $0x1  }
0x241: {  	v3 =	vperm.xlane v3, v2;
	v4 =	vadd.s32 v1, v4;
	_ =	sdelay $0x1  }
0x242: {  	v3 =	vadd.s32 v1, v3;
	_ =	sdelay $0x1  }
0x243: {  	s8 =	simm.s32 $0x12A00  }
0x244: {  	[tilespmem:s8], [sflag:$0x2] =	stream.indirect_vreg.gather [hbm4b:s1+s16], $0x80, v4, vm0, $0xb8;
	[tilespmem:$0x19200] =	vst v63  }
0x245: {  	s8 =	simm.s32 $0x13200  }
0x246: {  	[tilespmem:s8], [sflag:$0x2] =	stream.indirect_vreg.gather [hbm4b:s1+s16], $0x80, v3, vm0, $0xb8;
	[tilespmem:$0x19200] =	vst v63  }
0x247: {  	v3 =	vld [tilespmem:$0x170];
	_ =	sdelay $0x4  }
0x248: {  	v27 =	vshll.u32 v3, $0x1  }
0x249: {  	v3 =	vand.u32 $0x7, v3;
	v4 =	vand.u32 $0xFFFFFFF0, v27  }
0x24a: {  	v3 =	vor.u32 v3, v4  }
0x24b: {  	v4 =	vperm.xlane v3, v0;
	_ =	sdelay $0x1  }
0x24c: {  	v3 =	vperm.xlane v3, v2;
	v4 =	vadd.s32 v1, v4;
	_ =	sdelay $0x1  }
0x24d: {  	v3 =	vadd.s32 v1, v3;
	_ =	sdelay $0x1  }
0x24e: {  	s8 =	simm.s32 $0x13A00  }
0x24f: {  	[tilespmem:s8], [sflag:$0x2] =	stream.indirect_vreg.gather [hbm4b:s1+s16], $0x80, v4, vm0, $0xb8;
	[tilespmem:$0x19200] =	vst v63  }
0x250: {  	s8 =	simm.s32 $0x14200  }
0x251: {  	[tilespmem:s8], [sflag:$0x2] =	stream.indirect_vreg.gather [hbm4b:s1+s16], $0x80, v3, vm0, $0xb8;
	[tilespmem:$0x19200] =	vst v63  }
0x252: {  	v3 =	vld [tilespmem:$0x180];
	_ =	sdelay $0x4  }
0x253: {  	v28 =	vshll.u32 v3, $0x1  }
0x254: {  	v3 =	vand.u32 $0x7, v3;
	v4 =	vand.u32 $0xFFFFFFF0, v28  }
0x255: {  	v3 =	vor.u32 v3, v4  }
0x256: {  	v4 =	vperm.xlane v3, v0;
	_ =	sdelay $0x1  }
0x257: {  	v3 =	vperm.xlane v3, v2;
	v4 =	vadd.s32 v1, v4;
	_ =	sdelay $0x1  }
0x258: {  	v3 =	vadd.s32 v1, v3;
	_ =	sdelay $0x1  }
0x259: {  	s8 =	simm.s32 $0x14A00  }
0x25a: {  	[tilespmem:s8], [sflag:$0x2] =	stream.indirect_vreg.gather [hbm4b:s1+s16], $0x80, v4, vm0, $0xb8;
	[tilespmem:$0x19200] =	vst v63  }
0x25b: {  	s8 =	simm.s32 $0x15200  }
0x25c: {  	[tilespmem:s8], [sflag:$0x2] =	stream.indirect_vreg.gather [hbm4b:s1+s16], $0x80, v3, vm0, $0xb8;
	[tilespmem:$0x19200] =	vst v63  }
0x25d: {  	v3 =	vld [tilespmem:$0x190];
	_ =	sdelay $0x4  }
0x25e: {  	v29 =	vshll.u32 v3, $0x1  }
0x25f: {  	v3 =	vand.u32 $0x7, v3;
	v4 =	vand.u32 $0xFFFFFFF0, v29  }
0x260: {  	v3 =	vor.u32 v3, v4  }
0x261: {  	v4 =	vperm.xlane v3, v0;
	_ =	sdelay $0x1  }
0x262: {  	v3 =	vperm.xlane v3, v2;
	v4 =	vadd.s32 v1, v4;
	_ =	sdelay $0x1  }
0x263: {  	v3 =	vadd.s32 v1, v3;
	_ =	sdelay $0x1  }
0x264: {  	s8 =	simm.s32 $0x15A00  }
0x265: {  	[tilespmem:s8], [sflag:$0x2] =	stream.indirect_vreg.gather [hbm4b:s1+s16], $0x80, v4, vm0, $0xb8;
	[tilespmem:$0x19200] =	vst v63  }
0x266: {  	s8 =	simm.s32 $0x16200  }
0x267: {  	[tilespmem:s8], [sflag:$0x2] =	stream.indirect_vreg.gather [hbm4b:s1+s16], $0x80, v3, vm0, $0xb8;
	[tilespmem:$0x19200] =	vst v63  }
0x268: {  	v3 =	vld [tilespmem:$0x1A0];
	_ =	sdelay $0x4  }
0x269: {  	v30 =	vshll.u32 v3, $0x1  }
0x26a: {  	v3 =	vand.u32 $0x7, v3;
	v4 =	vand.u32 $0xFFFFFFF0, v30  }
0x26b: {  	v3 =	vor.u32 v3, v4  }
0x26c: {  	v4 =	vperm.xlane v3, v0;
	_ =	sdelay $0x1  }
0x26d: {  	v3 =	vperm.xlane v3, v2;
	v4 =	vadd.s32 v1, v4;
	_ =	sdelay $0x1  }
0x26e: {  	v3 =	vadd.s32 v1, v3;
	_ =	sdelay $0x1  }
0x26f: {  	s8 =	simm.s32 $0x16A00  }
0x270: {  	[tilespmem:s8], [sflag:$0x2] =	stream.indirect_vreg.gather [hbm4b:s1+s16], $0x80, v4, vm0, $0xb8;
	[tilespmem:$0x19200] =	vst v63  }
0x271: {  	s8 =	simm.s32 $0x17200  }
0x272: {  	[tilespmem:s8], [sflag:$0x2] =	stream.indirect_vreg.gather [hbm4b:s1+s16], $0x80, v3, vm0, $0xb8;
	[tilespmem:$0x19200] =	vst v63  }
0x273: {  	v3 =	vld [tilespmem:$0x1B0];
	_ =	sdelay $0x4  }
0x274: {  	v31 =	vshll.u32 v3, $0x1  }
0x275: {  	v3 =	vand.u32 $0x7, v3;
	v4 =	vand.u32 $0xFFFFFFF0, v31  }
0x276: {  	v3 =	vor.u32 v3, v4  }
0x277: {  	v4 =	vperm.xlane v3, v0;
	_ =	sdelay $0x1  }
0x278: {  	v3 =	vperm.xlane v3, v2;
	v4 =	vadd.s32 v1, v4;
	_ =	sdelay $0x1  }
0x279: {  	v3 =	vadd.s32 v1, v3;
	_ =	sdelay $0x1  }
0x27a: {  	s8 =	simm.s32 $0x17A00  }
0x27b: {  	[tilespmem:s8], [sflag:$0x2] =	stream.indirect_vreg.gather [hbm4b:s1+s16], $0x80, v4, vm0, $0xb8;
	[tilespmem:$0x19200] =	vst v63  }
0x27c: {  	s8 =	simm.s32 $0x18200  }
0x27d: {  	[tilespmem:s8], [sflag:$0x2] =	stream.indirect_vreg.gather [hbm4b:s1+s16], $0x80, v3, vm0, $0xb8;
	[tilespmem:$0x19200] =	vst v63  }
0x27e: {  	v3 =	vld.msk [tilespmem:$0x1C0], $0xff;
	_ =	sdelay $0x4  }
0x27f: {  	v32 =	vshll.u32 v3, $0x1  }
0x280: {  	v3 =	vand.u32 $0x7, v3;
	v4 =	vand.u32 $0xFFFFFFF0, v32  }
0x281: {  	v3 =	vor.u32 v3, v4  }
0x282: {  	v3 =	vperm.xlane v3, v0;
	_ =	sdelay $0x1  }
0x283: {  	v3 =	vadd.s32 v1, v3;
	_ =	sdelay $0x3  }
0x284: {  	s8 =	simm.s32 $0x18A00  }
0x285: {  	[tilespmem:s8], [sflag:$0x2] =	stream.indirect_vreg.gather [hbm4b:s1+s16], $0x80, v3, vm0, $0xb8;
	[tilespmem:$0x19200] =	vst v63  }
0x286: {  	_ =	swait.ge [sflag:s0], $0xC800  }
0x287: {  	[sflag:s0] =	ssyncset.done $0x0  }
0x288: {  	s8 =	rddreg [dreg:$0x15];
	[sflag:s0] =	ssyncadd.s32 $0xFFFF3800  }
0x289: {  	[hbm4b:s8+s16] =	stream.linear.scatter [tilespmem:s4], [sflag:$0x3], $0xC800, $0x38;
	[tilespmem:$0x19200] =	vst v63  }
0x28a: {  	_ =	swait.ge [sflag:s5], $0xC800  }
0x28b: {  	[sflag:s5] =	ssyncset.done $0x0  }
0x28c: {  	s8 =	rddreg [dreg:$0x7];
	[sflag:s5] =	ssyncadd.s32 $0xFFFF3800  }
0x28d: {  	[tilespmem:s16], [sflag:$0x5] =	stream.linear.gather [hbm4b:s8+s16], $0xC8, $0x38;
	[tilespmem:$0x19200] =	vst v63  }
0x28e: {  	_ =	swait.ge [sflag:s3], $0xC8  }
0x28f: {  	[sflag:s3] =	ssyncset.done $0x0  }
0x290: {  	[sflag:s3] =	ssyncadd.s32 $0xFFFFFF38  }
0x291: {  	v3 =	vld [tilespmem:$0x0];
	_ =	sdelay $0x4  }
0x292: {  	v33 =	vshll.u32 v3, $0x1  }
0x293: {  	v3 =	vand.u32 $0x7, v3;
	v4 =	vand.u32 $0xFFFFFFF0, v33  }
0x294: {  	v3 =	vor.u32 v3, v4  }
0x295: {  	v4 =	vperm.xlane v3, v0;
	_ =	sdelay $0x1  }
0x296: {  	v3 =	vperm.xlane v3, v2;
	v4 =	vadd.s32 v1, v4;
	_ =	sdelay $0x1  }
0x297: {  	v3 =	vadd.s32 v1, v3;
	_ =	sdelay $0x2  }
0x298: {  	[tilespmem:s4], [sflag:$0x1] =	stream.indirect_vreg.gather [hbm4b:s1+s16], $0x80, v4, vm0, $0xb8;
	[tilespmem:$0x19200] =	vst v63  }
0x299: {  	s8 =	simm.s32 $0xA00  }
0x29a: {  	[tilespmem:s8], [sflag:$0x1] =	stream.indirect_vreg.gather [hbm4b:s1+s16], $0x80, v3, vm0, $0xb8;
	[tilespmem:$0x19200] =	vst v63  }
0x29b: {  	v3 =	vld [tilespmem:$0x10];
	_ =	sdelay $0x4  }
0x29c: {  	v34 =	vshll.u32 v3, $0x1  }
0x29d: {  	v3 =	vand.u32 $0x7, v3;
	v4 =	vand.u32 $0xFFFFFFF0, v34  }
0x29e: {  	v3 =	vor.u32 v3, v4  }
0x29f: {  	v4 =	vperm.xlane v3, v0;
	_ =	sdelay $0x1  }
0x2a0: {  	v3 =	vperm.xlane v3, v2;
	v4 =	vadd.s32 v1, v4;
	_ =	sdelay $0x1  }
0x2a1: {  	v3 =	vadd.s32 v1, v3;
	_ =	sdelay $0x1  }
0x2a2: {  	s22 =	simm.s32 $0x1200  }
0x2a3: {  	[tilespmem:s22], [sflag:$0x1] =	stream.indirect_vreg.gather [hbm4b:s1+s16], $0x80, v4, vm0, $0xb8;
	[tilespmem:$0x19200] =	vst v63  }
0x2a4: {  	s8 =	simm.s32 $0x1A00  }
0x2a5: {  	[tilespmem:s8], [sflag:$0x1] =	stream.indirect_vreg.gather [hbm4b:s1+s16], $0x80, v3, vm0, $0xb8;
	[tilespmem:$0x19200] =	vst v63  }
0x2a6: {  	v3 =	vld [tilespmem:$0x20];
	_ =	sdelay $0x4  }
0x2a7: {  	v35 =	vshll.u32 v3, $0x1  }
0x2a8: {  	v3 =	vand.u32 $0x7, v3;
	v4 =	vand.u32 $0xFFFFFFF0, v35  }
0x2a9: {  	v3 =	vor.u32 v3, v4  }
0x2aa: {  	v4 =	vperm.xlane v3, v0;
	_ =	sdelay $0x1  }
0x2ab: {  	v3 =	vperm.xlane v3, v2;
	v4 =	vadd.s32 v1, v4;
	_ =	sdelay $0x1  }
0x2ac: {  	v3 =	vadd.s32 v1, v3;
	_ =	sdelay $0x1  }
0x2ad: {  	s23 =	simm.s32 $0x2200  }
0x2ae: {  	[tilespmem:s23], [sflag:$0x1] =	stream.indirect_vreg.gather [hbm4b:s1+s16], $0x80, v4, vm0, $0xb8;
	[tilespmem:$0x19200] =	vst v63  }
0x2af: {  	s8 =	simm.s32 $0x2A00  }
0x2b0: {  	[tilespmem:s8], [sflag:$0x1] =	stream.indirect_vreg.gather [hbm4b:s1+s16], $0x80, v3, vm0, $0xb8;
	[tilespmem:$0x19200] =	vst v63  }
0x2b1: {  	v3 =	vld [tilespmem:$0x30];
	_ =	sdelay $0x4  }
0x2b2: {  	v36 =	vshll.u32 v3, $0x1  }
0x2b3: {  	v3 =	vand.u32 $0x7, v3;
	v4 =	vand.u32 $0xFFFFFFF0, v36  }
0x2b4: {  	v3 =	vor.u32 v3, v4  }
0x2b5: {  	v4 =	vperm.xlane v3, v0;
	_ =	sdelay $0x1  }
0x2b6: {  	v3 =	vperm.xlane v3, v2;
	v4 =	vadd.s32 v1, v4;
	_ =	sdelay $0x1  }
0x2b7: {  	v3 =	vadd.s32 v1, v3;
	_ =	sdelay $0x1  }
0x2b8: {  	s24 =	simm.s32 $0x3200  }
0x2b9: {  	[tilespmem:s24], [sflag:$0x1] =	stream.indirect_vreg.gather [hbm4b:s1+s16], $0x80, v4, vm0, $0xb8;
	[tilespmem:$0x19200] =	vst v63  }
0x2ba: {  	s25 =	simm.s32 $0x3A00  }
0x2bb: {  	[tilespmem:s25], [sflag:$0x1] =	stream.indirect_vreg.gather [hbm4b:s1+s16], $0x80, v3, vm0, $0xb8;
	[tilespmem:$0x19200] =	vst v63  }
0x2bc: {  	v3 =	vld [tilespmem:$0x40];
	_ =	sdelay $0x4  }
0x2bd: {  	v37 =	vshll.u32 v3, $0x1  }
0x2be: {  	v3 =	vand.u32 $0x7, v3;
	v4 =	vand.u32 $0xFFFFFFF0, v37  }
0x2bf: {  	v3 =	vor.u32 v3, v4  }
0x2c0: {  	v4 =	vperm.xlane v3, v0;
	_ =	sdelay $0x1  }
0x2c1: {  	v3 =	vperm.xlane v3, v2;
	v4 =	vadd.s32 v1, v4;
	_ =	sdelay $0x1  }
0x2c2: {  	v3 =	vadd.s32 v1, v3;
	_ =	sdelay $0x1  }
0x2c3: {  	s11 =	simm.s32 $0x4200  }
0x2c4: {  	[tilespmem:s11], [sflag:$0x1] =	stream.indirect_vreg.gather [hbm4b:s1+s16], $0x80, v4, vm0, $0xb8;
	[tilespmem:$0x19200] =	vst v63  }
0x2c5: {  	s26 =	simm.s32 $0x4A00  }
0x2c6: {  	[tilespmem:s26], [sflag:$0x1] =	stream.indirect_vreg.gather [hbm4b:s1+s16], $0x80, v3, vm0, $0xb8;
	[tilespmem:$0x19200] =	vst v63  }
0x2c7: {  	v3 =	vld [tilespmem:$0x50];
	_ =	sdelay $0x4  }
0x2c8: {  	v38 =	vshll.u32 v3, $0x1  }
0x2c9: {  	v3 =	vand.u32 $0x7, v3;
	v4 =	vand.u32 $0xFFFFFFF0, v38  }
0x2ca: {  	v3 =	vor.u32 v3, v4  }
0x2cb: {  	v4 =	vperm.xlane v3, v0;
	_ =	sdelay $0x1  }
0x2cc: {  	v3 =	vperm.xlane v3, v2;
	v4 =	vadd.s32 v1, v4;
	_ =	sdelay $0x1  }
0x2cd: {  	v3 =	vadd.s32 v1, v3;
	_ =	sdelay $0x1  }
0x2ce: {  	s12 =	simm.s32 $0x5200  }
0x2cf: {  	[tilespmem:s12], [sflag:$0x1] =	stream.indirect_vreg.gather [hbm4b:s1+s16], $0x80, v4, vm0, $0xb8;
	[tilespmem:$0x19200] =	vst v63  }
0x2d0: {  	s28 =	simm.s32 $0x5A00  }
0x2d1: {  	[tilespmem:s28], [sflag:$0x1] =	stream.indirect_vreg.gather [hbm4b:s1+s16], $0x80, v3, vm0, $0xb8;
	[tilespmem:$0x19200] =	vst v63  }
0x2d2: {  	v3 =	vld [tilespmem:$0x60];
	_ =	sdelay $0x4  }
0x2d3: {  	v39 =	vshll.u32 v3, $0x1  }
0x2d4: {  	v3 =	vand.u32 $0x7, v3;
	v4 =	vand.u32 $0xFFFFFFF0, v39  }
0x2d5: {  	v3 =	vor.u32 v3, v4  }
0x2d6: {  	v4 =	vperm.xlane v3, v0;
	_ =	sdelay $0x1  }
0x2d7: {  	v3 =	vperm.xlane v3, v2;
	v4 =	vadd.s32 v1, v4;
	_ =	sdelay $0x1  }
0x2d8: {  	v3 =	vadd.s32 v1, v3;
	_ =	sdelay $0x1  }
0x2d9: {  	s13 =	simm.s32 $0x6200  }
0x2da: {  	[tilespmem:s13], [sflag:$0x1] =	stream.indirect_vreg.gather [hbm4b:s1+s16], $0x80, v4, vm0, $0xb8;
	[tilespmem:$0x19200] =	vst v63  }
0x2db: {  	s8 =	simm.s32 $0x6A00  }
0x2dc: {  	[tilespmem:s8], [sflag:$0x1] =	stream.indirect_vreg.gather [hbm4b:s1+s16], $0x80, v3, vm0, $0xb8;
	[tilespmem:$0x19200] =	vst v63  }
0x2dd: {  	v3 =	vld [tilespmem:$0x70];
	_ =	sdelay $0x4  }
0x2de: {  	v40 =	vshll.u32 v3, $0x1  }
0x2df: {  	v3 =	vand.u32 $0x7, v3;
	v4 =	vand.u32 $0xFFFFFFF0, v40  }
0x2e0: {  	v3 =	vor.u32 v3, v4  }
0x2e1: {  	v4 =	vperm.xlane v3, v0;
	_ =	sdelay $0x1  }
0x2e2: {  	v3 =	vperm.xlane v3, v2;
	v4 =	vadd.s32 v1, v4;
	_ =	sdelay $0x1  }
0x2e3: {  	v3 =	vadd.s32 v1, v3;
	_ =	sdelay $0x1  }
0x2e4: {  	s29 =	simm.s32 $0x7200  }
0x2e5: {  	[tilespmem:s29], [sflag:$0x1] =	stream.indirect_vreg.gather [hbm4b:s1+s16], $0x80, v4, vm0, $0xb8;
	[tilespmem:$0x19200] =	vst v63  }
0x2e6: {  	s30 =	simm.s32 $0x7A00  }
0x2e7: {  	[tilespmem:s30], [sflag:$0x1] =	stream.indirect_vreg.gather [hbm4b:s1+s16], $0x80, v3, vm0, $0xb8;
	[tilespmem:$0x19200] =	vst v63  }
0x2e8: {  	v3 =	vld [tilespmem:$0x80];
	_ =	sdelay $0x4  }
0x2e9: {  	v41 =	vshll.u32 v3, $0x1  }
0x2ea: {  	v3 =	vand.u32 $0x7, v3;
	v4 =	vand.u32 $0xFFFFFFF0, v41  }
0x2eb: {  	v3 =	vor.u32 v3, v4  }
0x2ec: {  	v4 =	vperm.xlane v3, v0;
	_ =	sdelay $0x1  }
0x2ed: {  	v3 =	vperm.xlane v3, v2;
	v4 =	vadd.s32 v1, v4;
	_ =	sdelay $0x1  }
0x2ee: {  	v3 =	vadd.s32 v1, v3;
	_ =	sdelay $0x1  }
0x2ef: {  	s14 =	simm.s32 $0x8200  }
0x2f0: {  	[tilespmem:s14], [sflag:$0x1] =	stream.indirect_vreg.gather [hbm4b:s1+s16], $0x80, v4, vm0, $0xb8;
	[tilespmem:$0x19200] =	vst v63  }
0x2f1: {  	s31 =	simm.s32 $0x8A00  }
0x2f2: {  	[tilespmem:s31], [sflag:$0x1] =	stream.indirect_vreg.gather [hbm4b:s1+s16], $0x80, v3, vm0, $0xb8;
	[tilespmem:$0x19200] =	vst v63  }
0x2f3: {  	v3 =	vld [tilespmem:$0x90];
	_ =	sdelay $0x4  }
0x2f4: {  	v42 =	vshll.u32 v3, $0x1  }
0x2f5: {  	v3 =	vand.u32 $0x7, v3;
	v4 =	vand.u32 $0xFFFFFFF0, v42  }
0x2f6: {  	v3 =	vor.u32 v3, v4  }
0x2f7: {  	v4 =	vperm.xlane v3, v0;
	_ =	sdelay $0x1  }
0x2f8: {  	v3 =	vperm.xlane v3, v2;
	v4 =	vadd.s32 v1, v4;
	_ =	sdelay $0x1  }
0x2f9: {  	v3 =	vadd.s32 v1, v3;
	_ =	sdelay $0x1  }
0x2fa: {  	s15 =	simm.s32 $0x9200  }
0x2fb: {  	[tilespmem:s15], [sflag:$0x1] =	stream.indirect_vreg.gather [hbm4b:s1+s16], $0x80, v4, vm0, $0xb8;
	[tilespmem:$0x19200] =	vst v63  }
0x2fc: {  	s18 =	simm.s32 $0x9A00  }
0x2fd: {  	[tilespmem:s18], [sflag:$0x1] =	stream.indirect_vreg.gather [hbm4b:s1+s16], $0x80, v3, vm0, $0xb8;
	[tilespmem:$0x19200] =	vst v63  }
0x2fe: {  	v3 =	vld [tilespmem:$0xA0];
	_ =	sdelay $0x4  }
0x2ff: {  	v43 =	vshll.u32 v3, $0x1  }
0x300: {  	v3 =	vand.u32 $0x7, v3;
	v4 =	vand.u32 $0xFFFFFFF0, v43  }
0x301: {  	v3 =	vor.u32 v3, v4  }
0x302: {  	v4 =	vperm.xlane v3, v0;
	_ =	sdelay $0x1  }
0x303: {  	v3 =	vperm.xlane v3, v2;
	v4 =	vadd.s32 v1, v4;
	_ =	sdelay $0x1  }
0x304: {  	v3 =	vadd.s32 v1, v3;
	_ =	sdelay $0x1  }
0x305: {  	s17 =	simm.s32 $0xA200  }
0x306: {  	[tilespmem:s17], [sflag:$0x1] =	stream.indirect_vreg.gather [hbm4b:s1+s16], $0x80, v4, vm0, $0xb8;
	[tilespmem:$0x19200] =	vst v63  }
0x307: {  	s19 =	simm.s32 $0xAA00  }
0x308: {  	[tilespmem:s19], [sflag:$0x1] =	stream.indirect_vreg.gather [hbm4b:s1+s16], $0x80, v3, vm0, $0xb8;
	[tilespmem:$0x19200] =	vst v63  }
0x309: {  	v3 =	vld [tilespmem:$0xB0];
	_ =	sdelay $0x4  }
0x30a: {  	v44 =	vshll.u32 v3, $0x1  }
0x30b: {  	v3 =	vand.u32 $0x7, v3;
	v4 =	vand.u32 $0xFFFFFFF0, v44  }
0x30c: {  	v3 =	vor.u32 v3, v4  }
0x30d: {  	v4 =	vperm.xlane v3, v0;
	_ =	sdelay $0x1  }
0x30e: {  	v3 =	vperm.xlane v3, v2;
	v4 =	vadd.s32 v1, v4;
	_ =	sdelay $0x1  }
0x30f: {  	v3 =	vadd.s32 v1, v3;
	_ =	sdelay $0x1  }
0x310: {  	s9 =	simm.s32 $0xB200  }
0x311: {  	[tilespmem:s9], [sflag:$0x1] =	stream.indirect_vreg.gather [hbm4b:s1+s16], $0x80, v4, vm0, $0xb8;
	[tilespmem:$0x19200] =	vst v63  }
0x312: {  	s20 =	simm.s32 $0xBA00  }
0x313: {  	[tilespmem:s20], [sflag:$0x1] =	stream.indirect_vreg.gather [hbm4b:s1+s16], $0x80, v3, vm0, $0xb8;
	[tilespmem:$0x19200] =	vst v63  }
0x314: {  	v3 =	vld.msk [tilespmem:$0xC0], $0xff;
	_ =	sdelay $0x4  }
0x315: {  	v45 =	vshll.u32 v3, $0x1  }
0x316: {  	v3 =	vand.u32 $0x7, v3;
	v4 =	vand.u32 $0xFFFFFFF0, v45  }
0x317: {  	v3 =	vor.u32 v3, v4  }
0x318: {  	v3 =	vperm.xlane v3, v0;
	_ =	sdelay $0x1  }
0x319: {  	v3 =	vadd.s32 v1, v3;
	_ =	sdelay $0x3  }
0x31a: {  	s10 =	simm.s32 $0xC200  }
0x31b: {  	[tilespmem:s10], [sflag:$0x1] =	stream.indirect_vreg.gather [hbm4b:s1+s16], $0x80, v3, vm0, $0xb8;
	[tilespmem:$0x19200] =	vst v63  }
0x31c: {  	_ =	swait.ge [sflag:s6], $0xC800  }
0x31d: {  	[sflag:s6] =	ssyncset.done $0x0  }
0x31e: {  	s9 =	rddreg [dreg:$0x16];
	[sflag:s6] =	ssyncadd.s32 $0xFFFF3800  }
0x31f: {  	[hbm4b:s9+s16] =	stream.linear.scatter [tilespmem:s2], [sflag:$0x4], $0xC800, $0x38;
	[tilespmem:$0x19200] =	vst v63  }
0x320: {  	_ =	swait.ge [sflag:s7], $0xC800  }
0x321: {  	[sflag:s7] =	ssyncset.done $0x0  }
0x322: {  	s9 =	simm.s32 $0x100;
	s8 =	rddreg [dreg:$0x8];
	[sflag:s7] =	ssyncadd.s32 $0xFFFF3800  }
0x323: {  	[tilespmem:s9], [sflag:$0x5] =	stream.linear.gather [hbm4b:s8+s16], $0xC8, $0x38;
	[tilespmem:$0x19200] =	vst v63  }
0x324: {  	_ =	swait.ge [sflag:s3], $0xC8  }
0x325: {  	[sflag:s3] =	ssyncset.done $0x0  }
0x326: {  	[sflag:s3] =	ssyncadd.s32 $0xFFFFFF38  }
0x327: {  	v3 =	vld [tilespmem:$0x100];
	_ =	sdelay $0x4  }
0x328: {  	v46 =	vshll.u32 v3, $0x1  }
0x329: {  	v3 =	vand.u32 $0x7, v3;
	v4 =	vand.u32 $0xFFFFFFF0, v46  }
0x32a: {  	v3 =	vor.u32 v3, v4  }
0x32b: {  	v4 =	vperm.xlane v3, v0;
	_ =	sdelay $0x1  }
0x32c: {  	v3 =	vperm.xlane v3, v2;
	v4 =	vadd.s32 v1, v4;
	_ =	sdelay $0x1  }
0x32d: {  	v3 =	vadd.s32 v1, v3;
	_ =	sdelay $0x2  }
0x32e: {  	[tilespmem:s2], [sflag:$0x2] =	stream.indirect_vreg.gather [hbm4b:s1+s16], $0x80, v4, vm0, $0xb8;
	[tilespmem:$0x19200] =	vst v63  }
0x32f: {  	s9 =	simm.s32 $0xD200  }
0x330: {  	[tilespmem:s9], [sflag:$0x2] =	stream.indirect_vreg.gather [hbm4b:s1+s16], $0x80, v3, vm0, $0xb8;
	[tilespmem:$0x19200] =	vst v63  }
0x331: {  	v3 =	vld [tilespmem:$0x110];
	_ =	sdelay $0x4  }
0x332: {  	v47 =	vshll.u32 v3, $0x1  }
0x333: {  	v3 =	vand.u32 $0x7, v3;
	v4 =	vand.u32 $0xFFFFFFF0, v47  }
0x334: {  	v3 =	vor.u32 v3, v4  }
0x335: {  	v4 =	vperm.xlane v3, v0;
	_ =	sdelay $0x1  }
0x336: {  	v3 =	vperm.xlane v3, v2;
	v4 =	vadd.s32 v1, v4;
	_ =	sdelay $0x1  }
0x337: {  	v3 =	vadd.s32 v1, v3;
	_ =	sdelay $0x1  }
0x338: {  	s21 =	simm.s32 $0xDA00  }
0x339: {  	[tilespmem:s21], [sflag:$0x2] =	stream.indirect_vreg.gather [hbm4b:s1+s16], $0x80, v4, vm0, $0xb8;
	[tilespmem:$0x19200] =	vst v63  }
0x33a: {  	s9 =	simm.s32 $0xE200  }
0x33b: {  	[tilespmem:s9], [sflag:$0x2] =	stream.indirect_vreg.gather [hbm4b:s1+s16], $0x80, v3, vm0, $0xb8;
	[tilespmem:$0x19200] =	vst v63  }
0x33c: {  	v3 =	vld [tilespmem:$0x120];
	_ =	sdelay $0x4  }
0x33d: {  	v48 =	vshll.u32 v3, $0x1  }
0x33e: {  	v3 =	vand.u32 $0x7, v3;
	v4 =	vand.u32 $0xFFFFFFF0, v48  }
0x33f: {  	v3 =	vor.u32 v3, v4  }
0x340: {  	v4 =	vperm.xlane v3, v0;
	_ =	sdelay $0x1  }
0x341: {  	v3 =	vperm.xlane v3, v2;
	v4 =	vadd.s32 v1, v4;
	_ =	sdelay $0x1  }
0x342: {  	v3 =	vadd.s32 v1, v3;
	_ =	sdelay $0x1  }
0x343: {  	s9 =	simm.s32 $0xEA00  }
0x344: {  	[tilespmem:s9], [sflag:$0x2] =	stream.indirect_vreg.gather [hbm4b:s1+s16], $0x80, v4, vm0, $0xb8;
	[tilespmem:$0x19200] =	vst v63  }
0x345: {  	s9 =	simm.s32 $0xF200  }
0x346: {  	[tilespmem:s9], [sflag:$0x2] =	stream.indirect_vreg.gather [hbm4b:s1+s16], $0x80, v3, vm0, $0xb8;
	[tilespmem:$0x19200] =	vst v63  }
0x347: {  	v3 =	vld [tilespmem:$0x130];
	_ =	sdelay $0x4  }
0x348: {  	v49 =	vshll.u32 v3, $0x1  }
0x349: {  	v3 =	vand.u32 $0x7, v3;
	v4 =	vand.u32 $0xFFFFFFF0, v49  }
0x34a: {  	v3 =	vor.u32 v3, v4  }
0x34b: {  	v4 =	vperm.xlane v3, v0;
	_ =	sdelay $0x1  }
0x34c: {  	v3 =	vperm.xlane v3, v2;
	v4 =	vadd.s32 v1, v4;
	_ =	sdelay $0x1  }
0x34d: {  	v3 =	vadd.s32 v1, v3;
	_ =	sdelay $0x1  }
0x34e: {  	s9 =	simm.s32 $0xFA00  }
0x34f: {  	[tilespmem:s9], [sflag:$0x2] =	stream.indirect_vreg.gather [hbm4b:s1+s16], $0x80, v4, vm0, $0xb8;
	[tilespmem:$0x19200] =	vst v63  }
0x350: {  	s9 =	simm.s32 $0x10200  }
0x351: {  	[tilespmem:s9], [sflag:$0x2] =	stream.indirect_vreg.gather [hbm4b:s1+s16], $0x80, v3, vm0, $0xb8;
	[tilespmem:$0x19200] =	vst v63  }
0x352: {  	v3 =	vld [tilespmem:$0x140];
	_ =	sdelay $0x4  }
0x353: {  	v50 =	vshll.u32 v3, $0x1  }
0x354: {  	v3 =	vand.u32 $0x7, v3;
	v4 =	vand.u32 $0xFFFFFFF0, v50  }
0x355: {  	v3 =	vor.u32 v3, v4  }
0x356: {  	v4 =	vperm.xlane v3, v0;
	_ =	sdelay $0x1  }
0x357: {  	v3 =	vperm.xlane v3, v2;
	v4 =	vadd.s32 v1, v4;
	_ =	sdelay $0x1  }
0x358: {  	v3 =	vadd.s32 v1, v3;
	_ =	sdelay $0x1  }
0x359: {  	s9 =	simm.s32 $0x10A00  }
0x35a: {  	[tilespmem:s9], [sflag:$0x2] =	stream.indirect_vreg.gather [hbm4b:s1+s16], $0x80, v4, vm0, $0xb8;
	[tilespmem:$0x19200] =	vst v63  }
0x35b: {  	s9 =	simm.s32 $0x11200  }
0x35c: {  	[tilespmem:s9], [sflag:$0x2] =	stream.indirect_vreg.gather [hbm4b:s1+s16], $0x80, v3, vm0, $0xb8;
	[tilespmem:$0x19200] =	vst v63  }
0x35d: {  	v3 =	vld [tilespmem:$0x150];
	_ =	sdelay $0x4  }
0x35e: {  	v51 =	vshll.u32 v3, $0x1  }
0x35f: {  	v3 =	vand.u32 $0x7, v3;
	v4 =	vand.u32 $0xFFFFFFF0, v51  }
0x360: {  	v3 =	vor.u32 v3, v4  }
0x361: {  	v4 =	vperm.xlane v3, v0;
	_ =	sdelay $0x1  }
0x362: {  	v3 =	vperm.xlane v3, v2;
	v4 =	vadd.s32 v1, v4;
	_ =	sdelay $0x1  }
0x363: {  	v3 =	vadd.s32 v1, v3;
	_ =	sdelay $0x1  }
0x364: {  	s9 =	simm.s32 $0x11A00  }
0x365: {  	[tilespmem:s9], [sflag:$0x2] =	stream.indirect_vreg.gather [hbm4b:s1+s16], $0x80, v4, vm0, $0xb8;
	[tilespmem:$0x19200] =	vst v63  }
0x366: {  	s9 =	simm.s32 $0x12200  }
0x367: {  	[tilespmem:s9], [sflag:$0x2] =	stream.indirect_vreg.gather [hbm4b:s1+s16], $0x80, v3, vm0, $0xb8;
	[tilespmem:$0x19200] =	vst v63  }
0x368: {  	v3 =	vld [tilespmem:$0x160];
	_ =	sdelay $0x4  }
0x369: {  	v52 =	vshll.u32 v3, $0x1  }
0x36a: {  	v3 =	vand.u32 $0x7, v3;
	v4 =	vand.u32 $0xFFFFFFF0, v52  }
0x36b: {  	v3 =	vor.u32 v3, v4  }
0x36c: {  	v4 =	vperm.xlane v3, v0;
	_ =	sdelay $0x1  }
0x36d: {  	v3 =	vperm.xlane v3, v2;
	v4 =	vadd.s32 v1, v4;
	_ =	sdelay $0x1  }
0x36e: {  	v3 =	vadd.s32 v1, v3;
	_ =	sdelay $0x1  }
0x36f: {  	s9 =	simm.s32 $0x12A00  }
0x370: {  	[tilespmem:s9], [sflag:$0x2] =	stream.indirect_vreg.gather [hbm4b:s1+s16], $0x80, v4, vm0, $0xb8;
	[tilespmem:$0x19200] =	vst v63  }
0x371: {  	s9 =	simm.s32 $0x13200  }
0x372: {  	[tilespmem:s9], [sflag:$0x2] =	stream.indirect_vreg.gather [hbm4b:s1+s16], $0x80, v3, vm0, $0xb8;
	[tilespmem:$0x19200] =	vst v63  }
0x373: {  	v3 =	vld [tilespmem:$0x170];
	_ =	sdelay $0x4  }
0x374: {  	v53 =	vshll.u32 v3, $0x1  }
0x375: {  	v3 =	vand.u32 $0x7, v3;
	v4 =	vand.u32 $0xFFFFFFF0, v53  }
0x376: {  	v3 =	vor.u32 v3, v4  }
0x377: {  	v4 =	vperm.xlane v3, v0;
	_ =	sdelay $0x1  }
0x378: {  	v3 =	vperm.xlane v3, v2;
	v4 =	vadd.s32 v1, v4;
	_ =	sdelay $0x1  }
0x379: {  	v3 =	vadd.s32 v1, v3;
	_ =	sdelay $0x1  }
0x37a: {  	s9 =	simm.s32 $0x13A00  }
0x37b: {  	[tilespmem:s9], [sflag:$0x2] =	stream.indirect_vreg.gather [hbm4b:s1+s16], $0x80, v4, vm0, $0xb8;
	[tilespmem:$0x19200] =	vst v63  }
0x37c: {  	s9 =	simm.s32 $0x14200  }
0x37d: {  	[tilespmem:s9], [sflag:$0x2] =	stream.indirect_vreg.gather [hbm4b:s1+s16], $0x80, v3, vm0, $0xb8;
	[tilespmem:$0x19200] =	vst v63  }
0x37e: {  	v3 =	vld [tilespmem:$0x180];
	_ =	sdelay $0x4  }
0x37f: {  	v54 =	vshll.u32 v3, $0x1  }
0x380: {  	v3 =	vand.u32 $0x7, v3;
	v4 =	vand.u32 $0xFFFFFFF0, v54  }
0x381: {  	v3 =	vor.u32 v3, v4  }
0x382: {  	v4 =	vperm.xlane v3, v0;
	_ =	sdelay $0x1  }
0x383: {  	v3 =	vperm.xlane v3, v2;
	v4 =	vadd.s32 v1, v4;
	_ =	sdelay $0x1  }
0x384: {  	v3 =	vadd.s32 v1, v3;
	_ =	sdelay $0x1  }
0x385: {  	s9 =	simm.s32 $0x14A00  }
0x386: {  	[tilespmem:s9], [sflag:$0x2] =	stream.indirect_vreg.gather [hbm4b:s1+s16], $0x80, v4, vm0, $0xb8;
	[tilespmem:$0x19200] =	vst v63  }
0x387: {  	s9 =	simm.s32 $0x15200  }
0x388: {  	[tilespmem:s9], [sflag:$0x2] =	stream.indirect_vreg.gather [hbm4b:s1+s16], $0x80, v3, vm0, $0xb8;
	[tilespmem:$0x19200] =	vst v63  }
0x389: {  	v3 =	vld [tilespmem:$0x190];
	_ =	sdelay $0x4  }
0x38a: {  	v55 =	vshll.u32 v3, $0x1  }
0x38b: {  	v3 =	vand.u32 $0x7, v3;
	v4 =	vand.u32 $0xFFFFFFF0, v55  }
0x38c: {  	v3 =	vor.u32 v3, v4  }
0x38d: {  	v4 =	vperm.xlane v3, v0;
	_ =	sdelay $0x1  }
0x38e: {  	v3 =	vperm.xlane v3, v2;
	v4 =	vadd.s32 v1, v4;
	_ =	sdelay $0x1  }
0x38f: {  	v3 =	vadd.s32 v1, v3;
	_ =	sdelay $0x1  }
0x390: {  	s9 =	simm.s32 $0x15A00  }
0x391: {  	[tilespmem:s9], [sflag:$0x2] =	stream.indirect_vreg.gather [hbm4b:s1+s16], $0x80, v4, vm0, $0xb8;
	[tilespmem:$0x19200] =	vst v63  }
0x392: {  	s9 =	simm.s32 $0x16200  }
0x393: {  	[tilespmem:s9], [sflag:$0x2] =	stream.indirect_vreg.gather [hbm4b:s1+s16], $0x80, v3, vm0, $0xb8;
	[tilespmem:$0x19200] =	vst v63  }
0x394: {  	v3 =	vld [tilespmem:$0x1A0];
	_ =	sdelay $0x4  }
0x395: {  	v56 =	vshll.u32 v3, $0x1  }
0x396: {  	v3 =	vand.u32 $0x7, v3;
	v4 =	vand.u32 $0xFFFFFFF0, v56  }
0x397: {  	v3 =	vor.u32 v3, v4  }
0x398: {  	v4 =	vperm.xlane v3, v0;
	_ =	sdelay $0x1  }
0x399: {  	v3 =	vperm.xlane v3, v2;
	v4 =	vadd.s32 v1, v4;
	_ =	sdelay $0x1  }
0x39a: {  	v3 =	vadd.s32 v1, v3;
	_ =	sdelay $0x1  }
0x39b: {  	s9 =	simm.s32 $0x16A00  }
0x39c: {  	[tilespmem:s9], [sflag:$0x2] =	stream.indirect_vreg.gather [hbm4b:s1+s16], $0x80, v4, vm0, $0xb8;
	[tilespmem:$0x19200] =	vst v63  }
0x39d: {  	s9 =	simm.s32 $0x17200  }
0x39e: {  	[tilespmem:s9], [sflag:$0x2] =	stream.indirect_vreg.gather [hbm4b:s1+s16], $0x80, v3, vm0, $0xb8;
	[tilespmem:$0x19200] =	vst v63  }
0x39f: {  	v3 =	vld [tilespmem:$0x1B0];
	_ =	sdelay $0x4  }
0x3a0: {  	v57 =	vshll.u32 v3, $0x1  }
0x3a1: {  	v3 =	vand.u32 $0x7, v3;
	v4 =	vand.u32 $0xFFFFFFF0, v57  }
0x3a2: {  	v3 =	vor.u32 v3, v4  }
0x3a3: {  	v4 =	vperm.xlane v3, v0;
	_ =	sdelay $0x1  }
0x3a4: {  	v3 =	vperm.xlane v3, v2;
	v4 =	vadd.s32 v1, v4;
	_ =	sdelay $0x1  }
0x3a5: {  	v3 =	vadd.s32 v1, v3;
	_ =	sdelay $0x1  }
0x3a6: {  	s9 =	simm.s32 $0x17A00  }
0x3a7: {  	[tilespmem:s9], [sflag:$0x2] =	stream.indirect_vreg.gather [hbm4b:s1+s16], $0x80, v4, vm0, $0xb8;
	[tilespmem:$0x19200] =	vst v63  }
0x3a8: {  	s9 =	simm.s32 $0x18200  }
0x3a9: {  	[tilespmem:s9], [sflag:$0x2] =	stream.indirect_vreg.gather [hbm4b:s1+s16], $0x80, v3, vm0, $0xb8;
	[tilespmem:$0x19200] =	vst v63  }
0x3aa: {  	v3 =	vld.msk [tilespmem:$0x1C0], $0xff;
	_ =	sdelay $0x4  }
0x3ab: {  	v58 =	vshll.u32 v3, $0x1  }
0x3ac: {  	v3 =	vand.u32 $0x7, v3;
	v4 =	vand.u32 $0xFFFFFFF0, v58  }
0x3ad: {  	v3 =	vor.u32 v3, v4  }
0x3ae: {  	v3 =	vperm.xlane v3, v0;
	_ =	sdelay $0x1  }
0x3af: {  	v3 =	vadd.s32 v1, v3;
	_ =	sdelay $0x3  }
0x3b0: {  	s9 =	simm.s32 $0x18A00  }
0x3b1: {  	[tilespmem:s9], [sflag:$0x2] =	stream.indirect_vreg.gather [hbm4b:s1+s16], $0x80, v3, vm0, $0xb8;
	[tilespmem:$0x19200] =	vst v63  }
0x3b2: {  	_ =	swait.ge [sflag:s0], $0xC800  }
0x3b3: {  	[sflag:s0] =	ssyncset.done $0x0  }
0x3b4: {  	s9 =	rddreg [dreg:$0x17];
	[sflag:s0] =	ssyncadd.s32 $0xFFFF3800  }
0x3b5: {  	[hbm4b:s9+s16] =	stream.linear.scatter [tilespmem:s4], [sflag:$0x3], $0xC800, $0x38;
	[tilespmem:$0x19200] =	vst v63  }
0x3b6: {  	_ =	swait.ge [sflag:s5], $0xC800  }
0x3b7: {  	[sflag:s5] =	ssyncset.done $0x0  }
0x3b8: {  	s9 =	rddreg [dreg:$0x9];
	[sflag:s5] =	ssyncadd.s32 $0xFFFF3800  }
0x3b9: {  	[tilespmem:s16], [sflag:$0x5] =	stream.linear.gather [hbm4b:s9+s16], $0xC8, $0x38;
	[tilespmem:$0x19200] =	vst v63  }
0x3ba: {  	_ =	swait.ge [sflag:s3], $0xC8  }
0x3bb: {  	[sflag:s3] =	ssyncset.done $0x0  }
0x3bc: {  	[sflag:s3] =	ssyncadd.s32 $0xFFFFFF38  }
0x3bd: {  	v3 =	vld [tilespmem:$0x0];
	_ =	sdelay $0x4  }
0x3be: {  	v59 =	vshll.u32 v3, $0x1  }
0x3bf: {  	v3 =	vand.u32 $0x7, v3;
	v4 =	vand.u32 $0xFFFFFFF0, v59  }
0x3c0: {  	v3 =	vor.u32 v3, v4  }
0x3c1: {  	v4 =	vperm.xlane v3, v0;
	_ =	sdelay $0x1  }
0x3c2: {  	v3 =	vperm.xlane v3, v2;
	v4 =	vadd.s32 v1, v4;
	_ =	sdelay $0x1  }
0x3c3: {  	v3 =	vadd.s32 v1, v3;
	_ =	sdelay $0x2  }
0x3c4: {  	[tilespmem:s4], [sflag:$0x1] =	stream.indirect_vreg.gather [hbm4b:s1+s16], $0x80, v4, vm0, $0xb8;
	[tilespmem:$0x19200] =	vst v63  }
0x3c5: {  	s9 =	simm.s32 $0xA00  }
0x3c6: {  	[tilespmem:s9], [sflag:$0x1] =	stream.indirect_vreg.gather [hbm4b:s1+s16], $0x80, v3, vm0, $0xb8;
	[tilespmem:$0x19200] =	vst v63  }
0x3c7: {  	v3 =	vld [tilespmem:$0x10];
	_ =	sdelay $0x4  }
0x3c8: {  	v60 =	vshll.u32 v3, $0x1  }
0x3c9: {  	v3 =	vand.u32 $0x7, v3;
	v4 =	vand.u32 $0xFFFFFFF0, v60  }
0x3ca: {  	v3 =	vor.u32 v3, v4  }
0x3cb: {  	v4 =	vperm.xlane v3, v0;
	_ =	sdelay $0x1  }
0x3cc: {  	v3 =	vperm.xlane v3, v2;
	v4 =	vadd.s32 v1, v4;
	_ =	sdelay $0x1  }
0x3cd: {  	v3 =	vadd.s32 v1, v3;
	_ =	sdelay $0x1  }
0x3ce: {  	s22 =	simm.s32 $0x1200  }
0x3cf: {  	[tilespmem:s22], [sflag:$0x1] =	stream.indirect_vreg.gather [hbm4b:s1+s16], $0x80, v4, vm0, $0xb8;
	[tilespmem:$0x19200] =	vst v63  }
0x3d0: {  	s9 =	simm.s32 $0x1A00  }
0x3d1: {  	[tilespmem:s9], [sflag:$0x1] =	stream.indirect_vreg.gather [hbm4b:s1+s16], $0x80, v3, vm0, $0xb8;
	[tilespmem:$0x19200] =	vst v63  }
0x3d2: {  	v3 =	vld [tilespmem:$0x20];
	_ =	sdelay $0x4  }
0x3d3: {  	v61 =	vshll.u32 v3, $0x1  }
0x3d4: {  	v3 =	vand.u32 $0x7, v3;
	v4 =	vand.u32 $0xFFFFFFF0, v61  }
0x3d5: {  	v3 =	vor.u32 v3, v4  }
0x3d6: {  	v4 =	vperm.xlane v3, v0;
	_ =	sdelay $0x1  }
0x3d7: {  	v3 =	vperm.xlane v3, v2;
	v4 =	vadd.s32 v1, v4;
	_ =	sdelay $0x1  }
0x3d8: {  	v3 =	vadd.s32 v1, v3;
	_ =	sdelay $0x1  }
0x3d9: {  	s23 =	simm.s32 $0x2200  }
0x3da: {  	[tilespmem:s23], [sflag:$0x1] =	stream.indirect_vreg.gather [hbm4b:s1+s16], $0x80, v4, vm0, $0xb8;
	[tilespmem:$0x19200] =	vst v63  }
0x3db: {  	s9 =	simm.s32 $0x2A00  }
0x3dc: {  	[tilespmem:s9], [sflag:$0x1] =	stream.indirect_vreg.gather [hbm4b:s1+s16], $0x80, v3, vm0, $0xb8;
	[tilespmem:$0x19200] =	vst v63  }
0x3dd: {  	v3 =	vld [tilespmem:$0x30];
	_ =	sdelay $0x4  }
0x3de: {  	v62 =	vshll.u32 v3, $0x1  }
0x3df: {  	v3 =	vand.u32 $0x7, v3;
	v4 =	vand.u32 $0xFFFFFFF0, v62  }
0x3e0: {  	v3 =	vor.u32 v3, v4  }
0x3e1: {  	v4 =	vperm.xlane v3, v0;
	_ =	sdelay $0x1  }
0x3e2: {  	v3 =	vperm.xlane v3, v2;
	v4 =	vadd.s32 v1, v4;
	_ =	sdelay $0x1  }
0x3e3: {  	v3 =	vadd.s32 v1, v3;
	_ =	sdelay $0x1  }
0x3e4: {  	s24 =	simm.s32 $0x3200  }
0x3e5: {  	[tilespmem:s24], [sflag:$0x1] =	stream.indirect_vreg.gather [hbm4b:s1+s16], $0x80, v4, vm0, $0xb8;
	[tilespmem:$0x19200] =	vst v63  }
0x3e6: {  	s25 =	simm.s32 $0x3A00  }
0x3e7: {  	[tilespmem:s25], [sflag:$0x1] =	stream.indirect_vreg.gather [hbm4b:s1+s16], $0x80, v3, vm0, $0xb8;
	[tilespmem:$0x19200] =	vst v63  }
0x3e8: {  	v3 =	vld [tilespmem:$0x40];
	_ =	sdelay $0x4  }
0x3e9: {  	v63 =	vshll.u32 v3, $0x1  }
0x3ea: {  	v3 =	vand.u32 $0x7, v3;
	v4 =	vand.u32 $0xFFFFFFF0, v63  }
0x3eb: {  	v3 =	vor.u32 v3, v4  }
0x3ec: {  	v4 =	vperm.xlane v3, v0;
	_ =	sdelay $0x1  }
0x3ed: {  	v3 =	vperm.xlane v3, v2;
	v4 =	vadd.s32 v1, v4;
	_ =	sdelay $0x1  }
0x3ee: {  	v3 =	vadd.s32 v1, v3;
	_ =	sdelay $0x1  }
0x3ef: {  	s11 =	simm.s32 $0x4200  }
0x3f0: {  	[tilespmem:s11], [sflag:$0x1] =	stream.indirect_vreg.gather [hbm4b:s1+s16], $0x80, v4, vm0, $0xb8;
	[tilespmem:$0x19200] =	vst v63  }
0x3f1: {  	s26 =	simm.s32 $0x4A00  }
0x3f2: {  	[tilespmem:s26], [sflag:$0x1] =	stream.indirect_vreg.gather [hbm4b:s1+s16], $0x80, v3, vm0, $0xb8;
	[tilespmem:$0x19200] =	vst v63  }
0x3f3: {  	v3 =	vld [tilespmem:$0x50];
	_ =	sdelay $0x4  }
0x3f4: {  	v8 =	vshll.u32 v3, $0x1  }
0x3f5: {  	v3 =	vand.u32 $0x7, v3;
	v4 =	vand.u32 $0xFFFFFFF0, v8  }
0x3f6: {  	v3 =	vor.u32 v3, v4  }
0x3f7: {  	v4 =	vperm.xlane v3, v0;
	_ =	sdelay $0x1  }
0x3f8: {  	v3 =	vperm.xlane v3, v2;
	v4 =	vadd.s32 v1, v4;
	_ =	sdelay $0x1  }
0x3f9: {  	v3 =	vadd.s32 v1, v3;
	_ =	sdelay $0x1  }
0x3fa: {  	s12 =	simm.s32 $0x5200  }
0x3fb: {  	[tilespmem:s12], [sflag:$0x1] =	stream.indirect_vreg.gather [hbm4b:s1+s16], $0x80, v4, vm0, $0xb8;
	[tilespmem:$0x19200] =	vst v63  }
0x3fc: {  	s28 =	simm.s32 $0x5A00  }
0x3fd: {  	[tilespmem:s28], [sflag:$0x1] =	stream.indirect_vreg.gather [hbm4b:s1+s16], $0x80, v3, vm0, $0xb8;
	[tilespmem:$0x19200] =	vst v63  }
0x3fe: {  	v3 =	vld [tilespmem:$0x60];
	_ =	sdelay $0x4  }
0x3ff: {  	v9 =	vshll.u32 v3, $0x1  }
0x400: {  	v3 =	vand.u32 $0x7, v3;
	v4 =	vand.u32 $0xFFFFFFF0, v9  }
0x401: {  	v3 =	vor.u32 v3, v4  }
0x402: {  	v4 =	vperm.xlane v3, v0;
	_ =	sdelay $0x1  }
0x403: {  	v3 =	vperm.xlane v3, v2;
	v4 =	vadd.s32 v1, v4;
	_ =	sdelay $0x1  }
0x404: {  	v3 =	vadd.s32 v1, v3;
	_ =	sdelay $0x1  }
0x405: {  	s13 =	simm.s32 $0x6200  }
0x406: {  	[tilespmem:s13], [sflag:$0x1] =	stream.indirect_vreg.gather [hbm4b:s1+s16], $0x80, v4, vm0, $0xb8;
	[tilespmem:$0x19200] =	vst v63  }
0x407: {  	s9 =	simm.s32 $0x6A00  }
0x408: {  	[tilespmem:s9], [sflag:$0x1] =	stream.indirect_vreg.gather [hbm4b:s1+s16], $0x80, v3, vm0, $0xb8;
	[tilespmem:$0x19200] =	vst v63  }
0x409: {  	v3 =	vld [tilespmem:$0x70];
	_ =	sdelay $0x4  }
0x40a: {  	v10 =	vshll.u32 v3, $0x1  }
0x40b: {  	v3 =	vand.u32 $0x7, v3;
	v4 =	vand.u32 $0xFFFFFFF0, v10  }
0x40c: {  	v3 =	vor.u32 v3, v4  }
0x40d: {  	v4 =	vperm.xlane v3, v0;
	_ =	sdelay $0x1  }
0x40e: {  	v3 =	vperm.xlane v3, v2;
	v4 =	vadd.s32 v1, v4;
	_ =	sdelay $0x1  }
0x40f: {  	v3 =	vadd.s32 v1, v3;
	_ =	sdelay $0x1  }
0x410: {  	s29 =	simm.s32 $0x7200  }
0x411: {  	[tilespmem:s29], [sflag:$0x1] =	stream.indirect_vreg.gather [hbm4b:s1+s16], $0x80, v4, vm0, $0xb8;
	[tilespmem:$0x19200] =	vst v63  }
0x412: {  	s30 =	simm.s32 $0x7A00  }
0x413: {  	[tilespmem:s30], [sflag:$0x1] =	stream.indirect_vreg.gather [hbm4b:s1+s16], $0x80, v3, vm0, $0xb8;
	[tilespmem:$0x19200] =	vst v63  }
0x414: {  	v3 =	vld [tilespmem:$0x80];
	_ =	sdelay $0x4  }
0x415: {  	v11 =	vshll.u32 v3, $0x1  }
0x416: {  	v3 =	vand.u32 $0x7, v3;
	v4 =	vand.u32 $0xFFFFFFF0, v11  }
0x417: {  	v3 =	vor.u32 v3, v4  }
0x418: {  	v4 =	vperm.xlane v3, v0;
	_ =	sdelay $0x1  }
0x419: {  	v3 =	vperm.xlane v3, v2;
	v4 =	vadd.s32 v1, v4;
	_ =	sdelay $0x1  }
0x41a: {  	v3 =	vadd.s32 v1, v3;
	_ =	sdelay $0x1  }
0x41b: {  	s14 =	simm.s32 $0x8200  }
0x41c: {  	[tilespmem:s14], [sflag:$0x1] =	stream.indirect_vreg.gather [hbm4b:s1+s16], $0x80, v4, vm0, $0xb8;
	[tilespmem:$0x19200] =	vst v63  }
0x41d: {  	s31 =	simm.s32 $0x8A00  }
0x41e: {  	[tilespmem:s31], [sflag:$0x1] =	stream.indirect_vreg.gather [hbm4b:s1+s16], $0x80, v3, vm0, $0xb8;
	[tilespmem:$0x19200] =	vst v63  }
0x41f: {  	v3 =	vld [tilespmem:$0x90];
	_ =	sdelay $0x4  }
0x420: {  	v12 =	vshll.u32 v3, $0x1  }
0x421: {  	v3 =	vand.u32 $0x7, v3;
	v4 =	vand.u32 $0xFFFFFFF0, v12  }
0x422: {  	v3 =	vor.u32 v3, v4  }
0x423: {  	v4 =	vperm.xlane v3, v0;
	_ =	sdelay $0x1  }
0x424: {  	v3 =	vperm.xlane v3, v2;
	v4 =	vadd.s32 v1, v4;
	_ =	sdelay $0x1  }
0x425: {  	v3 =	vadd.s32 v1, v3;
	_ =	sdelay $0x1  }
0x426: {  	s15 =	simm.s32 $0x9200  }
0x427: {  	[tilespmem:s15], [sflag:$0x1] =	stream.indirect_vreg.gather [hbm4b:s1+s16], $0x80, v4, vm0, $0xb8;
	[tilespmem:$0x19200] =	vst v63  }
0x428: {  	s18 =	simm.s32 $0x9A00  }
0x429: {  	[tilespmem:s18], [sflag:$0x1] =	stream.indirect_vreg.gather [hbm4b:s1+s16], $0x80, v3, vm0, $0xb8;
	[tilespmem:$0x19200] =	vst v63  }
0x42a: {  	v3 =	vld [tilespmem:$0xA0];
	_ =	sdelay $0x4  }
0x42b: {  	v13 =	vshll.u32 v3, $0x1  }
0x42c: {  	v3 =	vand.u32 $0x7, v3;
	v4 =	vand.u32 $0xFFFFFFF0, v13  }
0x42d: {  	v3 =	vor.u32 v3, v4  }
0x42e: {  	v4 =	vperm.xlane v3, v0;
	_ =	sdelay $0x1  }
0x42f: {  	v3 =	vperm.xlane v3, v2;
	v4 =	vadd.s32 v1, v4;
	_ =	sdelay $0x1  }
0x430: {  	v3 =	vadd.s32 v1, v3;
	_ =	sdelay $0x1  }
0x431: {  	s17 =	simm.s32 $0xA200  }
0x432: {  	[tilespmem:s17], [sflag:$0x1] =	stream.indirect_vreg.gather [hbm4b:s1+s16], $0x80, v4, vm0, $0xb8;
	[tilespmem:$0x19200] =	vst v63  }
0x433: {  	s19 =	simm.s32 $0xAA00  }
0x434: {  	[tilespmem:s19], [sflag:$0x1] =	stream.indirect_vreg.gather [hbm4b:s1+s16], $0x80, v3, vm0, $0xb8;
	[tilespmem:$0x19200] =	vst v63  }
0x435: {  	v3 =	vld [tilespmem:$0xB0];
	_ =	sdelay $0x4  }
0x436: {  	v14 =	vshll.u32 v3, $0x1  }
0x437: {  	v3 =	vand.u32 $0x7, v3;
	v4 =	vand.u32 $0xFFFFFFF0, v14  }
0x438: {  	v3 =	vor.u32 v3, v4  }
0x439: {  	v4 =	vperm.xlane v3, v0;
	_ =	sdelay $0x1  }
0x43a: {  	v3 =	vperm.xlane v3, v2;
	v4 =	vadd.s32 v1, v4;
	_ =	sdelay $0x1  }
0x43b: {  	v3 =	vadd.s32 v1, v3;
	_ =	sdelay $0x1  }
0x43c: {  	s9 =	simm.s32 $0xB200  }
0x43d: {  	[tilespmem:s9], [sflag:$0x1] =	stream.indirect_vreg.gather [hbm4b:s1+s16], $0x80, v4, vm0, $0xb8;
	[tilespmem:$0x19200] =	vst v63  }
0x43e: {  	s20 =	simm.s32 $0xBA00  }
0x43f: {  	[tilespmem:s20], [sflag:$0x1] =	stream.indirect_vreg.gather [hbm4b:s1+s16], $0x80, v3, vm0, $0xb8;
	[tilespmem:$0x19200] =	vst v63  }
0x440: {  	v3 =	vld.msk [tilespmem:$0xC0], $0xff;
	_ =	sdelay $0x4  }
0x441: {  	v15 =	vshll.u32 v3, $0x1  }
0x442: {  	v3 =	vand.u32 $0x7, v3;
	v4 =	vand.u32 $0xFFFFFFF0, v15  }
0x443: {  	v3 =	vor.u32 v3, v4  }
0x444: {  	v3 =	vperm.xlane v3, v0;
	_ =	sdelay $0x1  }
0x445: {  	v3 =	vadd.s32 v1, v3;
	_ =	sdelay $0x3  }
0x446: {  	s10 =	simm.s32 $0xC200  }
0x447: {  	[tilespmem:s10], [sflag:$0x1] =	stream.indirect_vreg.gather [hbm4b:s1+s16], $0x80, v3, vm0, $0xb8;
	[tilespmem:$0x19200] =	vst v63  }
0x448: {  	_ =	swait.ge [sflag:s6], $0xC800  }
0x449: {  	[sflag:s6] =	ssyncset.done $0x0  }
0x44a: {  	s9 =	rddreg [dreg:$0x18];
	[sflag:s6] =	ssyncadd.s32 $0xFFFF3800  }
0x44b: {  	[hbm4b:s9+s16] =	stream.linear.scatter [tilespmem:s2], [sflag:$0x4], $0xC800, $0x38;
	[tilespmem:$0x19200] =	vst v63  }
0x44c: {  	_ =	swait.ge [sflag:s7], $0xC800  }
0x44d: {  	[sflag:s7] =	ssyncset.done $0x0  }
0x44e: {  	s9 =	simm.s32 $0x100;
	s8 =	rddreg [dreg:$0xa];
	[sflag:s7] =	ssyncadd.s32 $0xFFFF3800  }
0x44f: {  	[tilespmem:s9], [sflag:$0x5] =	stream.linear.gather [hbm4b:s8+s16], $0xC8, $0x38;
	[tilespmem:$0x19200] =	vst v63  }
0x450: {  	_ =	swait.ge [sflag:s3], $0xC8  }
0x451: {  	[sflag:s3] =	ssyncset.done $0x0  }
0x452: {  	[sflag:s3] =	ssyncadd.s32 $0xFFFFFF38  }
0x453: {  	v3 =	vld [tilespmem:$0x100];
	_ =	sdelay $0x4  }
0x454: {  	v16 =	vshll.u32 v3, $0x1  }
0x455: {  	v3 =	vand.u32 $0x7, v3;
	v4 =	vand.u32 $0xFFFFFFF0, v16  }
0x456: {  	v3 =	vor.u32 v3, v4  }
0x457: {  	v4 =	vperm.xlane v3, v0;
	_ =	sdelay $0x1  }
0x458: {  	v3 =	vperm.xlane v3, v2;
	v4 =	vadd.s32 v1, v4;
	_ =	sdelay $0x1  }
0x459: {  	v3 =	vadd.s32 v1, v3;
	_ =	sdelay $0x2  }
0x45a: {  	[tilespmem:s2], [sflag:$0x2] =	stream.indirect_vreg.gather [hbm4b:s1+s16], $0x80, v4, vm0, $0xb8;
	[tilespmem:$0x19200] =	vst v63  }
0x45b: {  	s9 =	simm.s32 $0xD200  }
0x45c: {  	[tilespmem:s9], [sflag:$0x2] =	stream.indirect_vreg.gather [hbm4b:s1+s16], $0x80, v3, vm0, $0xb8;
	[tilespmem:$0x19200] =	vst v63  }
0x45d: {  	v3 =	vld [tilespmem:$0x110];
	_ =	sdelay $0x4  }
0x45e: {  	v17 =	vshll.u32 v3, $0x1  }
0x45f: {  	v3 =	vand.u32 $0x7, v3;
	v4 =	vand.u32 $0xFFFFFFF0, v17  }
0x460: {  	v3 =	vor.u32 v3, v4  }
0x461: {  	v4 =	vperm.xlane v3, v0;
	_ =	sdelay $0x1  }
0x462: {  	v3 =	vperm.xlane v3, v2;
	v4 =	vadd.s32 v1, v4;
	_ =	sdelay $0x1  }
0x463: {  	v3 =	vadd.s32 v1, v3;
	_ =	sdelay $0x1  }
0x464: {  	s21 =	simm.s32 $0xDA00  }
0x465: {  	[tilespmem:s21], [sflag:$0x2] =	stream.indirect_vreg.gather [hbm4b:s1+s16], $0x80, v4, vm0, $0xb8;
	[tilespmem:$0x19200] =	vst v63  }
0x466: {  	s9 =	simm.s32 $0xE200  }
0x467: {  	[tilespmem:s9], [sflag:$0x2] =	stream.indirect_vreg.gather [hbm4b:s1+s16], $0x80, v3, vm0, $0xb8;
	[tilespmem:$0x19200] =	vst v63  }
0x468: {  	v3 =	vld [tilespmem:$0x120];
	_ =	sdelay $0x4  }
0x469: {  	v18 =	vshll.u32 v3, $0x1  }
0x46a: {  	v3 =	vand.u32 $0x7, v3;
	v4 =	vand.u32 $0xFFFFFFF0, v18  }
0x46b: {  	v3 =	vor.u32 v3, v4  }
0x46c: {  	v4 =	vperm.xlane v3, v0;
	_ =	sdelay $0x1  }
0x46d: {  	v3 =	vperm.xlane v3, v2;
	v4 =	vadd.s32 v1, v4;
	_ =	sdelay $0x1  }
0x46e: {  	v3 =	vadd.s32 v1, v3;
	_ =	sdelay $0x1  }
0x46f: {  	s9 =	simm.s32 $0xEA00  }
0x470: {  	[tilespmem:s9], [sflag:$0x2] =	stream.indirect_vreg.gather [hbm4b:s1+s16], $0x80, v4, vm0, $0xb8;
	[tilespmem:$0x19200] =	vst v63  }
0x471: {  	s9 =	simm.s32 $0xF200  }
0x472: {  	[tilespmem:s9], [sflag:$0x2] =	stream.indirect_vreg.gather [hbm4b:s1+s16], $0x80, v3, vm0, $0xb8;
	[tilespmem:$0x19200] =	vst v63  }
0x473: {  	v3 =	vld [tilespmem:$0x130];
	_ =	sdelay $0x4  }
0x474: {  	v19 =	vshll.u32 v3, $0x1  }
0x475: {  	v3 =	vand.u32 $0x7, v3;
	v4 =	vand.u32 $0xFFFFFFF0, v19  }
0x476: {  	v3 =	vor.u32 v3, v4  }
0x477: {  	v4 =	vperm.xlane v3, v0;
	_ =	sdelay $0x1  }
0x478: {  	v3 =	vperm.xlane v3, v2;
	v4 =	vadd.s32 v1, v4;
	_ =	sdelay $0x1  }
0x479: {  	v3 =	vadd.s32 v1, v3;
	_ =	sdelay $0x1  }
0x47a: {  	s9 =	simm.s32 $0xFA00  }
0x47b: {  	[tilespmem:s9], [sflag:$0x2] =	stream.indirect_vreg.gather [hbm4b:s1+s16], $0x80, v4, vm0, $0xb8;
	[tilespmem:$0x19200] =	vst v63  }
0x47c: {  	s9 =	simm.s32 $0x10200  }
0x47d: {  	[tilespmem:s9], [sflag:$0x2] =	stream.indirect_vreg.gather [hbm4b:s1+s16], $0x80, v3, vm0, $0xb8;
	[tilespmem:$0x19200] =	vst v63  }
0x47e: {  	v3 =	vld [tilespmem:$0x140];
	_ =	sdelay $0x4  }
0x47f: {  	v20 =	vshll.u32 v3, $0x1  }
0x480: {  	v3 =	vand.u32 $0x7, v3;
	v4 =	vand.u32 $0xFFFFFFF0, v20  }
0x481: {  	v3 =	vor.u32 v3, v4  }
0x482: {  	v4 =	vperm.xlane v3, v0;
	_ =	sdelay $0x1  }
0x483: {  	v3 =	vperm.xlane v3, v2;
	v4 =	vadd.s32 v1, v4;
	_ =	sdelay $0x1  }
0x484: {  	v3 =	vadd.s32 v1, v3;
	_ =	sdelay $0x1  }
0x485: {  	s9 =	simm.s32 $0x10A00  }
0x486: {  	[tilespmem:s9], [sflag:$0x2] =	stream.indirect_vreg.gather [hbm4b:s1+s16], $0x80, v4, vm0, $0xb8;
	[tilespmem:$0x19200] =	vst v63  }
0x487: {  	s9 =	simm.s32 $0x11200  }
0x488: {  	[tilespmem:s9], [sflag:$0x2] =	stream.indirect_vreg.gather [hbm4b:s1+s16], $0x80, v3, vm0, $0xb8;
	[tilespmem:$0x19200] =	vst v63  }
0x489: {  	v3 =	vld [tilespmem:$0x150];
	_ =	sdelay $0x4  }
0x48a: {  	v21 =	vshll.u32 v3, $0x1  }
0x48b: {  	v3 =	vand.u32 $0x7, v3;
	v4 =	vand.u32 $0xFFFFFFF0, v21  }
0x48c: {  	v3 =	vor.u32 v3, v4  }
0x48d: {  	v4 =	vperm.xlane v3, v0;
	_ =	sdelay $0x1  }
0x48e: {  	v3 =	vperm.xlane v3, v2;
	v4 =	vadd.s32 v1, v4;
	_ =	sdelay $0x1  }
0x48f: {  	v3 =	vadd.s32 v1, v3;
	_ =	sdelay $0x1  }
0x490: {  	s9 =	simm.s32 $0x11A00  }
0x491: {  	[tilespmem:s9], [sflag:$0x2] =	stream.indirect_vreg.gather [hbm4b:s1+s16], $0x80, v4, vm0, $0xb8;
	[tilespmem:$0x19200] =	vst v63  }
0x492: {  	s9 =	simm.s32 $0x12200  }
0x493: {  	[tilespmem:s9], [sflag:$0x2] =	stream.indirect_vreg.gather [hbm4b:s1+s16], $0x80, v3, vm0, $0xb8;
	[tilespmem:$0x19200] =	vst v63  }
0x494: {  	v3 =	vld [tilespmem:$0x160];
	_ =	sdelay $0x4  }
0x495: {  	v22 =	vshll.u32 v3, $0x1  }
0x496: {  	v3 =	vand.u32 $0x7, v3;
	v4 =	vand.u32 $0xFFFFFFF0, v22  }
0x497: {  	v3 =	vor.u32 v3, v4  }
0x498: {  	v4 =	vperm.xlane v3, v0;
	_ =	sdelay $0x1  }
0x499: {  	v3 =	vperm.xlane v3, v2;
	v4 =	vadd.s32 v1, v4;
	_ =	sdelay $0x1  }
0x49a: {  	v3 =	vadd.s32 v1, v3;
	_ =	sdelay $0x1  }
0x49b: {  	s9 =	simm.s32 $0x12A00  }
0x49c: {  	[tilespmem:s9], [sflag:$0x2] =	stream.indirect_vreg.gather [hbm4b:s1+s16], $0x80, v4, vm0, $0xb8;
	[tilespmem:$0x19200] =	vst v63  }
0x49d: {  	s9 =	simm.s32 $0x13200  }
0x49e: {  	[tilespmem:s9], [sflag:$0x2] =	stream.indirect_vreg.gather [hbm4b:s1+s16], $0x80, v3, vm0, $0xb8;
	[tilespmem:$0x19200] =	vst v63  }
0x49f: {  	v3 =	vld [tilespmem:$0x170];
	_ =	sdelay $0x4  }
0x4a0: {  	v23 =	vshll.u32 v3, $0x1  }
0x4a1: {  	v3 =	vand.u32 $0x7, v3;
	v4 =	vand.u32 $0xFFFFFFF0, v23  }
0x4a2: {  	v3 =	vor.u32 v3, v4  }
0x4a3: {  	v4 =	vperm.xlane v3, v0;
	_ =	sdelay $0x1  }
0x4a4: {  	v3 =	vperm.xlane v3, v2;
	v4 =	vadd.s32 v1, v4;
	_ =	sdelay $0x1  }
0x4a5: {  	v3 =	vadd.s32 v1, v3;
	_ =	sdelay $0x1  }
0x4a6: {  	s9 =	simm.s32 $0x13A00  }
0x4a7: {  	[tilespmem:s9], [sflag:$0x2] =	stream.indirect_vreg.gather [hbm4b:s1+s16], $0x80, v4, vm0, $0xb8;
	[tilespmem:$0x19200] =	vst v63  }
0x4a8: {  	s9 =	simm.s32 $0x14200  }
0x4a9: {  	[tilespmem:s9], [sflag:$0x2] =	stream.indirect_vreg.gather [hbm4b:s1+s16], $0x80, v3, vm0, $0xb8;
	[tilespmem:$0x19200] =	vst v63  }
0x4aa: {  	v3 =	vld [tilespmem:$0x180];
	_ =	sdelay $0x4  }
0x4ab: {  	v24 =	vshll.u32 v3, $0x1  }
0x4ac: {  	v3 =	vand.u32 $0x7, v3;
	v4 =	vand.u32 $0xFFFFFFF0, v24  }
0x4ad: {  	v3 =	vor.u32 v3, v4  }
0x4ae: {  	v4 =	vperm.xlane v3, v0;
	_ =	sdelay $0x1  }
0x4af: {  	v3 =	vperm.xlane v3, v2;
	v4 =	vadd.s32 v1, v4;
	_ =	sdelay $0x1  }
0x4b0: {  	v3 =	vadd.s32 v1, v3;
	_ =	sdelay $0x1  }
0x4b1: {  	s9 =	simm.s32 $0x14A00  }
0x4b2: {  	[tilespmem:s9], [sflag:$0x2] =	stream.indirect_vreg.gather [hbm4b:s1+s16], $0x80, v4, vm0, $0xb8;
	[tilespmem:$0x19200] =	vst v63  }
0x4b3: {  	s9 =	simm.s32 $0x15200  }
0x4b4: {  	[tilespmem:s9], [sflag:$0x2] =	stream.indirect_vreg.gather [hbm4b:s1+s16], $0x80, v3, vm0, $0xb8;
	[tilespmem:$0x19200] =	vst v63  }
0x4b5: {  	v3 =	vld [tilespmem:$0x190];
	_ =	sdelay $0x4  }
0x4b6: {  	v25 =	vshll.u32 v3, $0x1  }
0x4b7: {  	v3 =	vand.u32 $0x7, v3;
	v4 =	vand.u32 $0xFFFFFFF0, v25  }
0x4b8: {  	v3 =	vor.u32 v3, v4  }
0x4b9: {  	v4 =	vperm.xlane v3, v0;
	_ =	sdelay $0x1  }
0x4ba: {  	v3 =	vperm.xlane v3, v2;
	v4 =	vadd.s32 v1, v4;
	_ =	sdelay $0x1  }
0x4bb: {  	v3 =	vadd.s32 v1, v3;
	_ =	sdelay $0x1  }
0x4bc: {  	s9 =	simm.s32 $0x15A00  }
0x4bd: {  	[tilespmem:s9], [sflag:$0x2] =	stream.indirect_vreg.gather [hbm4b:s1+s16], $0x80, v4, vm0, $0xb8;
	[tilespmem:$0x19200] =	vst v63  }
0x4be: {  	s9 =	simm.s32 $0x16200  }
0x4bf: {  	[tilespmem:s9], [sflag:$0x2] =	stream.indirect_vreg.gather [hbm4b:s1+s16], $0x80, v3, vm0, $0xb8;
	[tilespmem:$0x19200] =	vst v63  }
0x4c0: {  	v3 =	vld [tilespmem:$0x1A0];
	_ =	sdelay $0x4  }
0x4c1: {  	v26 =	vshll.u32 v3, $0x1  }
0x4c2: {  	v3 =	vand.u32 $0x7, v3;
	v4 =	vand.u32 $0xFFFFFFF0, v26  }
0x4c3: {  	v3 =	vor.u32 v3, v4  }
0x4c4: {  	v4 =	vperm.xlane v3, v0;
	_ =	sdelay $0x1  }
0x4c5: {  	v3 =	vperm.xlane v3, v2;
	v4 =	vadd.s32 v1, v4;
	_ =	sdelay $0x1  }
0x4c6: {  	v3 =	vadd.s32 v1, v3;
	_ =	sdelay $0x1  }
0x4c7: {  	s9 =	simm.s32 $0x16A00  }
0x4c8: {  	[tilespmem:s9], [sflag:$0x2] =	stream.indirect_vreg.gather [hbm4b:s1+s16], $0x80, v4, vm0, $0xb8;
	[tilespmem:$0x19200] =	vst v63  }
0x4c9: {  	s9 =	simm.s32 $0x17200  }
0x4ca: {  	[tilespmem:s9], [sflag:$0x2] =	stream.indirect_vreg.gather [hbm4b:s1+s16], $0x80, v3, vm0, $0xb8;
	[tilespmem:$0x19200] =	vst v63  }
0x4cb: {  	v3 =	vld [tilespmem:$0x1B0];
	_ =	sdelay $0x4  }
0x4cc: {  	v27 =	vshll.u32 v3, $0x1  }
0x4cd: {  	v3 =	vand.u32 $0x7, v3;
	v4 =	vand.u32 $0xFFFFFFF0, v27  }
0x4ce: {  	v3 =	vor.u32 v3, v4  }
0x4cf: {  	v4 =	vperm.xlane v3, v0;
	_ =	sdelay $0x1  }
0x4d0: {  	v3 =	vperm.xlane v3, v2;
	v4 =	vadd.s32 v1, v4;
	_ =	sdelay $0x1  }
0x4d1: {  	v3 =	vadd.s32 v1, v3;
	_ =	sdelay $0x1  }
0x4d2: {  	s9 =	simm.s32 $0x17A00  }
0x4d3: {  	[tilespmem:s9], [sflag:$0x2] =	stream.indirect_vreg.gather [hbm4b:s1+s16], $0x80, v4, vm0, $0xb8;
	[tilespmem:$0x19200] =	vst v63  }
0x4d4: {  	s9 =	simm.s32 $0x18200  }
0x4d5: {  	[tilespmem:s9], [sflag:$0x2] =	stream.indirect_vreg.gather [hbm4b:s1+s16], $0x80, v3, vm0, $0xb8;
	[tilespmem:$0x19200] =	vst v63  }
0x4d6: {  	v3 =	vld.msk [tilespmem:$0x1C0], $0xff;
	_ =	sdelay $0x4  }
0x4d7: {  	v28 =	vshll.u32 v3, $0x1  }
0x4d8: {  	v3 =	vand.u32 $0x7, v3;
	v4 =	vand.u32 $0xFFFFFFF0, v28  }
0x4d9: {  	v3 =	vor.u32 v3, v4  }
0x4da: {  	v3 =	vperm.xlane v3, v0;
	_ =	sdelay $0x1  }
0x4db: {  	v3 =	vadd.s32 v1, v3;
	_ =	sdelay $0x3  }
0x4dc: {  	s9 =	simm.s32 $0x18A00  }
0x4dd: {  	[tilespmem:s9], [sflag:$0x2] =	stream.indirect_vreg.gather [hbm4b:s1+s16], $0x80, v3, vm0, $0xb8;
	[tilespmem:$0x19200] =	vst v63  }
0x4de: {  	_ =	swait.ge [sflag:s0], $0xC800  }
0x4df: {  	[sflag:s0] =	ssyncset.done $0x0  }
0x4e0: {  	s9 =	rddreg [dreg:$0x19];
	[sflag:s0] =	ssyncadd.s32 $0xFFFF3800  }
0x4e1: {  	[hbm4b:s9+s16] =	stream.linear.scatter [tilespmem:s4], [sflag:$0x3], $0xC800, $0x38;
	[tilespmem:$0x19200] =	vst v63  }
0x4e2: {  	_ =	swait.ge [sflag:s5], $0xC800  }
0x4e3: {  	[sflag:s5] =	ssyncset.done $0x0  }
0x4e4: {  	s9 =	rddreg [dreg:$0xb];
	[sflag:s5] =	ssyncadd.s32 $0xFFFF3800  }
0x4e5: {  	[tilespmem:s16], [sflag:$0x5] =	stream.linear.gather [hbm4b:s9+s16], $0xC8, $0x38;
	[tilespmem:$0x19200] =	vst v63  }
0x4e6: {  	_ =	swait.ge [sflag:s3], $0xC8  }
0x4e7: {  	[sflag:s3] =	ssyncset.done $0x0  }
0x4e8: {  	[sflag:s3] =	ssyncadd.s32 $0xFFFFFF38  }
0x4e9: {  	v3 =	vld [tilespmem:$0x0];
	_ =	sdelay $0x4  }
0x4ea: {  	v29 =	vshll.u32 v3, $0x1  }
0x4eb: {  	v3 =	vand.u32 $0x7, v3;
	v4 =	vand.u32 $0xFFFFFFF0, v29  }
0x4ec: {  	v3 =	vor.u32 v3, v4  }
0x4ed: {  	v4 =	vperm.xlane v3, v0;
	_ =	sdelay $0x1  }
0x4ee: {  	v3 =	vperm.xlane v3, v2;
	v4 =	vadd.s32 v1, v4;
	_ =	sdelay $0x1  }
0x4ef: {  	v3 =	vadd.s32 v1, v3;
	_ =	sdelay $0x2  }
0x4f0: {  	[tilespmem:s4], [sflag:$0x1] =	stream.indirect_vreg.gather [hbm4b:s1+s16], $0x80, v4, vm0, $0xb8;
	[tilespmem:$0x19200] =	vst v63  }
0x4f1: {  	s9 =	simm.s32 $0xA00  }
0x4f2: {  	[tilespmem:s9], [sflag:$0x1] =	stream.indirect_vreg.gather [hbm4b:s1+s16], $0x80, v3, vm0, $0xb8;
	[tilespmem:$0x19200] =	vst v63  }
0x4f3: {  	v3 =	vld [tilespmem:$0x10];
	_ =	sdelay $0x4  }
0x4f4: {  	v30 =	vshll.u32 v3, $0x1  }
0x4f5: {  	v3 =	vand.u32 $0x7, v3;
	v4 =	vand.u32 $0xFFFFFFF0, v30  }
0x4f6: {  	v3 =	vor.u32 v3, v4  }
0x4f7: {  	v4 =	vperm.xlane v3, v0;
	_ =	sdelay $0x1  }
0x4f8: {  	v3 =	vperm.xlane v3, v2;
	v4 =	vadd.s32 v1, v4;
	_ =	sdelay $0x1  }
0x4f9: {  	v3 =	vadd.s32 v1, v3;
	_ =	sdelay $0x1  }
0x4fa: {  	s22 =	simm.s32 $0x1200  }
0x4fb: {  	[tilespmem:s22], [sflag:$0x1] =	stream.indirect_vreg.gather [hbm4b:s1+s16], $0x80, v4, vm0, $0xb8;
	[tilespmem:$0x19200] =	vst v63  }
0x4fc: {  	s9 =	simm.s32 $0x1A00  }
0x4fd: {  	[tilespmem:s9], [sflag:$0x1] =	stream.indirect_vreg.gather [hbm4b:s1+s16], $0x80, v3, vm0, $0xb8;
	[tilespmem:$0x19200] =	vst v63  }
0x4fe: {  	v3 =	vld [tilespmem:$0x20];
	_ =	sdelay $0x4  }
0x4ff: {  	v31 =	vshll.u32 v3, $0x1  }
0x500: {  	v3 =	vand.u32 $0x7, v3;
	v4 =	vand.u32 $0xFFFFFFF0, v31  }
0x501: {  	v3 =	vor.u32 v3, v4  }
0x502: {  	v4 =	vperm.xlane v3, v0;
	_ =	sdelay $0x1  }
0x503: {  	v3 =	vperm.xlane v3, v2;
	v4 =	vadd.s32 v1, v4;
	_ =	sdelay $0x1  }
0x504: {  	v3 =	vadd.s32 v1, v3;
	_ =	sdelay $0x1  }
0x505: {  	s23 =	simm.s32 $0x2200  }
0x506: {  	[tilespmem:s23], [sflag:$0x1] =	stream.indirect_vreg.gather [hbm4b:s1+s16], $0x80, v4, vm0, $0xb8;
	[tilespmem:$0x19200] =	vst v63  }
0x507: {  	s9 =	simm.s32 $0x2A00  }
0x508: {  	[tilespmem:s9], [sflag:$0x1] =	stream.indirect_vreg.gather [hbm4b:s1+s16], $0x80, v3, vm0, $0xb8;
	[tilespmem:$0x19200] =	vst v63  }
0x509: {  	v3 =	vld [tilespmem:$0x30];
	_ =	sdelay $0x4  }
0x50a: {  	v32 =	vshll.u32 v3, $0x1  }
0x50b: {  	v3 =	vand.u32 $0x7, v3;
	v4 =	vand.u32 $0xFFFFFFF0, v32  }
0x50c: {  	v3 =	vor.u32 v3, v4  }
0x50d: {  	v4 =	vperm.xlane v3, v0;
	_ =	sdelay $0x1  }
0x50e: {  	v3 =	vperm.xlane v3, v2;
	v4 =	vadd.s32 v1, v4;
	_ =	sdelay $0x1  }
0x50f: {  	v3 =	vadd.s32 v1, v3;
	_ =	sdelay $0x1  }
0x510: {  	s24 =	simm.s32 $0x3200  }
0x511: {  	[tilespmem:s24], [sflag:$0x1] =	stream.indirect_vreg.gather [hbm4b:s1+s16], $0x80, v4, vm0, $0xb8;
	[tilespmem:$0x19200] =	vst v63  }
0x512: {  	s25 =	simm.s32 $0x3A00  }
0x513: {  	[tilespmem:s25], [sflag:$0x1] =	stream.indirect_vreg.gather [hbm4b:s1+s16], $0x80, v3, vm0, $0xb8;
	[tilespmem:$0x19200] =	vst v63  }
0x514: {  	v3 =	vld [tilespmem:$0x40];
	_ =	sdelay $0x4  }
0x515: {  	v33 =	vshll.u32 v3, $0x1  }
0x516: {  	v3 =	vand.u32 $0x7, v3;
	v4 =	vand.u32 $0xFFFFFFF0, v33  }
0x517: {  	v3 =	vor.u32 v3, v4  }
0x518: {  	v4 =	vperm.xlane v3, v0;
	_ =	sdelay $0x1  }
0x519: {  	v3 =	vperm.xlane v3, v2;
	v4 =	vadd.s32 v1, v4;
	_ =	sdelay $0x1  }
0x51a: {  	v3 =	vadd.s32 v1, v3;
	_ =	sdelay $0x1  }
0x51b: {  	s11 =	simm.s32 $0x4200  }
0x51c: {  	[tilespmem:s11], [sflag:$0x1] =	stream.indirect_vreg.gather [hbm4b:s1+s16], $0x80, v4, vm0, $0xb8;
	[tilespmem:$0x19200] =	vst v63  }
0x51d: {  	s26 =	simm.s32 $0x4A00  }
0x51e: {  	[tilespmem:s26], [sflag:$0x1] =	stream.indirect_vreg.gather [hbm4b:s1+s16], $0x80, v3, vm0, $0xb8;
	[tilespmem:$0x19200] =	vst v63  }
0x51f: {  	v3 =	vld [tilespmem:$0x50];
	_ =	sdelay $0x4  }
0x520: {  	v34 =	vshll.u32 v3, $0x1  }
0x521: {  	v3 =	vand.u32 $0x7, v3;
	v4 =	vand.u32 $0xFFFFFFF0, v34  }
0x522: {  	v3 =	vor.u32 v3, v4  }
0x523: {  	v4 =	vperm.xlane v3, v0;
	_ =	sdelay $0x1  }
0x524: {  	v3 =	vperm.xlane v3, v2;
	v4 =	vadd.s32 v1, v4;
	_ =	sdelay $0x1  }
0x525: {  	v3 =	vadd.s32 v1, v3;
	_ =	sdelay $0x1  }
0x526: {  	s12 =	simm.s32 $0x5200  }
0x527: {  	[tilespmem:s12], [sflag:$0x1] =	stream.indirect_vreg.gather [hbm4b:s1+s16], $0x80, v4, vm0, $0xb8;
	[tilespmem:$0x19200] =	vst v63  }
0x528: {  	s28 =	simm.s32 $0x5A00  }
0x529: {  	[tilespmem:s28], [sflag:$0x1] =	stream.indirect_vreg.gather [hbm4b:s1+s16], $0x80, v3, vm0, $0xb8;
	[tilespmem:$0x19200] =	vst v63  }
0x52a: {  	v3 =	vld [tilespmem:$0x60];
	_ =	sdelay $0x4  }
0x52b: {  	v35 =	vshll.u32 v3, $0x1  }
0x52c: {  	v3 =	vand.u32 $0x7, v3;
	v4 =	vand.u32 $0xFFFFFFF0, v35  }
0x52d: {  	v3 =	vor.u32 v3, v4  }
0x52e: {  	v4 =	vperm.xlane v3, v0;
	_ =	sdelay $0x1  }
0x52f: {  	v3 =	vperm.xlane v3, v2;
	v4 =	vadd.s32 v1, v4;
	_ =	sdelay $0x1  }
0x530: {  	v3 =	vadd.s32 v1, v3;
	_ =	sdelay $0x1  }
0x531: {  	s13 =	simm.s32 $0x6200  }
0x532: {  	[tilespmem:s13], [sflag:$0x1] =	stream.indirect_vreg.gather [hbm4b:s1+s16], $0x80, v4, vm0, $0xb8;
	[tilespmem:$0x19200] =	vst v63  }
0x533: {  	s25 =	simm.s32 $0x6A00  }
0x534: {  	[tilespmem:s25], [sflag:$0x1] =	stream.indirect_vreg.gather [hbm4b:s1+s16], $0x80, v3, vm0, $0xb8;
	[tilespmem:$0x19200] =	vst v63  }
0x535: {  	v3 =	vld [tilespmem:$0x70];
	_ =	sdelay $0x4  }
0x536: {  	v36 =	vshll.u32 v3, $0x1  }
0x537: {  	v3 =	vand.u32 $0x7, v3;
	v4 =	vand.u32 $0xFFFFFFF0, v36  }
0x538: {  	v3 =	vor.u32 v3, v4  }
0x539: {  	v4 =	vperm.xlane v3, v0;
	_ =	sdelay $0x1  }
0x53a: {  	v3 =	vperm.xlane v3, v2;
	v4 =	vadd.s32 v1, v4;
	_ =	sdelay $0x1  }
0x53b: {  	v3 =	vadd.s32 v1, v3;
	_ =	sdelay $0x1  }
0x53c: {  	s29 =	simm.s32 $0x7200  }
0x53d: {  	[tilespmem:s29], [sflag:$0x1] =	stream.indirect_vreg.gather [hbm4b:s1+s16], $0x80, v4, vm0, $0xb8;
	[tilespmem:$0x19200] =	vst v63  }
0x53e: {  	s30 =	simm.s32 $0x7A00  }
0x53f: {  	[tilespmem:s30], [sflag:$0x1] =	stream.indirect_vreg.gather [hbm4b:s1+s16], $0x80, v3, vm0, $0xb8;
	[tilespmem:$0x19200] =	vst v63  }
0x540: {  	v3 =	vld [tilespmem:$0x80];
	_ =	sdelay $0x4  }
0x541: {  	v37 =	vshll.u32 v3, $0x1  }
0x542: {  	v3 =	vand.u32 $0x7, v3;
	v4 =	vand.u32 $0xFFFFFFF0, v37  }
0x543: {  	v3 =	vor.u32 v3, v4  }
0x544: {  	v4 =	vperm.xlane v3, v0;
	_ =	sdelay $0x1  }
0x545: {  	v3 =	vperm.xlane v3, v2;
	v4 =	vadd.s32 v1, v4;
	_ =	sdelay $0x1  }
0x546: {  	v3 =	vadd.s32 v1, v3;
	_ =	sdelay $0x1  }
0x547: {  	s14 =	simm.s32 $0x8200  }
0x548: {  	[tilespmem:s14], [sflag:$0x1] =	stream.indirect_vreg.gather [hbm4b:s1+s16], $0x80, v4, vm0, $0xb8;
	[tilespmem:$0x19200] =	vst v63  }
0x549: {  	s31 =	simm.s32 $0x8A00  }
0x54a: {  	[tilespmem:s31], [sflag:$0x1] =	stream.indirect_vreg.gather [hbm4b:s1+s16], $0x80, v3, vm0, $0xb8;
	[tilespmem:$0x19200] =	vst v63  }
0x54b: {  	v3 =	vld [tilespmem:$0x90];
	_ =	sdelay $0x4  }
0x54c: {  	v38 =	vshll.u32 v3, $0x1  }
0x54d: {  	v3 =	vand.u32 $0x7, v3;
	v4 =	vand.u32 $0xFFFFFFF0, v38  }
0x54e: {  	v3 =	vor.u32 v3, v4  }
0x54f: {  	v4 =	vperm.xlane v3, v0;
	_ =	sdelay $0x1  }
0x550: {  	v3 =	vperm.xlane v3, v2;
	v4 =	vadd.s32 v1, v4;
	_ =	sdelay $0x1  }
0x551: {  	v3 =	vadd.s32 v1, v3;
	_ =	sdelay $0x1  }
0x552: {  	s15 =	simm.s32 $0x9200  }
0x553: {  	[tilespmem:s15], [sflag:$0x1] =	stream.indirect_vreg.gather [hbm4b:s1+s16], $0x80, v4, vm0, $0xb8;
	[tilespmem:$0x19200] =	vst v63  }
0x554: {  	s18 =	simm.s32 $0x9A00  }
0x555: {  	[tilespmem:s18], [sflag:$0x1] =	stream.indirect_vreg.gather [hbm4b:s1+s16], $0x80, v3, vm0, $0xb8;
	[tilespmem:$0x19200] =	vst v63  }
0x556: {  	v3 =	vld [tilespmem:$0xA0];
	_ =	sdelay $0x4  }
0x557: {  	v39 =	vshll.u32 v3, $0x1  }
0x558: {  	v3 =	vand.u32 $0x7, v3;
	v4 =	vand.u32 $0xFFFFFFF0, v39  }
0x559: {  	v3 =	vor.u32 v3, v4  }
0x55a: {  	v4 =	vperm.xlane v3, v0;
	_ =	sdelay $0x1  }
0x55b: {  	v3 =	vperm.xlane v3, v2;
	v4 =	vadd.s32 v1, v4;
	_ =	sdelay $0x1  }
0x55c: {  	v3 =	vadd.s32 v1, v3;
	_ =	sdelay $0x1  }
0x55d: {  	s17 =	simm.s32 $0xA200  }
0x55e: {  	[tilespmem:s17], [sflag:$0x1] =	stream.indirect_vreg.gather [hbm4b:s1+s16], $0x80, v4, vm0, $0xb8;
	[tilespmem:$0x19200] =	vst v63  }
0x55f: {  	s19 =	simm.s32 $0xAA00  }
0x560: {  	[tilespmem:s19], [sflag:$0x1] =	stream.indirect_vreg.gather [hbm4b:s1+s16], $0x80, v3, vm0, $0xb8;
	[tilespmem:$0x19200] =	vst v63  }
0x561: {  	v3 =	vld [tilespmem:$0xB0];
	_ =	sdelay $0x4  }
0x562: {  	v40 =	vshll.u32 v3, $0x1  }
0x563: {  	v3 =	vand.u32 $0x7, v3;
	v4 =	vand.u32 $0xFFFFFFF0, v40  }
0x564: {  	v3 =	vor.u32 v3, v4  }
0x565: {  	v4 =	vperm.xlane v3, v0;
	_ =	sdelay $0x1  }
0x566: {  	v3 =	vperm.xlane v3, v2;
	v4 =	vadd.s32 v1, v4;
	_ =	sdelay $0x1  }
0x567: {  	v3 =	vadd.s32 v1, v3;
	_ =	sdelay $0x1  }
0x568: {  	s9 =	simm.s32 $0xB200  }
0x569: {  	[tilespmem:s9], [sflag:$0x1] =	stream.indirect_vreg.gather [hbm4b:s1+s16], $0x80, v4, vm0, $0xb8;
	[tilespmem:$0x19200] =	vst v63  }
0x56a: {  	s20 =	simm.s32 $0xBA00  }
0x56b: {  	[tilespmem:s20], [sflag:$0x1] =	stream.indirect_vreg.gather [hbm4b:s1+s16], $0x80, v3, vm0, $0xb8;
	[tilespmem:$0x19200] =	vst v63  }
0x56c: {  	v3 =	vld.msk [tilespmem:$0xC0], $0xff;
	_ =	sdelay $0x4  }
0x56d: {  	v41 =	vshll.u32 v3, $0x1  }
0x56e: {  	v3 =	vand.u32 $0x7, v3;
	v4 =	vand.u32 $0xFFFFFFF0, v41  }
0x56f: {  	v3 =	vor.u32 v3, v4  }
0x570: {  	v3 =	vperm.xlane v3, v0;
	_ =	sdelay $0x1  }
0x571: {  	v3 =	vadd.s32 v1, v3;
	_ =	sdelay $0x3  }
0x572: {  	s10 =	simm.s32 $0xC200  }
0x573: {  	[tilespmem:s10], [sflag:$0x1] =	stream.indirect_vreg.gather [hbm4b:s1+s16], $0x80, v3, vm0, $0xb8;
	[tilespmem:$0x19200] =	vst v63  }
0x574: {  	_ =	swait.ge [sflag:s6], $0xC800  }
0x575: {  	[sflag:s6] =	ssyncset.done $0x0  }
0x576: {  	s31 =	rddreg [dreg:$0x1a];
	[sflag:s6] =	ssyncadd.s32 $0xFFFF3800  }
0x577: {  	[hbm4b:s31+s16] =	stream.linear.scatter [tilespmem:s2], [sflag:$0x4], $0xC800, $0x38;
	[tilespmem:$0x19200] =	vst v63  }
0x578: {  	_ =	swait.ge [sflag:s7], $0xC800  }
0x579: {  	[sflag:s7] =	ssyncset.done $0x0  }
0x57a: {  	s31 =	simm.s32 $0x100;
	s8 =	rddreg [dreg:$0xc];
	[sflag:s7] =	ssyncadd.s32 $0xFFFF3800  }
0x57b: {  	[tilespmem:s31], [sflag:$0x5] =	stream.linear.gather [hbm4b:s8+s16], $0xC8, $0x38;
	[tilespmem:$0x19200] =	vst v63  }
0x57c: {  	_ =	swait.ge [sflag:s3], $0xC8  }
0x57d: {  	[sflag:s3] =	ssyncset.done $0x0  }
0x57e: {  	[sflag:s3] =	ssyncadd.s32 $0xFFFFFF38  }
0x57f: {  	v3 =	vld [tilespmem:$0x100];
	_ =	sdelay $0x4  }
0x580: {  	v42 =	vshll.u32 v3, $0x1  }
0x581: {  	v3 =	vand.u32 $0x7, v3;
	v4 =	vand.u32 $0xFFFFFFF0, v42  }
0x582: {  	v3 =	vor.u32 v3, v4  }
0x583: {  	v4 =	vperm.xlane v3, v0;
	_ =	sdelay $0x1  }
0x584: {  	v3 =	vperm.xlane v3, v2;
	v4 =	vadd.s32 v1, v4;
	_ =	sdelay $0x1  }
0x585: {  	v3 =	vadd.s32 v1, v3;
	_ =	sdelay $0x2  }
0x586: {  	[tilespmem:s2], [sflag:$0x2] =	stream.indirect_vreg.gather [hbm4b:s1+s16], $0x80, v4, vm0, $0xb8;
	[tilespmem:$0x19200] =	vst v63  }
0x587: {  	s31 =	simm.s32 $0xD200  }
0x588: {  	[tilespmem:s31], [sflag:$0x2] =	stream.indirect_vreg.gather [hbm4b:s1+s16], $0x80, v3, vm0, $0xb8;
	[tilespmem:$0x19200] =	vst v63  }
0x589: {  	v3 =	vld [tilespmem:$0x110];
	_ =	sdelay $0x4  }
0x58a: {  	v43 =	vshll.u32 v3, $0x1  }
0x58b: {  	v3 =	vand.u32 $0x7, v3;
	v4 =	vand.u32 $0xFFFFFFF0, v43  }
0x58c: {  	v3 =	vor.u32 v3, v4  }
0x58d: {  	v4 =	vperm.xlane v3, v0;
	_ =	sdelay $0x1  }
0x58e: {  	v3 =	vperm.xlane v3, v2;
	v4 =	vadd.s32 v1, v4;
	_ =	sdelay $0x1  }
0x58f: {  	v3 =	vadd.s32 v1, v3;
	_ =	sdelay $0x1  }
0x590: {  	s21 =	simm.s32 $0xDA00  }
0x591: {  	[tilespmem:s21], [sflag:$0x2] =	stream.indirect_vreg.gather [hbm4b:s1+s16], $0x80, v4, vm0, $0xb8;
	[tilespmem:$0x19200] =	vst v63  }
0x592: {  	s31 =	simm.s32 $0xE200  }
0x593: {  	[tilespmem:s31], [sflag:$0x2] =	stream.indirect_vreg.gather [hbm4b:s1+s16], $0x80, v3, vm0, $0xb8;
	[tilespmem:$0x19200] =	vst v63  }
0x594: {  	v3 =	vld [tilespmem:$0x120];
	_ =	sdelay $0x4  }
0x595: {  	v44 =	vshll.u32 v3, $0x1  }
0x596: {  	v3 =	vand.u32 $0x7, v3;
	v4 =	vand.u32 $0xFFFFFFF0, v44  }
0x597: {  	v3 =	vor.u32 v3, v4  }
0x598: {  	v4 =	vperm.xlane v3, v0;
	_ =	sdelay $0x1  }
0x599: {  	v3 =	vperm.xlane v3, v2;
	v4 =	vadd.s32 v1, v4;
	_ =	sdelay $0x1  }
0x59a: {  	v3 =	vadd.s32 v1, v3;
	_ =	sdelay $0x1  }
0x59b: {  	s31 =	simm.s32 $0xEA00  }
0x59c: {  	[tilespmem:s31], [sflag:$0x2] =	stream.indirect_vreg.gather [hbm4b:s1+s16], $0x80, v4, vm0, $0xb8;
	[tilespmem:$0x19200] =	vst v63  }
0x59d: {  	s8 =	simm.s32 $0xF200  }
0x59e: {  	[tilespmem:s8], [sflag:$0x2] =	stream.indirect_vreg.gather [hbm4b:s1+s16], $0x80, v3, vm0, $0xb8;
	[tilespmem:$0x19200] =	vst v63  }
0x59f: {  	v3 =	vld [tilespmem:$0x130];
	_ =	sdelay $0x4  }
0x5a0: {  	v45 =	vshll.u32 v3, $0x1  }
0x5a1: {  	v3 =	vand.u32 $0x7, v3;
	v4 =	vand.u32 $0xFFFFFFF0, v45  }
0x5a2: {  	v3 =	vor.u32 v3, v4  }
0x5a3: {  	v4 =	vperm.xlane v3, v0;
	_ =	sdelay $0x1  }
0x5a4: {  	v3 =	vperm.xlane v3, v2;
	v4 =	vadd.s32 v1, v4;
	_ =	sdelay $0x1  }
0x5a5: {  	v3 =	vadd.s32 v1, v3;
	_ =	sdelay $0x1  }
0x5a6: {  	s8 =	simm.s32 $0xFA00  }
0x5a7: {  	[tilespmem:s8], [sflag:$0x2] =	stream.indirect_vreg.gather [hbm4b:s1+s16], $0x80, v4, vm0, $0xb8;
	[tilespmem:$0x19200] =	vst v63  }
0x5a8: {  	s8 =	simm.s32 $0x10200  }
0x5a9: {  	[tilespmem:s8], [sflag:$0x2] =	stream.indirect_vreg.gather [hbm4b:s1+s16], $0x80, v3, vm0, $0xb8;
	[tilespmem:$0x19200] =	vst v63  }
0x5aa: {  	v3 =	vld [tilespmem:$0x140];
	_ =	sdelay $0x4  }
0x5ab: {  	v46 =	vshll.u32 v3, $0x1  }
0x5ac: {  	v3 =	vand.u32 $0x7, v3;
	v4 =	vand.u32 $0xFFFFFFF0, v46  }
0x5ad: {  	v3 =	vor.u32 v3, v4  }
0x5ae: {  	v4 =	vperm.xlane v3, v0;
	_ =	sdelay $0x1  }
0x5af: {  	v3 =	vperm.xlane v3, v2;
	v4 =	vadd.s32 v1, v4;
	_ =	sdelay $0x1  }
0x5b0: {  	v3 =	vadd.s32 v1, v3;
	_ =	sdelay $0x1  }
0x5b1: {  	s8 =	simm.s32 $0x10A00  }
0x5b2: {  	[tilespmem:s8], [sflag:$0x2] =	stream.indirect_vreg.gather [hbm4b:s1+s16], $0x80, v4, vm0, $0xb8;
	[tilespmem:$0x19200] =	vst v63  }
0x5b3: {  	s8 =	simm.s32 $0x11200  }
0x5b4: {  	[tilespmem:s8], [sflag:$0x2] =	stream.indirect_vreg.gather [hbm4b:s1+s16], $0x80, v3, vm0, $0xb8;
	[tilespmem:$0x19200] =	vst v63  }
0x5b5: {  	v3 =	vld [tilespmem:$0x150];
	_ =	sdelay $0x4  }
0x5b6: {  	v47 =	vshll.u32 v3, $0x1  }
0x5b7: {  	v3 =	vand.u32 $0x7, v3;
	v4 =	vand.u32 $0xFFFFFFF0, v47  }
0x5b8: {  	v3 =	vor.u32 v3, v4  }
0x5b9: {  	v4 =	vperm.xlane v3, v0;
	_ =	sdelay $0x1  }
0x5ba: {  	v3 =	vperm.xlane v3, v2;
	v4 =	vadd.s32 v1, v4;
	_ =	sdelay $0x1  }
0x5bb: {  	v3 =	vadd.s32 v1, v3;
	_ =	sdelay $0x1  }
0x5bc: {  	s8 =	simm.s32 $0x11A00  }
0x5bd: {  	[tilespmem:s8], [sflag:$0x2] =	stream.indirect_vreg.gather [hbm4b:s1+s16], $0x80, v4, vm0, $0xb8;
	[tilespmem:$0x19200] =	vst v63  }
0x5be: {  	s8 =	simm.s32 $0x12200  }
0x5bf: {  	[tilespmem:s8], [sflag:$0x2] =	stream.indirect_vreg.gather [hbm4b:s1+s16], $0x80, v3, vm0, $0xb8;
	[tilespmem:$0x19200] =	vst v63  }
0x5c0: {  	v3 =	vld [tilespmem:$0x160];
	_ =	sdelay $0x4  }
0x5c1: {  	v48 =	vshll.u32 v3, $0x1  }
0x5c2: {  	v3 =	vand.u32 $0x7, v3;
	v4 =	vand.u32 $0xFFFFFFF0, v48  }
0x5c3: {  	v3 =	vor.u32 v3, v4  }
0x5c4: {  	v4 =	vperm.xlane v3, v0;
	_ =	sdelay $0x1  }
0x5c5: {  	v3 =	vperm.xlane v3, v2;
	v4 =	vadd.s32 v1, v4;
	_ =	sdelay $0x1  }
0x5c6: {  	v3 =	vadd.s32 v1, v3;
	_ =	sdelay $0x1  }
0x5c7: {  	s8 =	simm.s32 $0x12A00  }
0x5c8: {  	[tilespmem:s8], [sflag:$0x2] =	stream.indirect_vreg.gather [hbm4b:s1+s16], $0x80, v4, vm0, $0xb8;
	[tilespmem:$0x19200] =	vst v63  }
0x5c9: {  	s8 =	simm.s32 $0x13200  }
0x5ca: {  	[tilespmem:s8], [sflag:$0x2] =	stream.indirect_vreg.gather [hbm4b:s1+s16], $0x80, v3, vm0, $0xb8;
	[tilespmem:$0x19200] =	vst v63  }
0x5cb: {  	v3 =	vld [tilespmem:$0x170];
	_ =	sdelay $0x4  }
0x5cc: {  	v49 =	vshll.u32 v3, $0x1  }
0x5cd: {  	v3 =	vand.u32 $0x7, v3;
	v4 =	vand.u32 $0xFFFFFFF0, v49  }
0x5ce: {  	v3 =	vor.u32 v3, v4  }
0x5cf: {  	v4 =	vperm.xlane v3, v0;
	_ =	sdelay $0x1  }
0x5d0: {  	v3 =	vperm.xlane v3, v2;
	v4 =	vadd.s32 v1, v4;
	_ =	sdelay $0x1  }
0x5d1: {  	v3 =	vadd.s32 v1, v3;
	_ =	sdelay $0x1  }
0x5d2: {  	s8 =	simm.s32 $0x13A00  }
0x5d3: {  	[tilespmem:s8], [sflag:$0x2] =	stream.indirect_vreg.gather [hbm4b:s1+s16], $0x80, v4, vm0, $0xb8;
	[tilespmem:$0x19200] =	vst v63  }
0x5d4: {  	s8 =	simm.s32 $0x14200  }
0x5d5: {  	[tilespmem:s8], [sflag:$0x2] =	stream.indirect_vreg.gather [hbm4b:s1+s16], $0x80, v3, vm0, $0xb8;
	[tilespmem:$0x19200] =	vst v63  }
0x5d6: {  	v3 =	vld [tilespmem:$0x180];
	_ =	sdelay $0x4  }
0x5d7: {  	v50 =	vshll.u32 v3, $0x1  }
0x5d8: {  	v3 =	vand.u32 $0x7, v3;
	v4 =	vand.u32 $0xFFFFFFF0, v50  }
0x5d9: {  	v3 =	vor.u32 v3, v4  }
0x5da: {  	v4 =	vperm.xlane v3, v0;
	_ =	sdelay $0x1  }
0x5db: {  	v3 =	vperm.xlane v3, v2;
	v4 =	vadd.s32 v1, v4;
	_ =	sdelay $0x1  }
0x5dc: {  	v3 =	vadd.s32 v1, v3;
	_ =	sdelay $0x1  }
0x5dd: {  	s8 =	simm.s32 $0x14A00  }
0x5de: {  	[tilespmem:s8], [sflag:$0x2] =	stream.indirect_vreg.gather [hbm4b:s1+s16], $0x80, v4, vm0, $0xb8;
	[tilespmem:$0x19200] =	vst v63  }
0x5df: {  	s8 =	simm.s32 $0x15200  }
0x5e0: {  	[tilespmem:s8], [sflag:$0x2] =	stream.indirect_vreg.gather [hbm4b:s1+s16], $0x80, v3, vm0, $0xb8;
	[tilespmem:$0x19200] =	vst v63  }
0x5e1: {  	v3 =	vld [tilespmem:$0x190];
	_ =	sdelay $0x4  }
0x5e2: {  	v51 =	vshll.u32 v3, $0x1  }
0x5e3: {  	v3 =	vand.u32 $0x7, v3;
	v4 =	vand.u32 $0xFFFFFFF0, v51  }
0x5e4: {  	v3 =	vor.u32 v3, v4  }
0x5e5: {  	v4 =	vperm.xlane v3, v0;
	_ =	sdelay $0x1  }
0x5e6: {  	v3 =	vperm.xlane v3, v2;
	v4 =	vadd.s32 v1, v4;
	_ =	sdelay $0x1  }
0x5e7: {  	v3 =	vadd.s32 v1, v3;
	_ =	sdelay $0x1  }
0x5e8: {  	s8 =	simm.s32 $0x15A00  }
0x5e9: {  	[tilespmem:s8], [sflag:$0x2] =	stream.indirect_vreg.gather [hbm4b:s1+s16], $0x80, v4, vm0, $0xb8;
	[tilespmem:$0x19200] =	vst v63  }
0x5ea: {  	s8 =	simm.s32 $0x16200  }
0x5eb: {  	[tilespmem:s8], [sflag:$0x2] =	stream.indirect_vreg.gather [hbm4b:s1+s16], $0x80, v3, vm0, $0xb8;
	[tilespmem:$0x19200] =	vst v63  }
0x5ec: {  	v3 =	vld [tilespmem:$0x1A0];
	_ =	sdelay $0x4  }
0x5ed: {  	v52 =	vshll.u32 v3, $0x1  }
0x5ee: {  	v3 =	vand.u32 $0x7, v3;
	v4 =	vand.u32 $0xFFFFFFF0, v52  }
0x5ef: {  	v3 =	vor.u32 v3, v4  }
0x5f0: {  	v4 =	vperm.xlane v3, v0;
	_ =	sdelay $0x1  }
0x5f1: {  	v3 =	vperm.xlane v3, v2;
	v4 =	vadd.s32 v1, v4;
	_ =	sdelay $0x1  }
0x5f2: {  	v3 =	vadd.s32 v1, v3;
	_ =	sdelay $0x1  }
0x5f3: {  	s8 =	simm.s32 $0x16A00  }
0x5f4: {  	[tilespmem:s8], [sflag:$0x2] =	stream.indirect_vreg.gather [hbm4b:s1+s16], $0x80, v4, vm0, $0xb8;
	[tilespmem:$0x19200] =	vst v63  }
0x5f5: {  	s8 =	simm.s32 $0x17200  }
0x5f6: {  	[tilespmem:s8], [sflag:$0x2] =	stream.indirect_vreg.gather [hbm4b:s1+s16], $0x80, v3, vm0, $0xb8;
	[tilespmem:$0x19200] =	vst v63  }
0x5f7: {  	v3 =	vld [tilespmem:$0x1B0];
	_ =	sdelay $0x4  }
0x5f8: {  	v53 =	vshll.u32 v3, $0x1  }
0x5f9: {  	v3 =	vand.u32 $0x7, v3;
	v4 =	vand.u32 $0xFFFFFFF0, v53  }
0x5fa: {  	v3 =	vor.u32 v3, v4  }
0x5fb: {  	v4 =	vperm.xlane v3, v0;
	_ =	sdelay $0x1  }
0x5fc: {  	v3 =	vperm.xlane v3, v2;
	v4 =	vadd.s32 v1, v4;
	_ =	sdelay $0x1  }
0x5fd: {  	v3 =	vadd.s32 v1, v3;
	_ =	sdelay $0x1  }
0x5fe: {  	s8 =	simm.s32 $0x17A00  }
0x5ff: {  	[tilespmem:s8], [sflag:$0x2] =	stream.indirect_vreg.gather [hbm4b:s1+s16], $0x80, v4, vm0, $0xb8;
	[tilespmem:$0x19200] =	vst v63  }
0x600: {  	s8 =	simm.s32 $0x18200  }
0x601: {  	[tilespmem:s8], [sflag:$0x2] =	stream.indirect_vreg.gather [hbm4b:s1+s16], $0x80, v3, vm0, $0xb8;
	[tilespmem:$0x19200] =	vst v63  }
0x602: {  	v3 =	vld.msk [tilespmem:$0x1C0], $0xff;
	_ =	sdelay $0x4  }
0x603: {  	v54 =	vshll.u32 v3, $0x1  }
0x604: {  	v3 =	vand.u32 $0x7, v3;
	v4 =	vand.u32 $0xFFFFFFF0, v54  }
0x605: {  	v3 =	vor.u32 v3, v4  }
0x606: {  	v3 =	vperm.xlane v3, v0;
	_ =	sdelay $0x1  }
0x607: {  	v3 =	vadd.s32 v1, v3;
	_ =	sdelay $0x3  }
0x608: {  	s8 =	simm.s32 $0x18A00  }
0x609: {  	[tilespmem:s8], [sflag:$0x2] =	stream.indirect_vreg.gather [hbm4b:s1+s16], $0x80, v3, vm0, $0xb8;
	[tilespmem:$0x19200] =	vst v63  }
0x60a: {  	_ =	swait.ge [sflag:s0], $0xC800  }
0x60b: {  	[sflag:s0] =	ssyncset.done $0x0  }
0x60c: {  	s8 =	rddreg [dreg:$0x1b];
	[sflag:s0] =	ssyncadd.s32 $0xFFFF3800  }
0x60d: {  	[hbm4b:s8+s16] =	stream.linear.scatter [tilespmem:s4], [sflag:$0x3], $0xC800, $0x38;
	[tilespmem:$0x19200] =	vst v63  }
0x60e: {  	_ =	swait.ge [sflag:s5], $0xC800  }
0x60f: {  	[sflag:s5] =	ssyncset.done $0x0  }
0x610: {  	s8 =	rddreg [dreg:$0xd];
	[sflag:s5] =	ssyncadd.s32 $0xFFFF3800  }
0x611: {  	[tilespmem:s16], [sflag:$0x5] =	stream.linear.gather [hbm4b:s8+s16], $0xC8, $0x38;
	[tilespmem:$0x19200] =	vst v63  }
0x612: {  	_ =	swait.ge [sflag:s3], $0xC8  }
0x613: {  	[sflag:s3] =	ssyncset.done $0x0  }
0x614: {  	[sflag:s3] =	ssyncadd.s32 $0xFFFFFF38  }
0x615: {  	v3 =	vld [tilespmem:$0x0];
	_ =	sdelay $0x4  }
0x616: {  	v55 =	vshll.u32 v3, $0x1  }
0x617: {  	v3 =	vand.u32 $0x7, v3;
	v4 =	vand.u32 $0xFFFFFFF0, v55  }
0x618: {  	v3 =	vor.u32 v3, v4  }
0x619: {  	v4 =	vperm.xlane v3, v0;
	_ =	sdelay $0x1  }
0x61a: {  	v3 =	vperm.xlane v3, v2;
	v4 =	vadd.s32 v1, v4;
	_ =	sdelay $0x1  }
0x61b: {  	v3 =	vadd.s32 v1, v3;
	_ =	sdelay $0x2  }
0x61c: {  	[tilespmem:s4], [sflag:$0x1] =	stream.indirect_vreg.gather [hbm4b:s1+s16], $0x80, v4, vm0, $0xb8;
	[tilespmem:$0x19200] =	vst v63  }
0x61d: {  	s8 =	simm.s32 $0xA00  }
0x61e: {  	[tilespmem:s8], [sflag:$0x1] =	stream.indirect_vreg.gather [hbm4b:s1+s16], $0x80, v3, vm0, $0xb8;
	[tilespmem:$0x19200] =	vst v63  }
0x61f: {  	v3 =	vld [tilespmem:$0x10];
	_ =	sdelay $0x4  }
0x620: {  	v56 =	vshll.u32 v3, $0x1  }
0x621: {  	v3 =	vand.u32 $0x7, v3;
	v4 =	vand.u32 $0xFFFFFFF0, v56  }
0x622: {  	v3 =	vor.u32 v3, v4  }
0x623: {  	v4 =	vperm.xlane v3, v0;
	_ =	sdelay $0x1  }
0x624: {  	v3 =	vperm.xlane v3, v2;
	v4 =	vadd.s32 v1, v4;
	_ =	sdelay $0x1  }
0x625: {  	v3 =	vadd.s32 v1, v3;
	_ =	sdelay $0x1  }
0x626: {  	s22 =	simm.s32 $0x1200  }
0x627: {  	[tilespmem:s22], [sflag:$0x1] =	stream.indirect_vreg.gather [hbm4b:s1+s16], $0x80, v4, vm0, $0xb8;
	[tilespmem:$0x19200] =	vst v63  }
0x628: {  	s8 =	simm.s32 $0x1A00  }
0x629: {  	[tilespmem:s8], [sflag:$0x1] =	stream.indirect_vreg.gather [hbm4b:s1+s16], $0x80, v3, vm0, $0xb8;
	[tilespmem:$0x19200] =	vst v63  }
0x62a: {  	v3 =	vld [tilespmem:$0x20];
	_ =	sdelay $0x4  }
0x62b: {  	v57 =	vshll.u32 v3, $0x1  }
0x62c: {  	v3 =	vand.u32 $0x7, v3;
	v4 =	vand.u32 $0xFFFFFFF0, v57  }
0x62d: {  	v3 =	vor.u32 v3, v4  }
0x62e: {  	v4 =	vperm.xlane v3, v0;
	_ =	sdelay $0x1  }
0x62f: {  	v3 =	vperm.xlane v3, v2;
	v4 =	vadd.s32 v1, v4;
	_ =	sdelay $0x1  }
0x630: {  	v3 =	vadd.s32 v1, v3;
	_ =	sdelay $0x1  }
0x631: {  	s23 =	simm.s32 $0x2200  }
0x632: {  	[tilespmem:s23], [sflag:$0x1] =	stream.indirect_vreg.gather [hbm4b:s1+s16], $0x80, v4, vm0, $0xb8;
	[tilespmem:$0x19200] =	vst v63  }
0x633: {  	s8 =	simm.s32 $0x2A00  }
0x634: {  	[tilespmem:s8], [sflag:$0x1] =	stream.indirect_vreg.gather [hbm4b:s1+s16], $0x80, v3, vm0, $0xb8;
	[tilespmem:$0x19200] =	vst v63  }
0x635: {  	v3 =	vld [tilespmem:$0x30];
	_ =	sdelay $0x4  }
0x636: {  	v58 =	vshll.u32 v3, $0x1  }
0x637: {  	v3 =	vand.u32 $0x7, v3;
	v4 =	vand.u32 $0xFFFFFFF0, v58  }
0x638: {  	v3 =	vor.u32 v3, v4  }
0x639: {  	v4 =	vperm.xlane v3, v0;
	_ =	sdelay $0x1  }
0x63a: {  	v3 =	vperm.xlane v3, v2;
	v4 =	vadd.s32 v1, v4;
	_ =	sdelay $0x1  }
0x63b: {  	v3 =	vadd.s32 v1, v3;
	_ =	sdelay $0x1  }
0x63c: {  	s24 =	simm.s32 $0x3200  }
0x63d: {  	[tilespmem:s24], [sflag:$0x1] =	stream.indirect_vreg.gather [hbm4b:s1+s16], $0x80, v4, vm0, $0xb8;
	[tilespmem:$0x19200] =	vst v63  }
0x63e: {  	s8 =	simm.s32 $0x3A00  }
0x63f: {  	[tilespmem:s8], [sflag:$0x1] =	stream.indirect_vreg.gather [hbm4b:s1+s16], $0x80, v3, vm0, $0xb8;
	[tilespmem:$0x19200] =	vst v63  }
0x640: {  	v3 =	vld [tilespmem:$0x40];
	_ =	sdelay $0x4  }
0x641: {  	v59 =	vshll.u32 v3, $0x1  }
0x642: {  	v3 =	vand.u32 $0x7, v3;
	v4 =	vand.u32 $0xFFFFFFF0, v59  }
0x643: {  	v3 =	vor.u32 v3, v4  }
0x644: {  	v4 =	vperm.xlane v3, v0;
	_ =	sdelay $0x1  }
0x645: {  	v3 =	vperm.xlane v3, v2;
	v4 =	vadd.s32 v1, v4;
	_ =	sdelay $0x1  }
0x646: {  	v3 =	vadd.s32 v1, v3;
	_ =	sdelay $0x1  }
0x647: {  	s11 =	simm.s32 $0x4200  }
0x648: {  	[tilespmem:s11], [sflag:$0x1] =	stream.indirect_vreg.gather [hbm4b:s1+s16], $0x80, v4, vm0, $0xb8;
	[tilespmem:$0x19200] =	vst v63  }
0x649: {  	s26 =	simm.s32 $0x4A00  }
0x64a: {  	[tilespmem:s26], [sflag:$0x1] =	stream.indirect_vreg.gather [hbm4b:s1+s16], $0x80, v3, vm0, $0xb8;
	[tilespmem:$0x19200] =	vst v63  }
0x64b: {  	v3 =	vld [tilespmem:$0x50];
	_ =	sdelay $0x4  }
0x64c: {  	v60 =	vshll.u32 v3, $0x1  }
0x64d: {  	v3 =	vand.u32 $0x7, v3;
	v4 =	vand.u32 $0xFFFFFFF0, v60  }
0x64e: {  	v3 =	vor.u32 v3, v4  }
0x64f: {  	v4 =	vperm.xlane v3, v0;
	_ =	sdelay $0x1  }
0x650: {  	v3 =	vperm.xlane v3, v2;
	v4 =	vadd.s32 v1, v4;
	_ =	sdelay $0x1  }
0x651: {  	v3 =	vadd.s32 v1, v3;
	_ =	sdelay $0x1  }
0x652: {  	s12 =	simm.s32 $0x5200  }
0x653: {  	[tilespmem:s12], [sflag:$0x1] =	stream.indirect_vreg.gather [hbm4b:s1+s16], $0x80, v4, vm0, $0xb8;
	[tilespmem:$0x19200] =	vst v63  }
0x654: {  	s28 =	simm.s32 $0x5A00  }
0x655: {  	[tilespmem:s28], [sflag:$0x1] =	stream.indirect_vreg.gather [hbm4b:s1+s16], $0x80, v3, vm0, $0xb8;
	[tilespmem:$0x19200] =	vst v63  }
0x656: {  	v3 =	vld [tilespmem:$0x60];
	_ =	sdelay $0x4  }
0x657: {  	v61 =	vshll.u32 v3, $0x1  }
0x658: {  	v3 =	vand.u32 $0x7, v3;
	v4 =	vand.u32 $0xFFFFFFF0, v61  }
0x659: {  	v3 =	vor.u32 v3, v4  }
0x65a: {  	v4 =	vperm.xlane v3, v0;
	_ =	sdelay $0x1  }
0x65b: {  	v3 =	vperm.xlane v3, v2;
	v4 =	vadd.s32 v1, v4;
	_ =	sdelay $0x1  }
0x65c: {  	v3 =	vadd.s32 v1, v3;
	_ =	sdelay $0x1  }
0x65d: {  	s13 =	simm.s32 $0x6200  }
0x65e: {  	[tilespmem:s13], [sflag:$0x1] =	stream.indirect_vreg.gather [hbm4b:s1+s16], $0x80, v4, vm0, $0xb8;
	[tilespmem:$0x19200] =	vst v63  }
0x65f: {  	s13 =	simm.s32 $0x6A00  }
0x660: {  	[tilespmem:s13], [sflag:$0x1] =	stream.indirect_vreg.gather [hbm4b:s1+s16], $0x80, v3, vm0, $0xb8;
	[tilespmem:$0x19200] =	vst v63  }
0x661: {  	v3 =	vld [tilespmem:$0x70];
	_ =	sdelay $0x4  }
0x662: {  	v62 =	vshll.u32 v3, $0x1  }
0x663: {  	v3 =	vand.u32 $0x7, v3;
	v4 =	vand.u32 $0xFFFFFFF0, v62  }
0x664: {  	v3 =	vor.u32 v3, v4  }
0x665: {  	v4 =	vperm.xlane v3, v0;
	_ =	sdelay $0x1  }
0x666: {  	v3 =	vperm.xlane v3, v2;
	v4 =	vadd.s32 v1, v4;
	_ =	sdelay $0x1  }
0x667: {  	v3 =	vadd.s32 v1, v3;
	_ =	sdelay $0x1  }
0x668: {  	s25 =	simm.s32 $0x7200  }
0x669: {  	[tilespmem:s25], [sflag:$0x1] =	stream.indirect_vreg.gather [hbm4b:s1+s16], $0x80, v4, vm0, $0xb8;
	[tilespmem:$0x19200] =	vst v63  }
0x66a: {  	s29 =	simm.s32 $0x7A00  }
0x66b: {  	[tilespmem:s29], [sflag:$0x1] =	stream.indirect_vreg.gather [hbm4b:s1+s16], $0x80, v3, vm0, $0xb8;
	[tilespmem:$0x19200] =	vst v63  }
0x66c: {  	v3 =	vld [tilespmem:$0x80];
	_ =	sdelay $0x4  }
0x66d: {  	v63 =	vshll.u32 v3, $0x1  }
0x66e: {  	v3 =	vand.u32 $0x7, v3;
	v4 =	vand.u32 $0xFFFFFFF0, v63  }
0x66f: {  	v3 =	vor.u32 v3, v4  }
0x670: {  	v4 =	vperm.xlane v3, v0;
	_ =	sdelay $0x1  }
0x671: {  	v3 =	vperm.xlane v3, v2;
	v4 =	vadd.s32 v1, v4;
	_ =	sdelay $0x1  }
0x672: {  	v3 =	vadd.s32 v1, v3;
	_ =	sdelay $0x1  }
0x673: {  	s14 =	simm.s32 $0x8200  }
0x674: {  	[tilespmem:s14], [sflag:$0x1] =	stream.indirect_vreg.gather [hbm4b:s1+s16], $0x80, v4, vm0, $0xb8;
	[tilespmem:$0x19200] =	vst v63  }
0x675: {  	s30 =	simm.s32 $0x8A00  }
0x676: {  	[tilespmem:s30], [sflag:$0x1] =	stream.indirect_vreg.gather [hbm4b:s1+s16], $0x80, v3, vm0, $0xb8;
	[tilespmem:$0x19200] =	vst v63  }
0x677: {  	v3 =	vld [tilespmem:$0x90];
	_ =	sdelay $0x4  }
0x678: {  	v8 =	vshll.u32 v3, $0x1  }
0x679: {  	v3 =	vand.u32 $0x7, v3;
	v4 =	vand.u32 $0xFFFFFFF0, v8  }
0x67a: {  	v3 =	vor.u32 v3, v4  }
0x67b: {  	v4 =	vperm.xlane v3, v0;
	_ =	sdelay $0x1  }
0x67c: {  	v3 =	vperm.xlane v3, v2;
	v4 =	vadd.s32 v1, v4;
	_ =	sdelay $0x1  }
0x67d: {  	v3 =	vadd.s32 v1, v3;
	_ =	sdelay $0x1  }
0x67e: {  	s15 =	simm.s32 $0x9200  }
0x67f: {  	[tilespmem:s15], [sflag:$0x1] =	stream.indirect_vreg.gather [hbm4b:s1+s16], $0x80, v4, vm0, $0xb8;
	[tilespmem:$0x19200] =	vst v63  }
0x680: {  	s18 =	simm.s32 $0x9A00  }
0x681: {  	[tilespmem:s18], [sflag:$0x1] =	stream.indirect_vreg.gather [hbm4b:s1+s16], $0x80, v3, vm0, $0xb8;
	[tilespmem:$0x19200] =	vst v63  }
0x682: {  	v3 =	vld [tilespmem:$0xA0];
	_ =	sdelay $0x4  }
0x683: {  	v9 =	vshll.u32 v3, $0x1  }
0x684: {  	v3 =	vand.u32 $0x7, v3;
	v4 =	vand.u32 $0xFFFFFFF0, v9  }
0x685: {  	v3 =	vor.u32 v3, v4  }
0x686: {  	v4 =	vperm.xlane v3, v0;
	_ =	sdelay $0x1  }
0x687: {  	v3 =	vperm.xlane v3, v2;
	v4 =	vadd.s32 v1, v4;
	_ =	sdelay $0x1  }
0x688: {  	v3 =	vadd.s32 v1, v3;
	_ =	sdelay $0x1  }
0x689: {  	s17 =	simm.s32 $0xA200  }
0x68a: {  	[tilespmem:s17], [sflag:$0x1] =	stream.indirect_vreg.gather [hbm4b:s1+s16], $0x80, v4, vm0, $0xb8;
	[tilespmem:$0x19200] =	vst v63  }
0x68b: {  	s19 =	simm.s32 $0xAA00  }
0x68c: {  	[tilespmem:s19], [sflag:$0x1] =	stream.indirect_vreg.gather [hbm4b:s1+s16], $0x80, v3, vm0, $0xb8;
	[tilespmem:$0x19200] =	vst v63  }
0x68d: {  	v3 =	vld [tilespmem:$0xB0];
	_ =	sdelay $0x4  }
0x68e: {  	v10 =	vshll.u32 v3, $0x1  }
0x68f: {  	v3 =	vand.u32 $0x7, v3;
	v4 =	vand.u32 $0xFFFFFFF0, v10  }
0x690: {  	v3 =	vor.u32 v3, v4  }
0x691: {  	v4 =	vperm.xlane v3, v0;
	_ =	sdelay $0x1  }
0x692: {  	v3 =	vperm.xlane v3, v2;
	v4 =	vadd.s32 v1, v4;
	_ =	sdelay $0x1  }
0x693: {  	v3 =	vadd.s32 v1, v3;
	_ =	sdelay $0x1  }
0x694: {  	s9 =	simm.s32 $0xB200  }
0x695: {  	[tilespmem:s9], [sflag:$0x1] =	stream.indirect_vreg.gather [hbm4b:s1+s16], $0x80, v4, vm0, $0xb8;
	[tilespmem:$0x19200] =	vst v63  }
0x696: {  	s20 =	simm.s32 $0xBA00  }
0x697: {  	[tilespmem:s20], [sflag:$0x1] =	stream.indirect_vreg.gather [hbm4b:s1+s16], $0x80, v3, vm0, $0xb8;
	[tilespmem:$0x19200] =	vst v63  }
0x698: {  	v3 =	vld.msk [tilespmem:$0xC0], $0xff;
	_ =	sdelay $0x4  }
0x699: {  	v11 =	vshll.u32 v3, $0x1  }
0x69a: {  	v3 =	vand.u32 $0x7, v3;
	v4 =	vand.u32 $0xFFFFFFF0, v11  }
0x69b: {  	v3 =	vor.u32 v3, v4  }
0x69c: {  	v3 =	vperm.xlane v3, v0;
	_ =	sdelay $0x1  }
0x69d: {  	v3 =	vadd.s32 v1, v3;
	_ =	sdelay $0x3  }
0x69e: {  	s10 =	simm.s32 $0xC200  }
0x69f: {  	[tilespmem:s10], [sflag:$0x1] =	stream.indirect_vreg.gather [hbm4b:s1+s16], $0x80, v3, vm0, $0xb8;
	[tilespmem:$0x19200] =	vst v63  }
0x6a0: {  	_ =	swait.ge [sflag:s6], $0xC800  }
0x6a1: {  	[sflag:s6] =	ssyncset.done $0x0  }
0x6a2: {  	s17 =	rddreg [dreg:$0x1c];
	[sflag:s6] =	ssyncadd.s32 $0xFFFF3800  }
0x6a3: {  	[hbm4b:s17+s16] =	stream.linear.scatter [tilespmem:s2], [sflag:$0x4], $0xC800, $0x38;
	[tilespmem:$0x19200] =	vst v63  }
0x6a4: {  	_ =	swait.ge [sflag:s7], $0xC800  }
0x6a5: {  	[sflag:s7] =	ssyncset.done $0x0  }
0x6a6: {  	s19 =	simm.s32 $0x100;
	s18 =	rddreg [dreg:$0xe];
	[sflag:s7] =	ssyncadd.s32 $0xFFFF3800  }
0x6a7: {  	[tilespmem:s19], [sflag:$0x5] =	stream.linear.gather [hbm4b:s18+s16], $0xC8, $0x38;
	[tilespmem:$0x19200] =	vst v63  }
0x6a8: {  	_ =	swait.ge [sflag:s3], $0xC8  }
0x6a9: {  	[sflag:s3] =	ssyncset.done $0x0  }
0x6aa: {  	[sflag:s3] =	ssyncadd.s32 $0xFFFFFF38  }
0x6ab: {  	v3 =	vld [tilespmem:$0x100];
	_ =	sdelay $0x4  }
0x6ac: {  	v12 =	vshll.u32 v3, $0x1  }
0x6ad: {  	v3 =	vand.u32 $0x7, v3;
	v4 =	vand.u32 $0xFFFFFFF0, v12  }
0x6ae: {  	v3 =	vor.u32 v3, v4  }
0x6af: {  	v4 =	vperm.xlane v3, v0;
	_ =	sdelay $0x1  }
0x6b0: {  	v3 =	vperm.xlane v3, v2;
	v4 =	vadd.s32 v1, v4;
	_ =	sdelay $0x1  }
0x6b1: {  	v3 =	vadd.s32 v1, v3;
	_ =	sdelay $0x2  }
0x6b2: {  	[tilespmem:s2], [sflag:$0x2] =	stream.indirect_vreg.gather [hbm4b:s1+s16], $0x80, v4, vm0, $0xb8;
	[tilespmem:$0x19200] =	vst v63  }
0x6b3: {  	s20 =	simm.s32 $0xD200  }
0x6b4: {  	[tilespmem:s20], [sflag:$0x2] =	stream.indirect_vreg.gather [hbm4b:s1+s16], $0x80, v3, vm0, $0xb8;
	[tilespmem:$0x19200] =	vst v63  }
0x6b5: {  	v3 =	vld [tilespmem:$0x110];
	_ =	sdelay $0x4  }
0x6b6: {  	v13 =	vshll.u32 v3, $0x1  }
0x6b7: {  	v3 =	vand.u32 $0x7, v3;
	v4 =	vand.u32 $0xFFFFFFF0, v13  }
0x6b8: {  	v3 =	vor.u32 v3, v4  }
0x6b9: {  	v4 =	vperm.xlane v3, v0;
	_ =	sdelay $0x1  }
0x6ba: {  	v3 =	vperm.xlane v3, v2;
	v4 =	vadd.s32 v1, v4;
	_ =	sdelay $0x1  }
0x6bb: {  	v3 =	vadd.s32 v1, v3;
	_ =	sdelay $0x1  }
0x6bc: {  	s21 =	simm.s32 $0xDA00  }
0x6bd: {  	[tilespmem:s21], [sflag:$0x2] =	stream.indirect_vreg.gather [hbm4b:s1+s16], $0x80, v4, vm0, $0xb8;
	[tilespmem:$0x19200] =	vst v63  }
0x6be: {  	s9 =	simm.s32 $0xE200  }
0x6bf: {  	[tilespmem:s9], [sflag:$0x2] =	stream.indirect_vreg.gather [hbm4b:s1+s16], $0x80, v3, vm0, $0xb8;
	[tilespmem:$0x19200] =	vst v63  }
0x6c0: {  	v3 =	vld [tilespmem:$0x120];
	_ =	sdelay $0x4  }
0x6c1: {  	v14 =	vshll.u32 v3, $0x1  }
0x6c2: {  	v3 =	vand.u32 $0x7, v3;
	v4 =	vand.u32 $0xFFFFFFF0, v14  }
0x6c3: {  	v3 =	vor.u32 v3, v4  }
0x6c4: {  	v4 =	vperm.xlane v3, v0;
	_ =	sdelay $0x1  }
0x6c5: {  	v3 =	vperm.xlane v3, v2;
	v4 =	vadd.s32 v1, v4;
	_ =	sdelay $0x1  }
0x6c6: {  	v3 =	vadd.s32 v1, v3;
	_ =	sdelay $0x1  }
0x6c7: {  	s31 =	simm.s32 $0xEA00  }
0x6c8: {  	[tilespmem:s31], [sflag:$0x2] =	stream.indirect_vreg.gather [hbm4b:s1+s16], $0x80, v4, vm0, $0xb8;
	[tilespmem:$0x19200] =	vst v63  }
0x6c9: {  	s11 =	simm.s32 $0xF200  }
0x6ca: {  	[tilespmem:s11], [sflag:$0x2] =	stream.indirect_vreg.gather [hbm4b:s1+s16], $0x80, v3, vm0, $0xb8;
	[tilespmem:$0x19200] =	vst v63  }
0x6cb: {  	v3 =	vld [tilespmem:$0x130];
	_ =	sdelay $0x4  }
0x6cc: {  	v15 =	vshll.u32 v3, $0x1  }
0x6cd: {  	v3 =	vand.u32 $0x7, v3;
	v4 =	vand.u32 $0xFFFFFFF0, v15  }
0x6ce: {  	v3 =	vor.u32 v3, v4  }
0x6cf: {  	v4 =	vperm.xlane v3, v0;
	_ =	sdelay $0x1  }
0x6d0: {  	v3 =	vperm.xlane v3, v2;
	v4 =	vadd.s32 v1, v4;
	_ =	sdelay $0x1  }
0x6d1: {  	v3 =	vadd.s32 v1, v3;
	_ =	sdelay $0x1  }
0x6d2: {  	s12 =	simm.s32 $0xFA00  }
0x6d3: {  	[tilespmem:s12], [sflag:$0x2] =	stream.indirect_vreg.gather [hbm4b:s1+s16], $0x80, v4, vm0, $0xb8;
	[tilespmem:$0x19200] =	vst v63  }
0x6d4: {  	s13 =	simm.s32 $0x10200  }
0x6d5: {  	[tilespmem:s13], [sflag:$0x2] =	stream.indirect_vreg.gather [hbm4b:s1+s16], $0x80, v3, vm0, $0xb8;
	[tilespmem:$0x19200] =	vst v63  }
0x6d6: {  	v3 =	vld [tilespmem:$0x140];
	_ =	sdelay $0x4  }
0x6d7: {  	v16 =	vshll.u32 v3, $0x1  }
0x6d8: {  	v3 =	vand.u32 $0x7, v3;
	v4 =	vand.u32 $0xFFFFFFF0, v16  }
0x6d9: {  	v3 =	vor.u32 v3, v4  }
0x6da: {  	v4 =	vperm.xlane v3, v0;
	_ =	sdelay $0x1  }
0x6db: {  	v3 =	vperm.xlane v3, v2;
	v4 =	vadd.s32 v1, v4;
	_ =	sdelay $0x1  }
0x6dc: {  	v3 =	vadd.s32 v1, v3;
	_ =	sdelay $0x1  }
0x6dd: {  	s14 =	simm.s32 $0x10A00  }
0x6de: {  	[tilespmem:s14], [sflag:$0x2] =	stream.indirect_vreg.gather [hbm4b:s1+s16], $0x80, v4, vm0, $0xb8;
	[tilespmem:$0x19200] =	vst v63  }
0x6df: {  	s15 =	simm.s32 $0x11200  }
0x6e0: {  	[tilespmem:s15], [sflag:$0x2] =	stream.indirect_vreg.gather [hbm4b:s1+s16], $0x80, v3, vm0, $0xb8;
	[tilespmem:$0x19200] =	vst v63  }
0x6e1: {  	v3 =	vld [tilespmem:$0x150];
	_ =	sdelay $0x4  }
0x6e2: {  	v17 =	vshll.u32 v3, $0x1  }
0x6e3: {  	v3 =	vand.u32 $0x7, v3;
	v4 =	vand.u32 $0xFFFFFFF0, v17  }
0x6e4: {  	v3 =	vor.u32 v3, v4  }
0x6e5: {  	v4 =	vperm.xlane v3, v0;
	_ =	sdelay $0x1  }
0x6e6: {  	v3 =	vperm.xlane v3, v2;
	v4 =	vadd.s32 v1, v4;
	_ =	sdelay $0x1  }
0x6e7: {  	v3 =	vadd.s32 v1, v3;
	_ =	sdelay $0x1  }
0x6e8: {  	s17 =	simm.s32 $0x11A00  }
0x6e9: {  	[tilespmem:s17], [sflag:$0x2] =	stream.indirect_vreg.gather [hbm4b:s1+s16], $0x80, v4, vm0, $0xb8;
	[tilespmem:$0x19200] =	vst v63  }
0x6ea: {  	s18 =	simm.s32 $0x12200  }
0x6eb: {  	[tilespmem:s18], [sflag:$0x2] =	stream.indirect_vreg.gather [hbm4b:s1+s16], $0x80, v3, vm0, $0xb8;
	[tilespmem:$0x19200] =	vst v63  }
0x6ec: {  	v3 =	vld [tilespmem:$0x160];
	_ =	sdelay $0x4  }
0x6ed: {  	v18 =	vshll.u32 v3, $0x1  }
0x6ee: {  	v3 =	vand.u32 $0x7, v3;
	v4 =	vand.u32 $0xFFFFFFF0, v18  }
0x6ef: {  	v3 =	vor.u32 v3, v4  }
0x6f0: {  	v4 =	vperm.xlane v3, v0;
	_ =	sdelay $0x1  }
0x6f1: {  	v3 =	vperm.xlane v3, v2;
	v4 =	vadd.s32 v1, v4;
	_ =	sdelay $0x1  }
0x6f2: {  	v3 =	vadd.s32 v1, v3;
	_ =	sdelay $0x1  }
0x6f3: {  	s19 =	simm.s32 $0x12A00  }
0x6f4: {  	[tilespmem:s19], [sflag:$0x2] =	stream.indirect_vreg.gather [hbm4b:s1+s16], $0x80, v4, vm0, $0xb8;
	[tilespmem:$0x19200] =	vst v63  }
0x6f5: {  	s9 =	simm.s32 $0x13200  }
0x6f6: {  	[tilespmem:s9], [sflag:$0x2] =	stream.indirect_vreg.gather [hbm4b:s1+s16], $0x80, v3, vm0, $0xb8;
	[tilespmem:$0x19200] =	vst v63  }
0x6f7: {  	v3 =	vld [tilespmem:$0x170];
	_ =	sdelay $0x4  }
0x6f8: {  	v19 =	vshll.u32 v3, $0x1  }
0x6f9: {  	v3 =	vand.u32 $0x7, v3;
	v4 =	vand.u32 $0xFFFFFFF0, v19  }
0x6fa: {  	v3 =	vor.u32 v3, v4  }
0x6fb: {  	v4 =	vperm.xlane v3, v0;
	_ =	sdelay $0x1  }
0x6fc: {  	v3 =	vperm.xlane v3, v2;
	v4 =	vadd.s32 v1, v4;
	_ =	sdelay $0x1  }
0x6fd: {  	v3 =	vadd.s32 v1, v3;
	_ =	sdelay $0x1  }
0x6fe: {  	s11 =	simm.s32 $0x13A00  }
0x6ff: {  	[tilespmem:s11], [sflag:$0x2] =	stream.indirect_vreg.gather [hbm4b:s1+s16], $0x80, v4, vm0, $0xb8;
	[tilespmem:$0x19200] =	vst v63  }
0x700: {  	s12 =	simm.s32 $0x14200  }
0x701: {  	[tilespmem:s12], [sflag:$0x2] =	stream.indirect_vreg.gather [hbm4b:s1+s16], $0x80, v3, vm0, $0xb8;
	[tilespmem:$0x19200] =	vst v63  }
0x702: {  	v3 =	vld [tilespmem:$0x180];
	_ =	sdelay $0x4  }
0x703: {  	v20 =	vshll.u32 v3, $0x1  }
0x704: {  	v3 =	vand.u32 $0x7, v3;
	v4 =	vand.u32 $0xFFFFFFF0, v20  }
0x705: {  	v3 =	vor.u32 v3, v4  }
0x706: {  	v4 =	vperm.xlane v3, v0;
	_ =	sdelay $0x1  }
0x707: {  	v3 =	vperm.xlane v3, v2;
	v4 =	vadd.s32 v1, v4;
	_ =	sdelay $0x1  }
0x708: {  	v3 =	vadd.s32 v1, v3;
	_ =	sdelay $0x1  }
0x709: {  	s14 =	simm.s32 $0x14A00  }
0x70a: {  	[tilespmem:s14], [sflag:$0x2] =	stream.indirect_vreg.gather [hbm4b:s1+s16], $0x80, v4, vm0, $0xb8;
	[tilespmem:$0x19200] =	vst v63  }
0x70b: {  	s15 =	simm.s32 $0x15200  }
0x70c: {  	[tilespmem:s15], [sflag:$0x2] =	stream.indirect_vreg.gather [hbm4b:s1+s16], $0x80, v3, vm0, $0xb8;
	[tilespmem:$0x19200] =	vst v63  }
0x70d: {  	v3 =	vld [tilespmem:$0x190];
	_ =	sdelay $0x4  }
0x70e: {  	v21 =	vshll.u32 v3, $0x1  }
0x70f: {  	v3 =	vand.u32 $0x7, v3;
	v4 =	vand.u32 $0xFFFFFFF0, v21  }
0x710: {  	v3 =	vor.u32 v3, v4  }
0x711: {  	v4 =	vperm.xlane v3, v0;
	_ =	sdelay $0x1  }
0x712: {  	v3 =	vperm.xlane v3, v2;
	v4 =	vadd.s32 v1, v4;
	_ =	sdelay $0x1  }
0x713: {  	v3 =	vadd.s32 v1, v3;
	_ =	sdelay $0x1  }
0x714: {  	s17 =	simm.s32 $0x15A00  }
0x715: {  	[tilespmem:s17], [sflag:$0x2] =	stream.indirect_vreg.gather [hbm4b:s1+s16], $0x80, v4, vm0, $0xb8;
	[tilespmem:$0x19200] =	vst v63  }
0x716: {  	s18 =	simm.s32 $0x16200  }
0x717: {  	[tilespmem:s18], [sflag:$0x2] =	stream.indirect_vreg.gather [hbm4b:s1+s16], $0x80, v3, vm0, $0xb8;
	[tilespmem:$0x19200] =	vst v63  }
0x718: {  	v3 =	vld [tilespmem:$0x1A0];
	_ =	sdelay $0x4  }
0x719: {  	v22 =	vshll.u32 v3, $0x1  }
0x71a: {  	v3 =	vand.u32 $0x7, v3;
	v4 =	vand.u32 $0xFFFFFFF0, v22  }
0x71b: {  	v3 =	vor.u32 v3, v4  }
0x71c: {  	v4 =	vperm.xlane v3, v0;
	_ =	sdelay $0x1  }
0x71d: {  	v3 =	vperm.xlane v3, v2;
	v4 =	vadd.s32 v1, v4;
	_ =	sdelay $0x1  }
0x71e: {  	v3 =	vadd.s32 v1, v3;
	_ =	sdelay $0x1  }
0x71f: {  	s19 =	simm.s32 $0x16A00  }
0x720: {  	[tilespmem:s19], [sflag:$0x2] =	stream.indirect_vreg.gather [hbm4b:s1+s16], $0x80, v4, vm0, $0xb8;
	[tilespmem:$0x19200] =	vst v63  }
0x721: {  	s9 =	simm.s32 $0x17200  }
0x722: {  	[tilespmem:s9], [sflag:$0x2] =	stream.indirect_vreg.gather [hbm4b:s1+s16], $0x80, v3, vm0, $0xb8;
	[tilespmem:$0x19200] =	vst v63  }
0x723: {  	v3 =	vld [tilespmem:$0x1B0];
	_ =	sdelay $0x4  }
0x724: {  	v23 =	vshll.u32 v3, $0x1  }
0x725: {  	v3 =	vand.u32 $0x7, v3;
	v4 =	vand.u32 $0xFFFFFFF0, v23  }
0x726: {  	v3 =	vor.u32 v3, v4  }
0x727: {  	v4 =	vperm.xlane v3, v0;
	_ =	sdelay $0x1  }
0x728: {  	v3 =	vperm.xlane v3, v2;
	v4 =	vadd.s32 v1, v4;
	_ =	sdelay $0x1  }
0x729: {  	v3 =	vadd.s32 v1, v3;
	_ =	sdelay $0x1  }
0x72a: {  	s17 =	simm.s32 $0x17A00  }
0x72b: {  	[tilespmem:s17], [sflag:$0x2] =	stream.indirect_vreg.gather [hbm4b:s1+s16], $0x80, v4, vm0, $0xb8;
	[tilespmem:$0x19200] =	vst v63  }
0x72c: {  	s18 =	simm.s32 $0x18200  }
0x72d: {  	[tilespmem:s18], [sflag:$0x2] =	stream.indirect_vreg.gather [hbm4b:s1+s16], $0x80, v3, vm0, $0xb8;
	[tilespmem:$0x19200] =	vst v63  }
0x72e: {  	v3 =	vld.msk [tilespmem:$0x1C0], $0xff;
	_ =	sdelay $0x4  }
0x72f: {  	v24 =	vshll.u32 v3, $0x1  }
0x730: {  	v3 =	vand.u32 $0x7, v3;
	v4 =	vand.u32 $0xFFFFFFF0, v24  }
0x731: {  	v3 =	vor.u32 v3, v4  }
0x732: {  	v3 =	vperm.xlane v3, v0;
	_ =	sdelay $0x1  }
0x733: {  	v3 =	vadd.s32 v1, v3;
	_ =	sdelay $0x3  }
0x734: {  	s19 =	simm.s32 $0x18A00  }
0x735: {  	[tilespmem:s19], [sflag:$0x2] =	stream.indirect_vreg.gather [hbm4b:s1+s16], $0x80, v3, vm0, $0xb8;
	[tilespmem:$0x19200] =	vst v63  }
0x736: {  	_ =	swait.ge [sflag:s0], $0xC800  }
0x737: {  	[sflag:s0] =	ssyncset.done $0x0  }
0x738: {  	s9 =	rddreg [dreg:$0x1d];
	[sflag:s0] =	ssyncadd.s32 $0xFFFF3800  }
0x739: {  	[hbm4b:s9+s16] =	stream.linear.scatter [tilespmem:s4], [sflag:$0x3], $0xC800, $0x38;
	[tilespmem:$0x19200] =	vst v63  }
0x73a: {  	_ =	swait.ge [sflag:s5], $0xC800  }
0x73b: {  	[sflag:s5] =	ssyncset.done $0x0  }
0x73c: {  	s18 =	rddreg [dreg:$0xf];
	[sflag:s5] =	ssyncadd.s32 $0xFFFF3800  }
0x73d: {  	[tilespmem:s16], [sflag:$0x5] =	stream.linear.gather [hbm4b:s18+s16], $0xC8, $0x38;
	[tilespmem:$0x19200] =	vst v63  }
0x73e: {  	_ =	swait.ge [sflag:s3], $0xC8  }
0x73f: {  	[sflag:s3] =	ssyncset.done $0x0  }
0x740: {  	[sflag:s3] =	ssyncadd.s32 $0xFFFFFF38  }
0x741: {  	v3 =	vld [tilespmem:$0x0];
	_ =	sdelay $0x4  }
0x742: {  	v25 =	vshll.u32 v3, $0x1  }
0x743: {  	v3 =	vand.u32 $0x7, v3;
	v4 =	vand.u32 $0xFFFFFFF0, v25  }
0x744: {  	v3 =	vor.u32 v3, v4  }
0x745: {  	v4 =	vperm.xlane v3, v0;
	_ =	sdelay $0x1  }
0x746: {  	v3 =	vperm.xlane v3, v2;
	v4 =	vadd.s32 v1, v4;
	_ =	sdelay $0x1  }
0x747: {  	v3 =	vadd.s32 v1, v3;
	_ =	sdelay $0x2  }
0x748: {  	[tilespmem:s4], [sflag:$0x1] =	stream.indirect_vreg.gather [hbm4b:s1+s16], $0x80, v4, vm0, $0xb8;
	[tilespmem:$0x19200] =	vst v63  }
0x749: {  	s19 =	simm.s32 $0xA00  }
0x74a: {  	[tilespmem:s19], [sflag:$0x1] =	stream.indirect_vreg.gather [hbm4b:s1+s16], $0x80, v3, vm0, $0xb8;
	[tilespmem:$0x19200] =	vst v63  }
0x74b: {  	v3 =	vld [tilespmem:$0x10];
	_ =	sdelay $0x4  }
0x74c: {  	v26 =	vshll.u32 v3, $0x1  }
0x74d: {  	v3 =	vand.u32 $0x7, v3;
	v4 =	vand.u32 $0xFFFFFFF0, v26  }
0x74e: {  	v3 =	vor.u32 v3, v4  }
0x74f: {  	v4 =	vperm.xlane v3, v0;
	_ =	sdelay $0x1  }
0x750: {  	v3 =	vperm.xlane v3, v2;
	v4 =	vadd.s32 v1, v4;
	_ =	sdelay $0x1  }
0x751: {  	v3 =	vadd.s32 v1, v3;
	_ =	sdelay $0x1  }
0x752: {  	s22 =	simm.s32 $0x1200  }
0x753: {  	[tilespmem:s22], [sflag:$0x1] =	stream.indirect_vreg.gather [hbm4b:s1+s16], $0x80, v4, vm0, $0xb8;
	[tilespmem:$0x19200] =	vst v63  }
0x754: {  	s22 =	simm.s32 $0x1A00  }
0x755: {  	[tilespmem:s22], [sflag:$0x1] =	stream.indirect_vreg.gather [hbm4b:s1+s16], $0x80, v3, vm0, $0xb8;
	[tilespmem:$0x19200] =	vst v63  }
0x756: {  	v3 =	vld [tilespmem:$0x20];
	_ =	sdelay $0x4  }
0x757: {  	v27 =	vshll.u32 v3, $0x1  }
0x758: {  	v3 =	vand.u32 $0x7, v3;
	v4 =	vand.u32 $0xFFFFFFF0, v27  }
0x759: {  	v3 =	vor.u32 v3, v4  }
0x75a: {  	v4 =	vperm.xlane v3, v0;
	_ =	sdelay $0x1  }
0x75b: {  	v3 =	vperm.xlane v3, v2;
	v4 =	vadd.s32 v1, v4;
	_ =	sdelay $0x1  }
0x75c: {  	v3 =	vadd.s32 v1, v3;
	_ =	sdelay $0x1  }
0x75d: {  	s23 =	simm.s32 $0x2200  }
0x75e: {  	[tilespmem:s23], [sflag:$0x1] =	stream.indirect_vreg.gather [hbm4b:s1+s16], $0x80, v4, vm0, $0xb8;
	[tilespmem:$0x19200] =	vst v63  }
0x75f: {  	s23 =	simm.s32 $0x2A00  }
0x760: {  	[tilespmem:s23], [sflag:$0x1] =	stream.indirect_vreg.gather [hbm4b:s1+s16], $0x80, v3, vm0, $0xb8;
	[tilespmem:$0x19200] =	vst v63  }
0x761: {  	v3 =	vld [tilespmem:$0x30];
	_ =	sdelay $0x4  }
0x762: {  	v28 =	vshll.u32 v3, $0x1  }
0x763: {  	v3 =	vand.u32 $0x7, v3;
	v4 =	vand.u32 $0xFFFFFFF0, v28  }
0x764: {  	v3 =	vor.u32 v3, v4  }
0x765: {  	v4 =	vperm.xlane v3, v0;
	_ =	sdelay $0x1  }
0x766: {  	v3 =	vperm.xlane v3, v2;
	v4 =	vadd.s32 v1, v4;
	_ =	sdelay $0x1  }
0x767: {  	v3 =	vadd.s32 v1, v3;
	_ =	sdelay $0x1  }
0x768: {  	s24 =	simm.s32 $0x3200  }
0x769: {  	[tilespmem:s24], [sflag:$0x1] =	stream.indirect_vreg.gather [hbm4b:s1+s16], $0x80, v4, vm0, $0xb8;
	[tilespmem:$0x19200] =	vst v63  }
0x76a: {  	s24 =	simm.s32 $0x3A00  }
0x76b: {  	[tilespmem:s24], [sflag:$0x1] =	stream.indirect_vreg.gather [hbm4b:s1+s16], $0x80, v3, vm0, $0xb8;
	[tilespmem:$0x19200] =	vst v63  }
0x76c: {  	v3 =	vld [tilespmem:$0x40];
	_ =	sdelay $0x4  }
0x76d: {  	v29 =	vshll.u32 v3, $0x1  }
0x76e: {  	v3 =	vand.u32 $0x7, v3;
	v4 =	vand.u32 $0xFFFFFFF0, v29  }
0x76f: {  	v3 =	vor.u32 v3, v4  }
0x770: {  	v4 =	vperm.xlane v3, v0;
	_ =	sdelay $0x1  }
0x771: {  	v3 =	vperm.xlane v3, v2;
	v4 =	vadd.s32 v1, v4;
	_ =	sdelay $0x1  }
0x772: {  	v3 =	vadd.s32 v1, v3;
	_ =	sdelay $0x1  }
0x773: {  	s9 =	simm.s32 $0x4200  }
0x774: {  	[tilespmem:s9], [sflag:$0x1] =	stream.indirect_vreg.gather [hbm4b:s1+s16], $0x80, v4, vm0, $0xb8;
	[tilespmem:$0x19200] =	vst v63  }
0x775: {  	s19 =	simm.s32 $0x4A00  }
0x776: {  	[tilespmem:s19], [sflag:$0x1] =	stream.indirect_vreg.gather [hbm4b:s1+s16], $0x80, v3, vm0, $0xb8;
	[tilespmem:$0x19200] =	vst v63  }
0x777: {  	v3 =	vld [tilespmem:$0x50];
	_ =	sdelay $0x4  }
0x778: {  	v30 =	vshll.u32 v3, $0x1  }
0x779: {  	v3 =	vand.u32 $0x7, v3;
	v4 =	vand.u32 $0xFFFFFFF0, v30  }
0x77a: {  	v3 =	vor.u32 v3, v4  }
0x77b: {  	v4 =	vperm.xlane v3, v0;
	_ =	sdelay $0x1  }
0x77c: {  	v3 =	vperm.xlane v3, v2;
	v4 =	vadd.s32 v1, v4;
	_ =	sdelay $0x1  }
0x77d: {  	v3 =	vadd.s32 v1, v3;
	_ =	sdelay $0x1  }
0x77e: {  	s26 =	simm.s32 $0x5200  }
0x77f: {  	[tilespmem:s26], [sflag:$0x1] =	stream.indirect_vreg.gather [hbm4b:s1+s16], $0x80, v4, vm0, $0xb8;
	[tilespmem:$0x19200] =	vst v63  }
0x780: {  	s26 =	simm.s32 $0x5A00  }
0x781: {  	[tilespmem:s26], [sflag:$0x1] =	stream.indirect_vreg.gather [hbm4b:s1+s16], $0x80, v3, vm0, $0xb8;
	[tilespmem:$0x19200] =	vst v63  }
0x782: {  	v3 =	vld [tilespmem:$0x60];
	_ =	sdelay $0x4  }
0x783: {  	v31 =	vshll.u32 v3, $0x1  }
0x784: {  	v3 =	vand.u32 $0x7, v3;
	v4 =	vand.u32 $0xFFFFFFF0, v31  }
0x785: {  	v3 =	vor.u32 v3, v4  }
0x786: {  	v4 =	vperm.xlane v3, v0;
	_ =	sdelay $0x1  }
0x787: {  	v3 =	vperm.xlane v3, v2;
	v4 =	vadd.s32 v1, v4;
	_ =	sdelay $0x1  }
0x788: {  	v3 =	vadd.s32 v1, v3;
	_ =	sdelay $0x1  }
0x789: {  	s28 =	simm.s32 $0x6200  }
0x78a: {  	[tilespmem:s28], [sflag:$0x1] =	stream.indirect_vreg.gather [hbm4b:s1+s16], $0x80, v4, vm0, $0xb8;
	[tilespmem:$0x19200] =	vst v63  }
0x78b: {  	s9 =	simm.s32 $0x6A00  }
0x78c: {  	[tilespmem:s9], [sflag:$0x1] =	stream.indirect_vreg.gather [hbm4b:s1+s16], $0x80, v3, vm0, $0xb8;
	[tilespmem:$0x19200] =	vst v63  }
0x78d: {  	v3 =	vld [tilespmem:$0x70];
	_ =	sdelay $0x4  }
0x78e: {  	v32 =	vshll.u32 v3, $0x1  }
0x78f: {  	v3 =	vand.u32 $0x7, v3;
	v4 =	vand.u32 $0xFFFFFFF0, v32  }
0x790: {  	v3 =	vor.u32 v3, v4  }
0x791: {  	v4 =	vperm.xlane v3, v0;
	_ =	sdelay $0x1  }
0x792: {  	v3 =	vperm.xlane v3, v2;
	v4 =	vadd.s32 v1, v4;
	_ =	sdelay $0x1  }
0x793: {  	v3 =	vadd.s32 v1, v3;
	_ =	sdelay $0x1  }
0x794: {  	s25 =	simm.s32 $0x7200  }
0x795: {  	[tilespmem:s25], [sflag:$0x1] =	stream.indirect_vreg.gather [hbm4b:s1+s16], $0x80, v4, vm0, $0xb8;
	[tilespmem:$0x19200] =	vst v63  }
0x796: {  	s25 =	simm.s32 $0x7A00  }
0x797: {  	[tilespmem:s25], [sflag:$0x1] =	stream.indirect_vreg.gather [hbm4b:s1+s16], $0x80, v3, vm0, $0xb8;
	[tilespmem:$0x19200] =	vst v63  }
0x798: {  	v3 =	vld [tilespmem:$0x80];
	_ =	sdelay $0x4  }
0x799: {  	v33 =	vshll.u32 v3, $0x1  }
0x79a: {  	v3 =	vand.u32 $0x7, v3;
	v4 =	vand.u32 $0xFFFFFFF0, v33  }
0x79b: {  	v3 =	vor.u32 v3, v4  }
0x79c: {  	v4 =	vperm.xlane v3, v0;
	_ =	sdelay $0x1  }
0x79d: {  	v3 =	vperm.xlane v3, v2;
	v4 =	vadd.s32 v1, v4;
	_ =	sdelay $0x1  }
0x79e: {  	v3 =	vadd.s32 v1, v3;
	_ =	sdelay $0x1  }
0x79f: {  	s29 =	simm.s32 $0x8200  }
0x7a0: {  	[tilespmem:s29], [sflag:$0x1] =	stream.indirect_vreg.gather [hbm4b:s1+s16], $0x80, v4, vm0, $0xb8;
	[tilespmem:$0x19200] =	vst v63  }
0x7a1: {  	s29 =	simm.s32 $0x8A00  }
0x7a2: {  	[tilespmem:s29], [sflag:$0x1] =	stream.indirect_vreg.gather [hbm4b:s1+s16], $0x80, v3, vm0, $0xb8;
	[tilespmem:$0x19200] =	vst v63  }
0x7a3: {  	v3 =	vld [tilespmem:$0x90];
	_ =	sdelay $0x4  }
0x7a4: {  	v34 =	vshll.u32 v3, $0x1  }
0x7a5: {  	v3 =	vand.u32 $0x7, v3;
	v4 =	vand.u32 $0xFFFFFFF0, v34  }
0x7a6: {  	v3 =	vor.u32 v3, v4  }
0x7a7: {  	v4 =	vperm.xlane v3, v0;
	_ =	sdelay $0x1  }
0x7a8: {  	v3 =	vperm.xlane v3, v2;
	v4 =	vadd.s32 v1, v4;
	_ =	sdelay $0x1  }
0x7a9: {  	v3 =	vadd.s32 v1, v3;
	_ =	sdelay $0x1  }
0x7aa: {  	s30 =	simm.s32 $0x9200  }
0x7ab: {  	[tilespmem:s30], [sflag:$0x1] =	stream.indirect_vreg.gather [hbm4b:s1+s16], $0x80, v4, vm0, $0xb8;
	[tilespmem:$0x19200] =	vst v63  }
0x7ac: {  	s9 =	simm.s32 $0x9A00  }
0x7ad: {  	[tilespmem:s9], [sflag:$0x1] =	stream.indirect_vreg.gather [hbm4b:s1+s16], $0x80, v3, vm0, $0xb8;
	[tilespmem:$0x19200] =	vst v63  }
0x7ae: {  	v3 =	vld [tilespmem:$0xA0];
	_ =	sdelay $0x4  }
0x7af: {  	v35 =	vshll.u32 v3, $0x1  }
0x7b0: {  	v3 =	vand.u32 $0x7, v3;
	v4 =	vand.u32 $0xFFFFFFF0, v35  }
0x7b1: {  	v3 =	vor.u32 v3, v4  }
0x7b2: {  	v4 =	vperm.xlane v3, v0;
	_ =	sdelay $0x1  }
0x7b3: {  	v3 =	vperm.xlane v3, v2;
	v4 =	vadd.s32 v1, v4;
	_ =	sdelay $0x1  }
0x7b4: {  	v3 =	vadd.s32 v1, v3;
	_ =	sdelay $0x1  }
0x7b5: {  	s30 =	simm.s32 $0xA200  }
0x7b6: {  	[tilespmem:s30], [sflag:$0x1] =	stream.indirect_vreg.gather [hbm4b:s1+s16], $0x80, v4, vm0, $0xb8;
	[tilespmem:$0x19200] =	vst v63  }
0x7b7: {  	s9 =	simm.s32 $0xAA00  }
0x7b8: {  	[tilespmem:s9], [sflag:$0x1] =	stream.indirect_vreg.gather [hbm4b:s1+s16], $0x80, v3, vm0, $0xb8;
	[tilespmem:$0x19200] =	vst v63  }
0x7b9: {  	v3 =	vld [tilespmem:$0xB0];
	_ =	sdelay $0x4  }
0x7ba: {  	v36 =	vshll.u32 v3, $0x1  }
0x7bb: {  	v3 =	vand.u32 $0x7, v3;
	v4 =	vand.u32 $0xFFFFFFF0, v36  }
0x7bc: {  	v3 =	vor.u32 v3, v4  }
0x7bd: {  	v4 =	vperm.xlane v3, v0;
	_ =	sdelay $0x1  }
0x7be: {  	v3 =	vperm.xlane v3, v2;
	v4 =	vadd.s32 v1, v4;
	_ =	sdelay $0x1  }
0x7bf: {  	v3 =	vadd.s32 v1, v3;
	_ =	sdelay $0x1  }
0x7c0: {  	s9 =	simm.s32 $0xB200  }
0x7c1: {  	[tilespmem:s9], [sflag:$0x1] =	stream.indirect_vreg.gather [hbm4b:s1+s16], $0x80, v4, vm0, $0xb8;
	[tilespmem:$0x19200] =	vst v63  }
0x7c2: {  	s9 =	simm.s32 $0xBA00  }
0x7c3: {  	[tilespmem:s9], [sflag:$0x1] =	stream.indirect_vreg.gather [hbm4b:s1+s16], $0x80, v3, vm0, $0xb8;
	[tilespmem:$0x19200] =	vst v63  }
0x7c4: {  	v3 =	vld.msk [tilespmem:$0xC0], $0xff;
	_ =	sdelay $0x4  }
0x7c5: {  	v37 =	vshll.u32 v3, $0x1  }
0x7c6: {  	v3 =	vand.u32 $0x7, v3;
	v4 =	vand.u32 $0xFFFFFFF0, v37  }
0x7c7: {  	v3 =	vor.u32 v3, v4  }
0x7c8: {  	v3 =	vperm.xlane v3, v0;
	_ =	sdelay $0x1  }
0x7c9: {  	v3 =	vadd.s32 v1, v3;
	_ =	sdelay $0x3  }
0x7ca: {  	s9 =	simm.s32 $0xC200  }
0x7cb: {  	[tilespmem:s9], [sflag:$0x1] =	stream.indirect_vreg.gather [hbm4b:s1+s16], $0x80, v3, vm0, $0xb8;
	[tilespmem:$0x19200] =	vst v63  }
0x7cc: {  	_ =	swait.ge [sflag:s6], $0xC800  }
0x7cd: {  	[sflag:s6] =	ssyncset.done $0x0  }
0x7ce: {  	s9 =	rddreg [dreg:$0x1e];
	[sflag:s6] =	ssyncadd.s32 $0xFFFF3800  }
0x7cf: {  	[hbm4b:s9+s16] =	stream.linear.scatter [tilespmem:s2], [sflag:$0x4], $0xC800, $0x38;
	[tilespmem:$0x19200] =	vst v63  }
0x7d0: {  	_ =	swait.ge [sflag:s7], $0xC800  }
0x7d1: {  	[sflag:s7] =	ssyncset.done $0x0  }
0x7d2: {  	s9 =	simm.s32 $0x100;
	s8 =	rddreg [dreg:$0x10];
	[sflag:s7] =	ssyncadd.s32 $0xFFFF3800  }
0x7d3: {  	[tilespmem:s9], [sflag:$0x5] =	stream.linear.gather [hbm4b:s8+s16], $0xC8, $0x38;
	[tilespmem:$0x19200] =	vst v63  }
0x7d4: {  	_ =	swait.ge [sflag:s3], $0xC8  }
0x7d5: {  	[sflag:s3] =	ssyncset.done $0x0  }
0x7d6: {  	[sflag:s3] =	ssyncadd.s32 $0xFFFFFF38  }
0x7d7: {  	v3 =	vld [tilespmem:$0x100];
	_ =	sdelay $0x4  }
0x7d8: {  	v38 =	vshll.u32 v3, $0x1  }
0x7d9: {  	v3 =	vand.u32 $0x7, v3;
	v4 =	vand.u32 $0xFFFFFFF0, v38  }
0x7da: {  	v3 =	vor.u32 v3, v4  }
0x7db: {  	v4 =	vperm.xlane v3, v0;
	_ =	sdelay $0x1  }
0x7dc: {  	v3 =	vperm.xlane v3, v2;
	v4 =	vadd.s32 v1, v4;
	_ =	sdelay $0x1  }
0x7dd: {  	v3 =	vadd.s32 v1, v3;
	_ =	sdelay $0x2  }
0x7de: {  	[tilespmem:s2], [sflag:$0x2] =	stream.indirect_vreg.gather [hbm4b:s1+s16], $0x80, v4, vm0, $0xb8;
	[tilespmem:$0x19200] =	vst v63  }
0x7df: {  	s9 =	simm.s32 $0xD200  }
0x7e0: {  	[tilespmem:s9], [sflag:$0x2] =	stream.indirect_vreg.gather [hbm4b:s1+s16], $0x80, v3, vm0, $0xb8;
	[tilespmem:$0x19200] =	vst v63  }
0x7e1: {  	v3 =	vld [tilespmem:$0x110];
	_ =	sdelay $0x4  }
0x7e2: {  	v39 =	vshll.u32 v3, $0x1  }
0x7e3: {  	v3 =	vand.u32 $0x7, v3;
	v4 =	vand.u32 $0xFFFFFFF0, v39  }
0x7e4: {  	v3 =	vor.u32 v3, v4  }
0x7e5: {  	v4 =	vperm.xlane v3, v0;
	_ =	sdelay $0x1  }
0x7e6: {  	v3 =	vperm.xlane v3, v2;
	v4 =	vadd.s32 v1, v4;
	_ =	sdelay $0x1  }
0x7e7: {  	v3 =	vadd.s32 v1, v3;
	_ =	sdelay $0x1  }
0x7e8: {  	s10 =	simm.s32 $0xDA00  }
0x7e9: {  	[tilespmem:s10], [sflag:$0x2] =	stream.indirect_vreg.gather [hbm4b:s1+s16], $0x80, v4, vm0, $0xb8;
	[tilespmem:$0x19200] =	vst v63  }
0x7ea: {  	s10 =	simm.s32 $0xE200  }
0x7eb: {  	[tilespmem:s10], [sflag:$0x2] =	stream.indirect_vreg.gather [hbm4b:s1+s16], $0x80, v3, vm0, $0xb8;
	[tilespmem:$0x19200] =	vst v63  }
0x7ec: {  	v3 =	vld [tilespmem:$0x120];
	_ =	sdelay $0x4  }
0x7ed: {  	v40 =	vshll.u32 v3, $0x1  }
0x7ee: {  	v3 =	vand.u32 $0x7, v3;
	v4 =	vand.u32 $0xFFFFFFF0, v40  }
0x7ef: {  	v3 =	vor.u32 v3, v4  }
0x7f0: {  	v4 =	vperm.xlane v3, v0;
	_ =	sdelay $0x1  }
0x7f1: {  	v3 =	vperm.xlane v3, v2;
	v4 =	vadd.s32 v1, v4;
	_ =	sdelay $0x1  }
0x7f2: {  	v3 =	vadd.s32 v1, v3;
	_ =	sdelay $0x1  }
0x7f3: {  	s20 =	simm.s32 $0xEA00  }
0x7f4: {  	[tilespmem:s20], [sflag:$0x2] =	stream.indirect_vreg.gather [hbm4b:s1+s16], $0x80, v4, vm0, $0xb8;
	[tilespmem:$0x19200] =	vst v63  }
0x7f5: {  	s20 =	simm.s32 $0xF200  }
0x7f6: {  	[tilespmem:s20], [sflag:$0x2] =	stream.indirect_vreg.gather [hbm4b:s1+s16], $0x80, v3, vm0, $0xb8;
	[tilespmem:$0x19200] =	vst v63  }
0x7f7: {  	v3 =	vld [tilespmem:$0x130];
	_ =	sdelay $0x4  }
0x7f8: {  	v41 =	vshll.u32 v3, $0x1  }
0x7f9: {  	v3 =	vand.u32 $0x7, v3;
	v4 =	vand.u32 $0xFFFFFFF0, v41  }
0x7fa: {  	v3 =	vor.u32 v3, v4  }
0x7fb: {  	v4 =	vperm.xlane v3, v0;
	_ =	sdelay $0x1  }
0x7fc: {  	v3 =	vperm.xlane v3, v2;
	v4 =	vadd.s32 v1, v4;
	_ =	sdelay $0x1  }
0x7fd: {  	v3 =	vadd.s32 v1, v3;
	_ =	sdelay $0x1  }
0x7fe: {  	s21 =	simm.s32 $0xFA00  }
0x7ff: {  	[tilespmem:s21], [sflag:$0x2] =	stream.indirect_vreg.gather [hbm4b:s1+s16], $0x80, v4, vm0, $0xb8;
	[tilespmem:$0x19200] =	vst v63  }
0x800: {  	s21 =	simm.s32 $0x10200  }
0x801: {  	[tilespmem:s21], [sflag:$0x2] =	stream.indirect_vreg.gather [hbm4b:s1+s16], $0x80, v3, vm0, $0xb8;
	[tilespmem:$0x19200] =	vst v63  }
0x802: {  	v3 =	vld [tilespmem:$0x140];
	_ =	sdelay $0x4  }
0x803: {  	v42 =	vshll.u32 v3, $0x1  }
0x804: {  	v3 =	vand.u32 $0x7, v3;
	v4 =	vand.u32 $0xFFFFFFF0, v42  }
0x805: {  	v3 =	vor.u32 v3, v4  }
0x806: {  	v4 =	vperm.xlane v3, v0;
	_ =	sdelay $0x1  }
0x807: {  	v3 =	vperm.xlane v3, v2;
	v4 =	vadd.s32 v1, v4;
	_ =	sdelay $0x1  }
0x808: {  	v3 =	vadd.s32 v1, v3;
	_ =	sdelay $0x1  }
0x809: {  	s31 =	simm.s32 $0x10A00  }
0x80a: {  	[tilespmem:s31], [sflag:$0x2] =	stream.indirect_vreg.gather [hbm4b:s1+s16], $0x80, v4, vm0, $0xb8;
	[tilespmem:$0x19200] =	vst v63  }
0x80b: {  	s9 =	simm.s32 $0x11200  }
0x80c: {  	[tilespmem:s9], [sflag:$0x2] =	stream.indirect_vreg.gather [hbm4b:s1+s16], $0x80, v3, vm0, $0xb8;
	[tilespmem:$0x19200] =	vst v63  }
0x80d: {  	v3 =	vld [tilespmem:$0x150];
	_ =	sdelay $0x4  }
0x80e: {  	v43 =	vshll.u32 v3, $0x1  }
0x80f: {  	v3 =	vand.u32 $0x7, v3;
	v4 =	vand.u32 $0xFFFFFFF0, v43  }
0x810: {  	v3 =	vor.u32 v3, v4  }
0x811: {  	v4 =	vperm.xlane v3, v0;
	_ =	sdelay $0x1  }
0x812: {  	v3 =	vperm.xlane v3, v2;
	v4 =	vadd.s32 v1, v4;
	_ =	sdelay $0x1  }
0x813: {  	v3 =	vadd.s32 v1, v3;
	_ =	sdelay $0x1  }
0x814: {  	s13 =	simm.s32 $0x11A00  }
0x815: {  	[tilespmem:s13], [sflag:$0x2] =	stream.indirect_vreg.gather [hbm4b:s1+s16], $0x80, v4, vm0, $0xb8;
	[tilespmem:$0x19200] =	vst v63  }
0x816: {  	s20 =	simm.s32 $0x12200  }
0x817: {  	[tilespmem:s20], [sflag:$0x2] =	stream.indirect_vreg.gather [hbm4b:s1+s16], $0x80, v3, vm0, $0xb8;
	[tilespmem:$0x19200] =	vst v63  }
0x818: {  	v3 =	vld [tilespmem:$0x160];
	_ =	sdelay $0x4  }
0x819: {  	v44 =	vshll.u32 v3, $0x1  }
0x81a: {  	v3 =	vand.u32 $0x7, v3;
	v4 =	vand.u32 $0xFFFFFFF0, v44  }
0x81b: {  	v3 =	vor.u32 v3, v4  }
0x81c: {  	v4 =	vperm.xlane v3, v0;
	_ =	sdelay $0x1  }
0x81d: {  	v3 =	vperm.xlane v3, v2;
	v4 =	vadd.s32 v1, v4;
	_ =	sdelay $0x1  }
0x81e: {  	v3 =	vadd.s32 v1, v3;
	_ =	sdelay $0x1  }
0x81f: {  	s31 =	simm.s32 $0x12A00  }
0x820: {  	[tilespmem:s31], [sflag:$0x2] =	stream.indirect_vreg.gather [hbm4b:s1+s16], $0x80, v4, vm0, $0xb8;
	[tilespmem:$0x19200] =	vst v63  }
0x821: {  	s9 =	simm.s32 $0x13200  }
0x822: {  	[tilespmem:s9], [sflag:$0x2] =	stream.indirect_vreg.gather [hbm4b:s1+s16], $0x80, v3, vm0, $0xb8;
	[tilespmem:$0x19200] =	vst v63  }
0x823: {  	v3 =	vld [tilespmem:$0x170];
	_ =	sdelay $0x4  }
0x824: {  	v45 =	vshll.u32 v3, $0x1  }
0x825: {  	v3 =	vand.u32 $0x7, v3;
	v4 =	vand.u32 $0xFFFFFFF0, v45  }
0x826: {  	v3 =	vor.u32 v3, v4  }
0x827: {  	v4 =	vperm.xlane v3, v0;
	_ =	sdelay $0x1  }
0x828: {  	v3 =	vperm.xlane v3, v2;
	v4 =	vadd.s32 v1, v4;
	_ =	sdelay $0x1  }
0x829: {  	v3 =	vadd.s32 v1, v3;
	_ =	sdelay $0x1  }
0x82a: {  	s11 =	simm.s32 $0x13A00  }
0x82b: {  	[tilespmem:s11], [sflag:$0x2] =	stream.indirect_vreg.gather [hbm4b:s1+s16], $0x80, v4, vm0, $0xb8;
	[tilespmem:$0x19200] =	vst v63  }
0x82c: {  	s11 =	simm.s32 $0x14200  }
0x82d: {  	[tilespmem:s11], [sflag:$0x2] =	stream.indirect_vreg.gather [hbm4b:s1+s16], $0x80, v3, vm0, $0xb8;
	[tilespmem:$0x19200] =	vst v63  }
0x82e: {  	v3 =	vld [tilespmem:$0x180];
	_ =	sdelay $0x4  }
0x82f: {  	v46 =	vshll.u32 v3, $0x1  }
0x830: {  	v3 =	vand.u32 $0x7, v3;
	v4 =	vand.u32 $0xFFFFFFF0, v46  }
0x831: {  	v3 =	vor.u32 v3, v4  }
0x832: {  	v4 =	vperm.xlane v3, v0;
	_ =	sdelay $0x1  }
0x833: {  	v3 =	vperm.xlane v3, v2;
	v4 =	vadd.s32 v1, v4;
	_ =	sdelay $0x1  }
0x834: {  	v3 =	vadd.s32 v1, v3;
	_ =	sdelay $0x1  }
0x835: {  	s12 =	simm.s32 $0x14A00  }
0x836: {  	[tilespmem:s12], [sflag:$0x2] =	stream.indirect_vreg.gather [hbm4b:s1+s16], $0x80, v4, vm0, $0xb8;
	[tilespmem:$0x19200] =	vst v63  }
0x837: {  	s13 =	simm.s32 $0x15200  }
0x838: {  	[tilespmem:s13], [sflag:$0x2] =	stream.indirect_vreg.gather [hbm4b:s1+s16], $0x80, v3, vm0, $0xb8;
	[tilespmem:$0x19200] =	vst v63  }
0x839: {  	v3 =	vld [tilespmem:$0x190];
	_ =	sdelay $0x4  }
0x83a: {  	v47 =	vshll.u32 v3, $0x1  }
0x83b: {  	v3 =	vand.u32 $0x7, v3;
	v4 =	vand.u32 $0xFFFFFFF0, v47  }
0x83c: {  	v3 =	vor.u32 v3, v4  }
0x83d: {  	v4 =	vperm.xlane v3, v0;
	_ =	sdelay $0x1  }
0x83e: {  	v3 =	vperm.xlane v3, v2;
	v4 =	vadd.s32 v1, v4;
	_ =	sdelay $0x1  }
0x83f: {  	v3 =	vadd.s32 v1, v3;
	_ =	sdelay $0x1  }
0x840: {  	s14 =	simm.s32 $0x15A00  }
0x841: {  	[tilespmem:s14], [sflag:$0x2] =	stream.indirect_vreg.gather [hbm4b:s1+s16], $0x80, v4, vm0, $0xb8;
	[tilespmem:$0x19200] =	vst v63  }
0x842: {  	s14 =	simm.s32 $0x16200  }
0x843: {  	[tilespmem:s14], [sflag:$0x2] =	stream.indirect_vreg.gather [hbm4b:s1+s16], $0x80, v3, vm0, $0xb8;
	[tilespmem:$0x19200] =	vst v63  }
0x844: {  	v3 =	vld [tilespmem:$0x1A0];
	_ =	sdelay $0x4  }
0x845: {  	v48 =	vshll.u32 v3, $0x1  }
0x846: {  	v3 =	vand.u32 $0x7, v3;
	v4 =	vand.u32 $0xFFFFFFF0, v48  }
0x847: {  	v3 =	vor.u32 v3, v4  }
0x848: {  	v4 =	vperm.xlane v3, v0;
	_ =	sdelay $0x1  }
0x849: {  	v3 =	vperm.xlane v3, v2;
	v4 =	vadd.s32 v1, v4;
	_ =	sdelay $0x1  }
0x84a: {  	v3 =	vadd.s32 v1, v3;
	_ =	sdelay $0x1  }
0x84b: {  	s15 =	simm.s32 $0x16A00  }
0x84c: {  	[tilespmem:s15], [sflag:$0x2] =	stream.indirect_vreg.gather [hbm4b:s1+s16], $0x80, v4, vm0, $0xb8;
	[tilespmem:$0x19200] =	vst v63  }
0x84d: {  	s20 =	simm.s32 $0x17200  }
0x84e: {  	[tilespmem:s20], [sflag:$0x2] =	stream.indirect_vreg.gather [hbm4b:s1+s16], $0x80, v3, vm0, $0xb8;
	[tilespmem:$0x19200] =	vst v63  }
0x84f: {  	v3 =	vld [tilespmem:$0x1B0];
	_ =	sdelay $0x4  }
0x850: {  	v49 =	vshll.u32 v3, $0x1  }
0x851: {  	v3 =	vand.u32 $0x7, v3;
	v4 =	vand.u32 $0xFFFFFFF0, v49  }
0x852: {  	v3 =	vor.u32 v3, v4  }
0x853: {  	v4 =	vperm.xlane v3, v0;
	_ =	sdelay $0x1  }
0x854: {  	v3 =	vperm.xlane v3, v2;
	v4 =	vadd.s32 v1, v4;
	_ =	sdelay $0x1  }
0x855: {  	v3 =	vadd.s32 v1, v3;
	_ =	sdelay $0x1  }
0x856: {  	s17 =	simm.s32 $0x17A00  }
0x857: {  	[tilespmem:s17], [sflag:$0x2] =	stream.indirect_vreg.gather [hbm4b:s1+s16], $0x80, v4, vm0, $0xb8;
	[tilespmem:$0x19200] =	vst v63  }
0x858: {  	s31 =	simm.s32 $0x18200  }
0x859: {  	[tilespmem:s31], [sflag:$0x2] =	stream.indirect_vreg.gather [hbm4b:s1+s16], $0x80, v3, vm0, $0xb8;
	[tilespmem:$0x19200] =	vst v63  }
0x85a: {  	v3 =	vld.msk [tilespmem:$0x1C0], $0xff;
	_ =	sdelay $0x4  }
0x85b: {  	v50 =	vshll.u32 v3, $0x1  }
0x85c: {  	v3 =	vand.u32 $0x7, v3;
	v4 =	vand.u32 $0xFFFFFFF0, v50  }
0x85d: {  	v3 =	vor.u32 v3, v4  }
0x85e: {  	v3 =	vperm.xlane v3, v0;
	_ =	sdelay $0x1  }
0x85f: {  	v3 =	vadd.s32 v1, v3;
	_ =	sdelay $0x3  }
0x860: {  	s9 =	simm.s32 $0x18A00  }
0x861: {  	[tilespmem:s9], [sflag:$0x2] =	stream.indirect_vreg.gather [hbm4b:s1+s16], $0x80, v3, vm0, $0xb8;
	[tilespmem:$0x19200] =	vst v63  }
0x862: {  	_ =	swait.ge [sflag:s0], $0xC800  }
0x863: {  	[sflag:s0] =	ssyncset.done $0x0  }
0x864: {  	s11 =	rddreg [dreg:$0x1f];
	[sflag:s0] =	ssyncadd.s32 $0xFFFF3800  }
0x865: {  	[hbm4b:s11+s16] =	stream.linear.scatter [tilespmem:s4], [sflag:$0x3], $0xC800, $0x38;
	[tilespmem:$0x19200] =	vst v63  }
0x866: {  	_ =	swait.ge [sflag:s5], $0xC800  }
0x867: {  	[sflag:s5] =	ssyncset.done $0x0  }
0x868: {  	s12 =	rddreg [dreg:$0x11];
	[sflag:s5] =	ssyncadd.s32 $0xFFFF3800  }
0x869: {  	[tilespmem:s16], [sflag:$0x5] =	stream.linear.gather [hbm4b:s12+s16], $0xC8, $0x38;
	[tilespmem:$0x19200] =	vst v63  }
0x86a: {  	_ =	swait.ge [sflag:s3], $0xC8  }
0x86b: {  	[sflag:s3] =	ssyncset.done $0x0  }
0x86c: {  	[sflag:s3] =	ssyncadd.s32 $0xFFFFFF38  }
0x86d: {  	v3 =	vld [tilespmem:$0x0];
	_ =	sdelay $0x4  }
0x86e: {  	v51 =	vshll.u32 v3, $0x1  }
0x86f: {  	v3 =	vand.u32 $0x7, v3;
	v4 =	vand.u32 $0xFFFFFFF0, v51  }
0x870: {  	v3 =	vor.u32 v3, v4  }
0x871: {  	v4 =	vperm.xlane v3, v0;
	_ =	sdelay $0x1  }
0x872: {  	v3 =	vperm.xlane v3, v2;
	v4 =	vadd.s32 v1, v4;
	_ =	sdelay $0x1  }
0x873: {  	v3 =	vadd.s32 v1, v3;
	_ =	sdelay $0x2  }
0x874: {  	[tilespmem:s4], [sflag:$0x1] =	stream.indirect_vreg.gather [hbm4b:s1+s16], $0x80, v4, vm0, $0xb8;
	[tilespmem:$0x19200] =	vst v63  }
0x875: {  	s13 =	simm.s32 $0xA00  }
0x876: {  	[tilespmem:s13], [sflag:$0x1] =	stream.indirect_vreg.gather [hbm4b:s1+s16], $0x80, v3, vm0, $0xb8;
	[tilespmem:$0x19200] =	vst v63  }
0x877: {  	v3 =	vld [tilespmem:$0x10];
	_ =	sdelay $0x4  }
0x878: {  	v52 =	vshll.u32 v3, $0x1  }
0x879: {  	v3 =	vand.u32 $0x7, v3;
	v4 =	vand.u32 $0xFFFFFFF0, v52  }
0x87a: {  	v3 =	vor.u32 v3, v4  }
0x87b: {  	v4 =	vperm.xlane v3, v0;
	_ =	sdelay $0x1  }
0x87c: {  	v3 =	vperm.xlane v3, v2;
	v4 =	vadd.s32 v1, v4;
	_ =	sdelay $0x1  }
0x87d: {  	v3 =	vadd.s32 v1, v3;
	_ =	sdelay $0x1  }
0x87e: {  	s18 =	simm.s32 $0x1200  }
0x87f: {  	[tilespmem:s18], [sflag:$0x1] =	stream.indirect_vreg.gather [hbm4b:s1+s16], $0x80, v4, vm0, $0xb8;
	[tilespmem:$0x19200] =	vst v63  }
0x880: {  	s14 =	simm.s32 $0x1A00  }
0x881: {  	[tilespmem:s14], [sflag:$0x1] =	stream.indirect_vreg.gather [hbm4b:s1+s16], $0x80, v3, vm0, $0xb8;
	[tilespmem:$0x19200] =	vst v63  }
0x882: {  	v3 =	vld [tilespmem:$0x20];
	_ =	sdelay $0x4  }
0x883: {  	v53 =	vshll.u32 v3, $0x1  }
0x884: {  	v3 =	vand.u32 $0x7, v3;
	v4 =	vand.u32 $0xFFFFFFF0, v53  }
0x885: {  	v3 =	vor.u32 v3, v4  }
0x886: {  	v4 =	vperm.xlane v3, v0;
	_ =	sdelay $0x1  }
0x887: {  	v3 =	vperm.xlane v3, v2;
	v4 =	vadd.s32 v1, v4;
	_ =	sdelay $0x1  }
0x888: {  	v3 =	vadd.s32 v1, v3;
	_ =	sdelay $0x1  }
0x889: {  	s22 =	simm.s32 $0x2200  }
0x88a: {  	[tilespmem:s22], [sflag:$0x1] =	stream.indirect_vreg.gather [hbm4b:s1+s16], $0x80, v4, vm0, $0xb8;
	[tilespmem:$0x19200] =	vst v63  }
0x88b: {  	s15 =	simm.s32 $0x2A00  }
0x88c: {  	[tilespmem:s15], [sflag:$0x1] =	stream.indirect_vreg.gather [hbm4b:s1+s16], $0x80, v3, vm0, $0xb8;
	[tilespmem:$0x19200] =	vst v63  }
0x88d: {  	v3 =	vld [tilespmem:$0x30];
	_ =	sdelay $0x4  }
0x88e: {  	v54 =	vshll.u32 v3, $0x1  }
0x88f: {  	v3 =	vand.u32 $0x7, v3;
	v4 =	vand.u32 $0xFFFFFFF0, v54  }
0x890: {  	v3 =	vor.u32 v3, v4  }
0x891: {  	v4 =	vperm.xlane v3, v0;
	_ =	sdelay $0x1  }
0x892: {  	v3 =	vperm.xlane v3, v2;
	v4 =	vadd.s32 v1, v4;
	_ =	sdelay $0x1  }
0x893: {  	v3 =	vadd.s32 v1, v3;
	_ =	sdelay $0x1  }
0x894: {  	s23 =	simm.s32 $0x3200  }
0x895: {  	[tilespmem:s23], [sflag:$0x1] =	stream.indirect_vreg.gather [hbm4b:s1+s16], $0x80, v4, vm0, $0xb8;
	[tilespmem:$0x19200] =	vst v63  }
0x896: {  	s17 =	simm.s32 $0x3A00  }
0x897: {  	[tilespmem:s17], [sflag:$0x1] =	stream.indirect_vreg.gather [hbm4b:s1+s16], $0x80, v3, vm0, $0xb8;
	[tilespmem:$0x19200] =	vst v63  }
0x898: {  	v3 =	vld [tilespmem:$0x40];
	_ =	sdelay $0x4  }
0x899: {  	v55 =	vshll.u32 v3, $0x1  }
0x89a: {  	v3 =	vand.u32 $0x7, v3;
	v4 =	vand.u32 $0xFFFFFFF0, v55  }
0x89b: {  	v3 =	vor.u32 v3, v4  }
0x89c: {  	v4 =	vperm.xlane v3, v0;
	_ =	sdelay $0x1  }
0x89d: {  	v3 =	vperm.xlane v3, v2;
	v4 =	vadd.s32 v1, v4;
	_ =	sdelay $0x1  }
0x89e: {  	v3 =	vadd.s32 v1, v3;
	_ =	sdelay $0x1  }
0x89f: {  	s24 =	simm.s32 $0x4200  }
0x8a0: {  	[tilespmem:s24], [sflag:$0x1] =	stream.indirect_vreg.gather [hbm4b:s1+s16], $0x80, v4, vm0, $0xb8;
	[tilespmem:$0x19200] =	vst v63  }
0x8a1: {  	s18 =	simm.s32 $0x4A00  }
0x8a2: {  	[tilespmem:s18], [sflag:$0x1] =	stream.indirect_vreg.gather [hbm4b:s1+s16], $0x80, v3, vm0, $0xb8;
	[tilespmem:$0x19200] =	vst v63  }
0x8a3: {  	v3 =	vld [tilespmem:$0x50];
	_ =	sdelay $0x4  }
0x8a4: {  	v56 =	vshll.u32 v3, $0x1  }
0x8a5: {  	v3 =	vand.u32 $0x7, v3;
	v4 =	vand.u32 $0xFFFFFFF0, v56  }
0x8a6: {  	v3 =	vor.u32 v3, v4  }
0x8a7: {  	v4 =	vperm.xlane v3, v0;
	_ =	sdelay $0x1  }
0x8a8: {  	v3 =	vperm.xlane v3, v2;
	v4 =	vadd.s32 v1, v4;
	_ =	sdelay $0x1  }
0x8a9: {  	v3 =	vadd.s32 v1, v3;
	_ =	sdelay $0x1  }
0x8aa: {  	s19 =	simm.s32 $0x5200  }
0x8ab: {  	[tilespmem:s19], [sflag:$0x1] =	stream.indirect_vreg.gather [hbm4b:s1+s16], $0x80, v4, vm0, $0xb8;
	[tilespmem:$0x19200] =	vst v63  }
0x8ac: {  	s19 =	simm.s32 $0x5A00  }
0x8ad: {  	[tilespmem:s19], [sflag:$0x1] =	stream.indirect_vreg.gather [hbm4b:s1+s16], $0x80, v3, vm0, $0xb8;
	[tilespmem:$0x19200] =	vst v63  }
0x8ae: {  	v3 =	vld [tilespmem:$0x60];
	_ =	sdelay $0x4  }
0x8af: {  	v57 =	vshll.u32 v3, $0x1  }
0x8b0: {  	v3 =	vand.u32 $0x7, v3;
	v4 =	vand.u32 $0xFFFFFFF0, v57  }
0x8b1: {  	v3 =	vor.u32 v3, v4  }
0x8b2: {  	v4 =	vperm.xlane v3, v0;
	_ =	sdelay $0x1  }
0x8b3: {  	v3 =	vperm.xlane v3, v2;
	v4 =	vadd.s32 v1, v4;
	_ =	sdelay $0x1  }
0x8b4: {  	v3 =	vadd.s32 v1, v3;
	_ =	sdelay $0x1  }
0x8b5: {  	s26 =	simm.s32 $0x6200  }
0x8b6: {  	[tilespmem:s26], [sflag:$0x1] =	stream.indirect_vreg.gather [hbm4b:s1+s16], $0x80, v4, vm0, $0xb8;
	[tilespmem:$0x19200] =	vst v63  }
0x8b7: {  	s20 =	simm.s32 $0x6A00  }
0x8b8: {  	[tilespmem:s20], [sflag:$0x1] =	stream.indirect_vreg.gather [hbm4b:s1+s16], $0x80, v3, vm0, $0xb8;
	[tilespmem:$0x19200] =	vst v63  }
0x8b9: {  	v3 =	vld [tilespmem:$0x70];
	_ =	sdelay $0x4  }
0x8ba: {  	v58 =	vshll.u32 v3, $0x1  }
0x8bb: {  	v3 =	vand.u32 $0x7, v3;
	v4 =	vand.u32 $0xFFFFFFF0, v58  }
0x8bc: {  	v3 =	vor.u32 v3, v4  }
0x8bd: {  	v4 =	vperm.xlane v3, v0;
	_ =	sdelay $0x1  }
0x8be: {  	v3 =	vperm.xlane v3, v2;
	v4 =	vadd.s32 v1, v4;
	_ =	sdelay $0x1  }
0x8bf: {  	v3 =	vadd.s32 v1, v3;
	_ =	sdelay $0x1  }
0x8c0: {  	s28 =	simm.s32 $0x7200  }
0x8c1: {  	[tilespmem:s28], [sflag:$0x1] =	stream.indirect_vreg.gather [hbm4b:s1+s16], $0x80, v4, vm0, $0xb8;
	[tilespmem:$0x19200] =	vst v63  }
0x8c2: {  	s22 =	simm.s32 $0x7A00  }
0x8c3: {  	[tilespmem:s22], [sflag:$0x1] =	stream.indirect_vreg.gather [hbm4b:s1+s16], $0x80, v3, vm0, $0xb8;
	[tilespmem:$0x19200] =	vst v63  }
0x8c4: {  	v3 =	vld [tilespmem:$0x80];
	_ =	sdelay $0x4  }
0x8c5: {  	v59 =	vshll.u32 v3, $0x1  }
0x8c6: {  	v3 =	vand.u32 $0x7, v3;
	v4 =	vand.u32 $0xFFFFFFF0, v59  }
0x8c7: {  	v3 =	vor.u32 v3, v4  }
0x8c8: {  	v4 =	vperm.xlane v3, v0;
	_ =	sdelay $0x1  }
0x8c9: {  	v3 =	vperm.xlane v3, v2;
	v4 =	vadd.s32 v1, v4;
	_ =	sdelay $0x1  }
0x8ca: {  	v3 =	vadd.s32 v1, v3;
	_ =	sdelay $0x1  }
0x8cb: {  	s25 =	simm.s32 $0x8200  }
0x8cc: {  	[tilespmem:s25], [sflag:$0x1] =	stream.indirect_vreg.gather [hbm4b:s1+s16], $0x80, v4, vm0, $0xb8;
	[tilespmem:$0x19200] =	vst v63  }
0x8cd: {  	s23 =	simm.s32 $0x8A00  }
0x8ce: {  	[tilespmem:s23], [sflag:$0x1] =	stream.indirect_vreg.gather [hbm4b:s1+s16], $0x80, v3, vm0, $0xb8;
	[tilespmem:$0x19200] =	vst v63  }
0x8cf: {  	v3 =	vld [tilespmem:$0x90];
	_ =	sdelay $0x4  }
0x8d0: {  	v60 =	vshll.u32 v3, $0x1  }
0x8d1: {  	v3 =	vand.u32 $0x7, v3;
	v4 =	vand.u32 $0xFFFFFFF0, v60  }
0x8d2: {  	v3 =	vor.u32 v3, v4  }
0x8d3: {  	v4 =	vperm.xlane v3, v0;
	_ =	sdelay $0x1  }
0x8d4: {  	v3 =	vperm.xlane v3, v2;
	v4 =	vadd.s32 v1, v4;
	_ =	sdelay $0x1  }
0x8d5: {  	v3 =	vadd.s32 v1, v3;
	_ =	sdelay $0x1  }
0x8d6: {  	s29 =	simm.s32 $0x9200  }
0x8d7: {  	[tilespmem:s29], [sflag:$0x1] =	stream.indirect_vreg.gather [hbm4b:s1+s16], $0x80, v4, vm0, $0xb8;
	[tilespmem:$0x19200] =	vst v63  }
0x8d8: {  	s24 =	simm.s32 $0x9A00  }
0x8d9: {  	[tilespmem:s24], [sflag:$0x1] =	stream.indirect_vreg.gather [hbm4b:s1+s16], $0x80, v3, vm0, $0xb8;
	[tilespmem:$0x19200] =	vst v63  }
0x8da: {  	v3 =	vld [tilespmem:$0xA0];
	_ =	sdelay $0x4  }
0x8db: {  	v61 =	vshll.u32 v3, $0x1  }
0x8dc: {  	v3 =	vand.u32 $0x7, v3;
	v4 =	vand.u32 $0xFFFFFFF0, v61  }
0x8dd: {  	v3 =	vor.u32 v3, v4  }
0x8de: {  	v4 =	vperm.xlane v3, v0;
	_ =	sdelay $0x1  }
0x8df: {  	v3 =	vperm.xlane v3, v2;
	v4 =	vadd.s32 v1, v4;
	_ =	sdelay $0x1  }
0x8e0: {  	v3 =	vadd.s32 v1, v3;
	_ =	sdelay $0x1  }
0x8e1: {  	s30 =	simm.s32 $0xA200  }
0x8e2: {  	[tilespmem:s30], [sflag:$0x1] =	stream.indirect_vreg.gather [hbm4b:s1+s16], $0x80, v4, vm0, $0xb8;
	[tilespmem:$0x19200] =	vst v63  }
0x8e3: {  	s25 =	simm.s32 $0xAA00  }
0x8e4: {  	[tilespmem:s25], [sflag:$0x1] =	stream.indirect_vreg.gather [hbm4b:s1+s16], $0x80, v3, vm0, $0xb8;
	[tilespmem:$0x19200] =	vst v63  }
0x8e5: {  	v3 =	vld [tilespmem:$0xB0];
	_ =	sdelay $0x4  }
0x8e6: {  	v62 =	vshll.u32 v3, $0x1  }
0x8e7: {  	v3 =	vand.u32 $0x7, v3;
	v4 =	vand.u32 $0xFFFFFFF0, v62  }
0x8e8: {  	v3 =	vor.u32 v3, v4  }
0x8e9: {  	v4 =	vperm.xlane v3, v0;
	_ =	sdelay $0x1  }
0x8ea: {  	v3 =	vperm.xlane v3, v2;
	v4 =	vadd.s32 v1, v4;
	_ =	sdelay $0x1  }
0x8eb: {  	v3 =	vadd.s32 v1, v3;
	_ =	sdelay $0x1  }
0x8ec: {  	s26 =	simm.s32 $0xB200  }
0x8ed: {  	[tilespmem:s26], [sflag:$0x1] =	stream.indirect_vreg.gather [hbm4b:s1+s16], $0x80, v4, vm0, $0xb8;
	[tilespmem:$0x19200] =	vst v63  }
0x8ee: {  	s28 =	simm.s32 $0xBA00  }
0x8ef: {  	[tilespmem:s28], [sflag:$0x1] =	stream.indirect_vreg.gather [hbm4b:s1+s16], $0x80, v3, vm0, $0xb8;
	[tilespmem:$0x19200] =	vst v63  }
0x8f0: {  	v3 =	vld.msk [tilespmem:$0xC0], $0xff;
	_ =	sdelay $0x4  }
0x8f1: {  	v63 =	vshll.u32 v3, $0x1  }
0x8f2: {  	v3 =	vand.u32 $0x7, v3;
	v4 =	vand.u32 $0xFFFFFFF0, v63  }
0x8f3: {  	v3 =	vor.u32 v3, v4  }
0x8f4: {  	v3 =	vperm.xlane v3, v0;
	_ =	sdelay $0x1  }
0x8f5: {  	v3 =	vadd.s32 v1, v3;
	_ =	sdelay $0x3  }
0x8f6: {  	s29 =	simm.s32 $0xC200  }
0x8f7: {  	[tilespmem:s29], [sflag:$0x1] =	stream.indirect_vreg.gather [hbm4b:s1+s16], $0x80, v3, vm0, $0xb8;
	[tilespmem:$0x19200] =	vst v63  }
0x8f8: {  	_ =	swait.ge [sflag:s6], $0xC800  }
0x8f9: {  	s30 =	sld [smem:$0x7FB]  }
0x8fa: {  	[sflag:s6] =	ssyncset.done $0x0  }
0x8fb: {  	[sflag:s6] =	ssyncadd.s32 $0xFFFF3800  }
0x8fc: {  	[hbm4b:s30+s16] =	stream.linear.scatter [tilespmem:s2], [sflag:$0x4], $0xC800, $0x38;
	[tilespmem:$0x19200] =	vst v63  }
0x8fd: {  	_ =	swait.ge [sflag:s0], $0xC800  }
0x8fe: {  	s31 =	sld [smem:$0x7FC]  }
0x8ff: {  	[sflag:s0] =	ssyncset.done $0x0  }
.Ltmp2:
0x900: {  	[sflag:s0] =	ssyncadd.s32 $0xFFFF3800;
	(pc) =	sbr.rel @p0 .LBB2_3-.Ltmp2, $4  }
0x901: {  	[hbm4b:s31+s16] =	stream.linear.scatter [tilespmem:s4], [sflag:$0x3], $0xC800, $0x38;
	[tilespmem:$0x19200] =	vst v63  }
0x902: {  	_ =	swait.ge [sflag:s7], $0xC800  }
0x903: {  	[sflag:s7] =	ssyncset.done $0x0  }
0x904: {  	s10 =	simm.s32 $0xF200;
	s21 =	simm.s32 $0x12200;
	[sflag:s7] =	ssyncadd.s32 $0xFFFF3800  }
0x905: {  	s8 =	rddreg [dreg:$0x12];
	s2 =	simm.s32 $0x100  }
0x906: {  	[tilespmem:s2], [sflag:$0x5] =	stream.linear.gather [hbm4b:s8+s16], $0xC8, $0x38;
	[tilespmem:$0x19200] =	vst v63  }
0x907: {  	_ =	swait.ge [sflag:s3], $0xC8  }
0x908: {  	[sflag:s3] =	ssyncset.done $0x0  }
0x909: {  	[sflag:s3] =	ssyncadd.s32 $0xFFFFFF38  }
0x90a: {  	v3 =	vld [tilespmem:$0x100];
	_ =	sdelay $0x4  }
0x90b: {  	v4 =	vshll.u32 v3, $0x1  }
0x90c: {  	v3 =	vand.u32 $0x7, v3;
	v4 =	vand.u32 $0xFFFFFFF0, v4  }
0x90d: {  	v3 =	vor.u32 v3, v4  }
0x90e: {  	v4 =	vperm.xlane v3, v0;
	_ =	sdelay $0x1  }
0x90f: {  	v3 =	vperm.xlane v3, v2;
	v4 =	vadd.s32 v1, v4;
	_ =	sdelay $0x1  }
0x910: {  	v3 =	vadd.s32 v1, v3;
	_ =	sdelay $0x1  }
0x911: {  	s2 =	simm.s32 $0xCA00  }
0x912: {  	[tilespmem:s2], [sflag:$0x2] =	stream.indirect_vreg.gather [hbm4b:s1+s16], $0x80, v4, vm0, $0xb8;
	[tilespmem:$0x19200] =	vst v63  }
0x913: {  	s29 =	simm.s32 $0xD200  }
0x914: {  	[tilespmem:s29], [sflag:$0x2] =	stream.indirect_vreg.gather [hbm4b:s1+s16], $0x80, v3, vm0, $0xb8;
	[tilespmem:$0x19200] =	vst v63  }
0x915: {  	v3 =	vld [tilespmem:$0x110];
	_ =	sdelay $0x4  }
0x916: {  	v52 =	vshll.u32 v3, $0x1  }
0x917: {  	v3 =	vand.u32 $0x7, v3;
	v4 =	vand.u32 $0xFFFFFFF0, v52  }
0x918: {  	v3 =	vor.u32 v3, v4  }
0x919: {  	v4 =	vperm.xlane v3, v0;
	_ =	sdelay $0x1  }
0x91a: {  	v3 =	vperm.xlane v3, v2;
	v4 =	vadd.s32 v1, v4;
	_ =	sdelay $0x1  }
0x91b: {  	v3 =	vadd.s32 v1, v3;
	_ =	sdelay $0x1  }
0x91c: {  	s30 =	simm.s32 $0xDA00  }
0x91d: {  	[tilespmem:s30], [sflag:$0x2] =	stream.indirect_vreg.gather [hbm4b:s1+s16], $0x80, v4, vm0, $0xb8;
	[tilespmem:$0x19200] =	vst v63  }
0x91e: {  	s31 =	simm.s32 $0xE200  }
0x91f: {  	[tilespmem:s31], [sflag:$0x2] =	stream.indirect_vreg.gather [hbm4b:s1+s16], $0x80, v3, vm0, $0xb8;
	[tilespmem:$0x19200] =	vst v63  }
0x920: {  	v3 =	vld [tilespmem:$0x120];
	_ =	sdelay $0x4  }
0x921: {  	v53 =	vshll.u32 v3, $0x1  }
0x922: {  	v3 =	vand.u32 $0x7, v3;
	v4 =	vand.u32 $0xFFFFFFF0, v53  }
0x923: {  	v3 =	vor.u32 v3, v4  }
0x924: {  	v4 =	vperm.xlane v3, v0;
	_ =	sdelay $0x1  }
0x925: {  	v3 =	vperm.xlane v3, v2;
	v4 =	vadd.s32 v1, v4;
	_ =	sdelay $0x1  }
0x926: {  	v3 =	vadd.s32 v1, v3;
	_ =	sdelay $0x1  }
0x927: {  	s9 =	simm.s32 $0xEA00  }
0x928: {  	[tilespmem:s9], [sflag:$0x2] =	stream.indirect_vreg.gather [hbm4b:s1+s16], $0x80, v4, vm0, $0xb8;
	[tilespmem:$0x19200] =	vst v63  }
0x929: {  	_ = 	snop  }
0x92a: {  	[tilespmem:s10], [sflag:$0x2] =	stream.indirect_vreg.gather [hbm4b:s1+s16], $0x80, v3, vm0, $0xb8;
	[tilespmem:$0x19200] =	vst v63  }
0x92b: {  	v3 =	vld [tilespmem:$0x130];
	_ =	sdelay $0x4  }
0x92c: {  	v54 =	vshll.u32 v3, $0x1  }
0x92d: {  	v3 =	vand.u32 $0x7, v3;
	v4 =	vand.u32 $0xFFFFFFF0, v54  }
0x92e: {  	v3 =	vor.u32 v3, v4  }
0x92f: {  	v4 =	vperm.xlane v3, v0;
	_ =	sdelay $0x1  }
0x930: {  	v3 =	vperm.xlane v3, v2;
	v4 =	vadd.s32 v1, v4;
	_ =	sdelay $0x1  }
0x931: {  	v3 =	vadd.s32 v1, v3;
	_ =	sdelay $0x1  }
0x932: {  	s11 =	simm.s32 $0xFA00  }
0x933: {  	[tilespmem:s11], [sflag:$0x2] =	stream.indirect_vreg.gather [hbm4b:s1+s16], $0x80, v4, vm0, $0xb8;
	[tilespmem:$0x19200] =	vst v63  }
0x934: {  	s12 =	simm.s32 $0x10200  }
0x935: {  	[tilespmem:s12], [sflag:$0x2] =	stream.indirect_vreg.gather [hbm4b:s1+s16], $0x80, v3, vm0, $0xb8;
	[tilespmem:$0x19200] =	vst v63  }
0x936: {  	v3 =	vld [tilespmem:$0x140];
	_ =	sdelay $0x4  }
0x937: {  	v55 =	vshll.u32 v3, $0x1  }
0x938: {  	v3 =	vand.u32 $0x7, v3;
	v4 =	vand.u32 $0xFFFFFFF0, v55  }
0x939: {  	v3 =	vor.u32 v3, v4  }
0x93a: {  	v4 =	vperm.xlane v3, v0;
	_ =	sdelay $0x1  }
0x93b: {  	v3 =	vperm.xlane v3, v2;
	v4 =	vadd.s32 v1, v4;
	_ =	sdelay $0x1  }
0x93c: {  	v3 =	vadd.s32 v1, v3;
	_ =	sdelay $0x1  }
0x93d: {  	s13 =	simm.s32 $0x10A00  }
0x93e: {  	[tilespmem:s13], [sflag:$0x2] =	stream.indirect_vreg.gather [hbm4b:s1+s16], $0x80, v4, vm0, $0xb8;
	[tilespmem:$0x19200] =	vst v63  }
0x93f: {  	s14 =	simm.s32 $0x11200  }
0x940: {  	[tilespmem:s14], [sflag:$0x2] =	stream.indirect_vreg.gather [hbm4b:s1+s16], $0x80, v3, vm0, $0xb8;
	[tilespmem:$0x19200] =	vst v63  }
0x941: {  	v3 =	vld [tilespmem:$0x150];
	_ =	sdelay $0x4  }
0x942: {  	v56 =	vshll.u32 v3, $0x1  }
0x943: {  	v3 =	vand.u32 $0x7, v3;
	v4 =	vand.u32 $0xFFFFFFF0, v56  }
0x944: {  	v3 =	vor.u32 v3, v4  }
0x945: {  	v4 =	vperm.xlane v3, v0;
	_ =	sdelay $0x1  }
0x946: {  	v3 =	vperm.xlane v3, v2;
	v4 =	vadd.s32 v1, v4;
	_ =	sdelay $0x1  }
0x947: {  	v3 =	vadd.s32 v1, v3;
	_ =	sdelay $0x1  }
0x948: {  	s15 =	simm.s32 $0x11A00  }
0x949: {  	[tilespmem:s15], [sflag:$0x2] =	stream.indirect_vreg.gather [hbm4b:s1+s16], $0x80, v4, vm0, $0xb8;
	[tilespmem:$0x19200] =	vst v63  }
0x94a: {  	_ = 	snop  }
0x94b: {  	[tilespmem:s21], [sflag:$0x2] =	stream.indirect_vreg.gather [hbm4b:s1+s16], $0x80, v3, vm0, $0xb8;
	[tilespmem:$0x19200] =	vst v63  }
0x94c: {  	v3 =	vld [tilespmem:$0x160];
	_ =	sdelay $0x4  }
0x94d: {  	v57 =	vshll.u32 v3, $0x1  }
0x94e: {  	v3 =	vand.u32 $0x7, v3;
	v4 =	vand.u32 $0xFFFFFFF0, v57  }
0x94f: {  	v3 =	vor.u32 v3, v4  }
0x950: {  	v4 =	vperm.xlane v3, v0;
	_ =	sdelay $0x1  }
0x951: {  	v3 =	vperm.xlane v3, v2;
	v4 =	vadd.s32 v1, v4;
	_ =	sdelay $0x1  }
0x952: {  	v3 =	vadd.s32 v1, v3;
	_ =	sdelay $0x1  }
0x953: {  	s17 =	simm.s32 $0x12A00  }
0x954: {  	[tilespmem:s17], [sflag:$0x2] =	stream.indirect_vreg.gather [hbm4b:s1+s16], $0x80, v4, vm0, $0xb8;
	[tilespmem:$0x19200] =	vst v63  }
0x955: {  	s18 =	simm.s32 $0x13200  }
0x956: {  	[tilespmem:s18], [sflag:$0x2] =	stream.indirect_vreg.gather [hbm4b:s1+s16], $0x80, v3, vm0, $0xb8;
	[tilespmem:$0x19200] =	vst v63  }
0x957: {  	v3 =	vld [tilespmem:$0x170];
	_ =	sdelay $0x4  }
0x958: {  	v58 =	vshll.u32 v3, $0x1  }
0x959: {  	v3 =	vand.u32 $0x7, v3;
	v4 =	vand.u32 $0xFFFFFFF0, v58  }
0x95a: {  	v3 =	vor.u32 v3, v4  }
0x95b: {  	v4 =	vperm.xlane v3, v0;
	_ =	sdelay $0x1  }
0x95c: {  	v3 =	vperm.xlane v3, v2;
	v4 =	vadd.s32 v1, v4;
	_ =	sdelay $0x1  }
0x95d: {  	v3 =	vadd.s32 v1, v3;
	_ =	sdelay $0x1  }
0x95e: {  	s19 =	simm.s32 $0x13A00  }
0x95f: {  	[tilespmem:s19], [sflag:$0x2] =	stream.indirect_vreg.gather [hbm4b:s1+s16], $0x80, v4, vm0, $0xb8;
	[tilespmem:$0x19200] =	vst v63  }
0x960: {  	s20 =	simm.s32 $0x14200  }
0x961: {  	[tilespmem:s20], [sflag:$0x2] =	stream.indirect_vreg.gather [hbm4b:s1+s16], $0x80, v3, vm0, $0xb8;
	[tilespmem:$0x19200] =	vst v63  }
0x962: {  	v3 =	vld [tilespmem:$0x180];
	_ =	sdelay $0x4  }
0x963: {  	v59 =	vshll.u32 v3, $0x1  }
0x964: {  	v3 =	vand.u32 $0x7, v3;
	v4 =	vand.u32 $0xFFFFFFF0, v59  }
0x965: {  	v3 =	vor.u32 v3, v4  }
0x966: {  	v4 =	vperm.xlane v3, v0;
	_ =	sdelay $0x1  }
0x967: {  	v3 =	vperm.xlane v3, v2;
	v4 =	vadd.s32 v1, v4;
	_ =	sdelay $0x1  }
0x968: {  	v3 =	vadd.s32 v1, v3;
	_ =	sdelay $0x1  }
0x969: {  	s21 =	simm.s32 $0x14A00  }
0x96a: {  	[tilespmem:s21], [sflag:$0x2] =	stream.indirect_vreg.gather [hbm4b:s1+s16], $0x80, v4, vm0, $0xb8;
	[tilespmem:$0x19200] =	vst v63  }
0x96b: {  	s22 =	simm.s32 $0x15200  }
0x96c: {  	[tilespmem:s22], [sflag:$0x2] =	stream.indirect_vreg.gather [hbm4b:s1+s16], $0x80, v3, vm0, $0xb8;
	[tilespmem:$0x19200] =	vst v63  }
0x96d: {  	v3 =	vld [tilespmem:$0x190];
	_ =	sdelay $0x4  }
0x96e: {  	v60 =	vshll.u32 v3, $0x1  }
0x96f: {  	v3 =	vand.u32 $0x7, v3;
	v4 =	vand.u32 $0xFFFFFFF0, v60  }
0x970: {  	v3 =	vor.u32 v3, v4  }
0x971: {  	v4 =	vperm.xlane v3, v0;
	_ =	sdelay $0x1  }
0x972: {  	v3 =	vperm.xlane v3, v2;
	v4 =	vadd.s32 v1, v4;
	_ =	sdelay $0x1  }
0x973: {  	v3 =	vadd.s32 v1, v3;
	_ =	sdelay $0x1  }
0x974: {  	s23 =	simm.s32 $0x15A00  }
0x975: {  	[tilespmem:s23], [sflag:$0x2] =	stream.indirect_vreg.gather [hbm4b:s1+s16], $0x80, v4, vm0, $0xb8;
	[tilespmem:$0x19200] =	vst v63  }
0x976: {  	s24 =	simm.s32 $0x16200  }
0x977: {  	[tilespmem:s24], [sflag:$0x2] =	stream.indirect_vreg.gather [hbm4b:s1+s16], $0x80, v3, vm0, $0xb8;
	[tilespmem:$0x19200] =	vst v63  }
0x978: {  	v3 =	vld [tilespmem:$0x1A0];
	_ =	sdelay $0x4  }
0x979: {  	v61 =	vshll.u32 v3, $0x1  }
0x97a: {  	v3 =	vand.u32 $0x7, v3;
	v4 =	vand.u32 $0xFFFFFFF0, v61  }
0x97b: {  	v3 =	vor.u32 v3, v4  }
0x97c: {  	v4 =	vperm.xlane v3, v0;
	_ =	sdelay $0x1  }
0x97d: {  	v3 =	vperm.xlane v3, v2;
	v4 =	vadd.s32 v1, v4;
	_ =	sdelay $0x1  }
0x97e: {  	v3 =	vadd.s32 v1, v3;
	_ =	sdelay $0x1  }
0x97f: {  	s25 =	simm.s32 $0x16A00  }
0x980: {  	[tilespmem:s25], [sflag:$0x2] =	stream.indirect_vreg.gather [hbm4b:s1+s16], $0x80, v4, vm0, $0xb8;
	[tilespmem:$0x19200] =	vst v63  }
0x981: {  	s26 =	simm.s32 $0x17200  }
0x982: {  	[tilespmem:s26], [sflag:$0x2] =	stream.indirect_vreg.gather [hbm4b:s1+s16], $0x80, v3, vm0, $0xb8;
	[tilespmem:$0x19200] =	vst v63  }
0x983: {  	v3 =	vld [tilespmem:$0x1B0];
	_ =	sdelay $0x4  }
0x984: {  	v62 =	vshll.u32 v3, $0x1  }
0x985: {  	v3 =	vand.u32 $0x7, v3;
	v4 =	vand.u32 $0xFFFFFFF0, v62  }
0x986: {  	v3 =	vor.u32 v3, v4  }
0x987: {  	v4 =	vperm.xlane v3, v0;
	_ =	sdelay $0x1  }
0x988: {  	v3 =	vperm.xlane v3, v2;
	v4 =	vadd.s32 v1, v4;
	_ =	sdelay $0x1  }
0x989: {  	v3 =	vadd.s32 v1, v3;
	_ =	sdelay $0x1  }
0x98a: {  	s28 =	simm.s32 $0x17A00  }
0x98b: {  	[tilespmem:s28], [sflag:$0x2] =	stream.indirect_vreg.gather [hbm4b:s1+s16], $0x80, v4, vm0, $0xb8;
	[tilespmem:$0x19200] =	vst v63  }
0x98c: {  	s29 =	simm.s32 $0x18200  }
0x98d: {  	[tilespmem:s29], [sflag:$0x2] =	stream.indirect_vreg.gather [hbm4b:s1+s16], $0x80, v3, vm0, $0xb8;
	[tilespmem:$0x19200] =	vst v63  }
0x98e: {  	v3 =	vld.msk [tilespmem:$0x1C0], $0xff;
	_ =	sdelay $0x4  }
0x98f: {  	v63 =	vshll.u32 v3, $0x1  }
0x990: {  	v3 =	vand.u32 $0x7, v3;
	v4 =	vand.u32 $0xFFFFFFF0, v63  }
0x991: {  	v3 =	vor.u32 v3, v4  }
0x992: {  	v3 =	vperm.xlane v3, v0;
	_ =	sdelay $0x1  }
0x993: {  	v3 =	vadd.s32 v1, v3;
	_ =	sdelay $0x3  }
0x994: {  	s30 =	simm.s32 $0x18A00  }
0x995: {  	[tilespmem:s30], [sflag:$0x2] =	stream.indirect_vreg.gather [hbm4b:s1+s16], $0x80, v3, vm0, $0xb8;
	[tilespmem:$0x19200] =	vst v63  }
0x996: {  	_ =	swait.ge [sflag:s6], $0xC800  }
0x997: {  	s31 =	sld [smem:$0x7FD]  }
0x998: {  	[sflag:s6] =	ssyncset.done $0x0  }
.Ltmp3:
0x999: {  	[sflag:s6] =	ssyncadd.s32 $0xFFFF3800;
	(pc) =	sbr.rel .LBB2_3-.Ltmp3, $4  }
0x99a: {  	[hbm4b:s31+s16] =	stream.linear.scatter [tilespmem:s2], [sflag:$0x4], $0xC800, $0x38;
	[tilespmem:$0x19200] =	vst v63  }
0x99b: {  	_ =	swait.ge [sflag:s7], $0xC800  }
0x99c: {  	[sflag:s7] =	ssyncset.done $0x0  }
0x99d: {  	[sflag:s7] =	ssyncadd.s32 $0xFFFF3800  }
.LBB2_4:
0x99e: {  	_ =	sfence.sel $0x180000  }
0x99f: {  	[bflag:$0x0] =	sbarrier.arrive $0xFFFF  }
0x9a0: {  	_ =	strace $0x90000047  }
0x9a1: {  	s0 =	stileid.u32;
	[bflag:$0x2] =	sbarrier.arrive $0xFFFF  }
0x9a2: {  	p0 =	sne.s32 s0, $0x0;
	s0 =	rddreg [dreg:$0x2]  }
0x9a3: {  	s0 =	sadd.s32 @!p0 $0x100000, s0  }
0x9a4: {  	[sflag:s0] =	ssyncadd.tile.s32 @!p0 $0x1;
	_ =	shalt  }
.Lfunc_end2:
_tile_overlayer_lowered:
.L_overlay_start_2:
0x9a5: {  	(tag) =	ssettag $0x2  }
0x9a6: {  	s0 =	rddreg [dreg:$0x0];
	s2 =	stileid.u32  }
0x9a7: {  	s1 =	rddreg [dreg:$0x1];
	p0 =	sne.s32 s2, $0x0  }
0x9a8: {  	s3 =	rddreg [dreg:$0x2];
	[bflag:$0x3] =	sbarrier.arrive $0xFFFF;
	s2 =	simm.s32 @!p0 $0x1C05  }
0x9a9: {  	[timem:s3], [sflag:s2] =	dma.local @!p0 [hbm:s0], s1  }
0x9aa: {  	s0 =	simm.s32 @!p0 $0x5  }
0x9ab: {  	_ =	swait.ge @!p0 [sflag:s0], s1  }
0x9ac: {  	s1 =	ssub.s32 @!p0 $0x0, s1;
	[sflag:s0] =	ssyncset.done @!p0 $0x0  }
0x9ad: {  	[sflag:s0] =	ssyncadd.s32 @!p0 s1  }
0x9ae: {  	[bflag:$0x3] =	sbarrier.arrive $0xFFFF  }
0x9af: {  	_ =	shalt  }

</sc_bundles>
